<compile_context>
chip_gen: v7x
topology: tpu7x:2x2x1
jax: 0.10.2.dev20260603
libtpu: 0.0.44.dev20260713+nightly
codegen_flags: <defaults>
</compile_context>

<pallas_src>
import functools

import jax
import jax.numpy as jnp
from jax import lax
from jax.experimental import pallas as pl
from jax.experimental.pallas import tpu as pltpu
from jax.experimental.pallas import tpu_sc as plsc

_B = 8
_N = 4096
_SKP = 256
_K1 = 32
_K2 = 8
_SP = 64
_SCALE = 1.5
_NC = 2
_L = 16



def _fps_sc_build(n_points, n_samples, with_aux):
    mesh = plsc.VectorSubcoreMesh(core_axis_name="c", subcore_axis_name="s")
    out_type = [jax.ShapeDtypeStruct((3 * _B, n_samples), jnp.float32)]
    if with_aux:
        out_type.append(jax.ShapeDtypeStruct((_B, n_samples), jnp.float32))
    scratch = [
        pltpu.VMEM((n_points,), jnp.float32),
        pltpu.VMEM((n_points,), jnp.float32),
        pltpu.VMEM((n_points,), jnp.float32),
        pltpu.VMEM((n_points,), jnp.float32),
        pltpu.VMEM((n_samples,), jnp.float32),
        pltpu.VMEM((n_samples,), jnp.float32),
        pltpu.VMEM((n_samples,), jnp.float32),
    ]
    if with_aux:
        scratch.append(pltpu.VMEM((n_points,), jnp.float32))
        scratch.append(pltpu.VMEM((n_samples,), jnp.float32))

    def body(*refs):
        if with_aux:
            (planes, aux_h, out_h, aux_out_h,
             x_v, y_v, z_v, dist_v, cx_v, cy_v, cz_v, a_v, ao_v) = refs
        else:
            (planes, out_h,
             x_v, y_v, z_v, dist_v, cx_v, cy_v, cz_v) = refs
        wid = lax.axis_index("s") * _NC + lax.axis_index("c")

        @pl.when(wid < _B)
        def _():
            b = wid
            pltpu.sync_copy(planes.at[3 * b + 0], x_v)
            pltpu.sync_copy(planes.at[3 * b + 1], y_v)
            pltpu.sync_copy(planes.at[3 * b + 2], z_v)
            if with_aux:
                pltpu.sync_copy(aux_h.at[b], a_v)
            lane = lax.iota(jnp.int32, _L)
            mask0 = lane == 0
            nchunks = n_points // _L

            def init_body(j, carry):
                dist_v[pl.ds(j * _L, _L)] = jnp.full((_L,), 1e10, jnp.float32)
                return carry

            lax.fori_loop(0, nchunks, init_body, 0)

            def put(i, src):
                iv = jnp.full((_L,), i, jnp.int32)
                sv = jnp.full((_L,), src, jnp.int32)
                plsc.store_scatter(cx_v, [iv], plsc.load_gather(x_v, [sv]),
                                   mask=mask0)
                plsc.store_scatter(cy_v, [iv], plsc.load_gather(y_v, [sv]),
                                   mask=mask0)
                plsc.store_scatter(cz_v, [iv], plsc.load_gather(z_v, [sv]),
                                   mask=mask0)
                if with_aux:
                    plsc.store_scatter(ao_v, [iv], plsc.load_gather(a_v, [sv]),
                                       mask=mask0)

            put(jnp.int32(0), jnp.int32(0))

            def step(i, last):
                lv = jnp.full((_L,), last, jnp.int32)
                xl = plsc.load_gather(x_v, [lv])
                yl = plsc.load_gather(y_v, [lv])
                zl = plsc.load_gather(z_v, [lv])

                def chunk(j, carry):
                    bval, bidx = carry
                    off = j * _L
                    dx = x_v[pl.ds(off, _L)] - xl
                    dy = y_v[pl.ds(off, _L)] - yl
                    dz = z_v[pl.ds(off, _L)] - zl
                    d = dx * dx + dy * dy
                    d = d + dz * dz
                    dm = jnp.minimum(dist_v[pl.ds(off, _L)], d)
                    dist_v[pl.ds(off, _L)] = dm
                    upd = dm > bval
                    return (jnp.where(upd, dm, bval),
                            jnp.where(upd, lane + off, bidx))

                bval, bidx = lax.fori_loop(
                    0, nchunks, chunk,
                    (jnp.full((_L,), -1.0, jnp.float32),
                     jnp.zeros((_L,), jnp.int32)), unroll=8)
                gmax = jnp.max(bval)
                nxt = jnp.min(jnp.where(bval == gmax, bidx,
                                        jnp.int32(n_points)))
                put(i, nxt)
                return nxt

            lax.fori_loop(1, n_samples, step, jnp.int32(0))
            pltpu.sync_copy(cx_v, out_h.at[3 * b + 0])
            pltpu.sync_copy(cy_v, out_h.at[3 * b + 1])
            pltpu.sync_copy(cz_v, out_h.at[3 * b + 2])
            if with_aux:
                pltpu.sync_copy(ao_v, aux_out_h.at[b])

    return functools.partial(
        pl.kernel, mesh=mesh, out_type=tuple(out_type) if with_aux
        else out_type[0], scratch_types=scratch,
        compiler_params=pltpu.CompilerParams(needs_layout_passes=False))(body)


def _fps_sc(xyz, n_samples, aux=None):
    n_points = xyz.shape[1]
    planes = jnp.transpose(xyz, (0, 2, 1)).reshape(3 * _B, n_points)
    if aux is None:
        out = _fps_sc_build(n_points, n_samples, False)(planes)
        outs = (out,)
    else:
        outs = _fps_sc_build(n_points, n_samples, True)(planes, aux)
    samp = outs[0].reshape(_B, 3, n_samples).transpose(0, 2, 1)
    if aux is None:
        return samp
    return samp, outs[1]



def _skel_compute(pts_ref, pT_ref, c_ref, d2_ref, nbr_ref, *, k, n):
    px = pT_ref[0, 0:1, :]
    py = pT_ref[0, 1:2, :]
    pz = pT_ref[0, 2:3, :]
    cen = c_ref[0]
    cx = cen[:, 0:1]
    cy = cen[:, 1:2]
    cz = cen[:, 2:3]
    dx = cx - px
    dy = cy - py
    dz = cz - pz
    d2 = dx * dx + dy * dy
    d2 = d2 + dz * dz
    mb = d2.shape[0]
    d2_ref[...] = d2
    iota = lax.broadcasted_iota(jnp.int32, (mb, n), 1)
    zero = jnp.float32(0.0)

    def select_pass(j, nsum):
        d2c = d2_ref[...]
        mval = jnp.min(d2c, axis=1, keepdims=True)
        idx = jnp.min(jnp.where(d2c == mval, iota, jnp.int32(n)),
                      axis=1, keepdims=True)
        oh = iota == idx
        d2_ref[...] = jnp.where(oh, jnp.float32(jnp.inf), d2c)
        nx = jnp.sum(jnp.where(oh, px, zero), axis=1, keepdims=True)
        ny = jnp.sum(jnp.where(oh, py, zero), axis=1, keepdims=True)
        nz = jnp.sum(jnp.where(oh, pz, zero), axis=1, keepdims=True)
        nbr = jnp.concatenate([nx, ny, nz], axis=1)
        nbr_ref[j] = nbr
        return nsum + nbr

    nsum = lax.fori_loop(0, k, select_pass, jnp.zeros((mb, 3), jnp.float32))
    newc = nsum / jnp.float32(k)

    def rad_pass(j, rsum):
        e = nbr_ref[j] - newc
        dd = e[:, 0:1] * e[:, 0:1] + e[:, 1:2] * e[:, 1:2]
        dd = dd + e[:, 2:3] * e[:, 2:3]
        return rsum + jnp.sqrt(dd + 1e-12)

    rad = lax.fori_loop(0, k, rad_pass,
                        jnp.zeros((mb, 1), jnp.float32)) / jnp.float32(k)
    return newc, rad


def _skel_body(pts_ref, pT_ref, c_ref, oc_ref, or_ref, d2_ref, nbr_ref,
               *, k, n):
    newc, rad = _skel_compute(pts_ref, pT_ref, c_ref, d2_ref, nbr_ref,
                              k=k, n=n)
    oc_ref[0] = newc
    or_ref[0] = rad


def _skel_tc(points, points_tp, centers, k, mb):
    b, n, _ = points.shape
    m = centers.shape[1]
    grid = (b, m // mb)
    return pl.pallas_call(
        functools.partial(_skel_body, k=k, n=n),
        grid=grid,
        in_specs=[
            pl.BlockSpec((1, n, 3), lambda i, j: (i, 0, 0)),
            pl.BlockSpec((1, 8, n), lambda i, j: (i, 0, 0)),
            pl.BlockSpec((1, mb, 3), lambda i, j: (i, j, 0)),
        ],
        out_specs=[
            pl.BlockSpec((1, mb, 3), lambda i, j: (i, j, 0)),
            pl.BlockSpec((1, mb, 1), lambda i, j: (i, j, 0)),
        ],
        out_shape=[
            jax.ShapeDtypeStruct((b, m, 3), jnp.float32),
            jax.ShapeDtypeStruct((b, m, 1), jnp.float32),
        ],
        scratch_shapes=[
            pltpu.VMEM((mb, n), jnp.float32),
            pltpu.VMEM((k, mb, 3), jnp.float32),
        ],
    )(points, points_tp, centers)


def _skel_final_body(pts_ref, pT_ref, c_ref, rg_ref, u_ref,
                     oc_ref, or_ref, os_ref, d2_ref, nbr_ref, *, k, n):
    newc, rad = _skel_compute(pts_ref, pT_ref, c_ref, d2_ref, nbr_ref,
                              k=k, n=n)
    oc_ref[0] = newc
    radf = (rg_ref[0] + rad) * jnp.float32(_SCALE)
    or_ref[0] = radf
    cexp = jnp.concatenate([newc] * _SP, axis=1)
    uexp = u_ref[0:1, :]
    os_ref[0] = cexp + radf * uexp


def _fibonacci_sphere(npts):
    i = jnp.arange(npts, dtype=jnp.float32)
    golden = jnp.pi * (3.0 - jnp.sqrt(5.0))
    y = 1.0 - 2.0 * (i + 0.5) / npts
    r = jnp.sqrt(jnp.clip(1.0 - y * y, 0.0, 1.0))
    theta = golden * i
    return jnp.stack([r * jnp.cos(theta), y, r * jnp.sin(theta)], axis=-1)


def _skel_final_tc(points, points_tp, centers, rgath, k, mb):
    b, n, _ = points.shape
    m = centers.shape[1]
    grid = (b, m // mb)
    uflat = jnp.tile(_fibonacci_sphere(_SP).reshape(1, 3 * _SP), (8, 1))
    return pl.pallas_call(
        functools.partial(_skel_final_body, k=k, n=n),
        grid=grid,
        in_specs=[
            pl.BlockSpec((1, n, 3), lambda i, j: (i, 0, 0)),
            pl.BlockSpec((1, 8, n), lambda i, j: (i, 0, 0)),
            pl.BlockSpec((1, mb, 3), lambda i, j: (i, j, 0)),
            pl.BlockSpec((1, mb, 1), lambda i, j: (i, j, 0)),
            pl.BlockSpec((8, 3 * _SP), lambda i, j: (0, 0)),
        ],
        out_specs=[
            pl.BlockSpec((1, mb, 3), lambda i, j: (i, j, 0)),
            pl.BlockSpec((1, mb, 1), lambda i, j: (i, j, 0)),
            pl.BlockSpec((1, mb, 3 * _SP), lambda i, j: (i, j, 0)),
        ],
        out_shape=[
            jax.ShapeDtypeStruct((b, m, 3), jnp.float32),
            jax.ShapeDtypeStruct((b, m, 1), jnp.float32),
            jax.ShapeDtypeStruct((b, m, 3 * _SP), jnp.float32),
        ],
        scratch_shapes=[
            pltpu.VMEM((mb, n), jnp.float32),
            pltpu.VMEM((k, mb, 3), jnp.float32),
        ],
    )(points, points_tp, centers, rgath, uflat)


def _pad_tp(points):
    tp = jnp.transpose(points, (0, 2, 1))
    return jnp.pad(tp, ((0, 0), (0, 5), (0, 0)))



def kernel(xyz):
    c1 = _fps_sc(xyz, _SKP * 4)
    xyz_tp = _pad_tp(xyz)
    nc1, _ = _skel_tc(xyz, xyz_tp, c1, _K1, 256)
    xyz2, rad1 = _skel_tc(xyz, xyz_tp, nc1, _K1, 256)
    c2, rg = _fps_sc(xyz2, _SKP, aux=rad1.reshape(_B, -1))
    xyz2_tp = _pad_tp(xyz2)
    nc2, _ = _skel_tc(xyz2, xyz2_tp, c2, _K2, 256)
    centers, radius, sflat = _skel_final_tc(
        xyz2, xyz2_tp, nc2, rg.reshape(_B, _SKP, 1), _K2, 256)
    sphere = sflat.reshape(_B, _SKP, _SP, 3)
    return centers, sphere, radius

# --- scband reference (transcript-rebuilt; emitter-appended) ---
"""Pipeline reference for scband-skeleton-net-28484223107634 (READ-ONLY COPY).

The authoritative reference and input builder live on the scoring server;
editing this copy changes nothing except your own understanding.
"""

import jax, jax.numpy as jnp
import numpy as np
from jax import lax

SKP_NUM = 256
ISK_NUM = 2
POINT_NUM = 4096
SKP_NEIGHBOR = 32
SKP_NEIGHBOR_2ND = int(SKP_NEIGHBOR * SKP_NUM * 4 / POINT_NUM)  # 8
SPHERE_POINTS = 64
RADIUS_SCALING = 1.5
BATCH = 8


def furthest_point_sample(points, n_samples):
    # points: [B, N, 3] -> ids: int32[B, n_samples]
    def single(pts):
        N = pts.shape[0]
        def body(i, carry):
            dist, last, ids = carry
            d = jnp.sum((pts - pts[last]) ** 2, axis=-1)
            dist = jnp.minimum(dist, d)
            nxt = jnp.argmax(dist).astype(jnp.int32)
            ids = ids.at[i].set(nxt)
            return (dist, nxt, ids)
        ids0 = jnp.zeros((n_samples,), dtype=jnp.int32)
        dist0 = jnp.full((N,), 1e10, dtype=pts.dtype)
        _, _, ids = lax.fori_loop(1, n_samples, body, (dist0, jnp.int32(0), ids0))
        return ids
    return jax.vmap(single)(points)


def gather_features(feat, index):
    # feat: [B, N, C], index: [B, M] -> [B, M, C]  (gather_dim=1, channel_dim=-1)
    return jax.vmap(lambda f, i: f[i])(feat, index)


def skeletonization_block(centers, points, k):
    # kNN local contraction: move each center to the mean of its k nearest points;
    # radius = mean distance from new center to those neighbors.
    d2 = jnp.sum((centers[:, :, None, :] - points[:, None, :, :]) ** 2, axis=-1)  # [B,M,N]
    _, idx = lax.top_k(-lax.stop_gradient(d2), k)  # [B,M,k]
    neighbors = jax.vmap(lambda p, i: p[i])(points, idx)  # [B,M,k,3]
    new_centers = neighbors.mean(axis=2)
    radius = jnp.sqrt(jnp.sum((neighbors - new_centers[:, :, None, :]) ** 2, axis=-1) + 1e-12).mean(axis=-1, keepdims=True)  # [B,M,1]
    return new_centers, radius


def fibonacci_sphere(n):
    i = jnp.arange(n, dtype=jnp.float32)
    golden = jnp.pi * (3.0 - jnp.sqrt(5.0))
    y = 1.0 - 2.0 * (i + 0.5) / n
    r = jnp.sqrt(jnp.clip(1.0 - y * y, 0.0, 1.0))
    theta = golden * i
    return jnp.stack([r * jnp.cos(theta), y, r * jnp.sin(theta)], axis=-1)  # [n,3]


def get_batch_sphere_points(centers, radius, n_points):
    unit = fibonacci_sphere(n_points)  # [P,3]
    return centers[:, :, None, :] + radius[..., None] * unit[None, None, :, :]  # [B,M,P,3]


def setup_inputs(seed: int = 0) -> dict:
    key = jax.random.key(seed)
    xyz = jax.random.normal(key, (BATCH, POINT_NUM, 3), dtype=jnp.float32)
    return {"xyz": xyz}


def reference(xyz):
    # Stage 1: FPS to skp_num*4, then isk_num skeletonization iterations
    sample_ids = furthest_point_sample(lax.stop_gradient(xyz), SKP_NUM * 4)
    centers = gather_features(xyz, sample_ids)
    radius = None
    for _ in range(ISK_NUM):
        centers, radius = skeletonization_block(centers, xyz, SKP_NEIGHBOR)
    xyz2 = centers
    # Stage 2: FPS to skp_num on contracted cloud
    sample_ids = furthest_point_sample(lax.stop_gradient(xyz2), SKP_NUM)
    centers = gather_features(xyz2, sample_ids)
    radius = gather_features(radius, sample_ids)
    _radius = None
    for _ in range(ISK_NUM):
        centers, _radius = skeletonization_block(centers, xyz2, SKP_NEIGHBOR_2ND)
    radius = (radius + _radius) * RADIUS_SCALING
    sphere_points = get_batch_sphere_points(centers, radius, SPHERE_POINTS)
    # res = {'recon_skeleton': centers, 'recon_sphere': sphere_points, 'radius': radius}
    return centers, sphere_points, radius

if __name__ == "__main__":
    import jax
    _d = setup_inputs()
    print(jax.jit(kernel)(*tuple(_d.values())))

</pallas_src>

<mosaic_0001>
#map = affine_map<(d0, d1) -> (0, 0)>
module attributes {stable_mosaic.version = 14 : i64} {
  func.func @body(%arg0: i32, %arg1: i32, %arg2: memref<24x4096xf32, #tpu.memory_space<hbm>>, %arg3: memref<24x1024xf32, #tpu.memory_space<hbm>>, %arg4: memref<4096xf32, #tpu.memory_space<vmem>>, %arg5: memref<4096xf32, #tpu.memory_space<vmem>>, %arg6: memref<4096xf32, #tpu.memory_space<vmem>>, %arg7: memref<4096xf32, #tpu.memory_space<vmem>>, %arg8: memref<1024xf32, #tpu.memory_space<vmem>>, %arg9: memref<1024xf32, #tpu.memory_space<vmem>>, %arg10: memref<1024xf32, #tpu.memory_space<vmem>>) attributes {dimension_semantics = [#tpu.dimension_semantics<core_parallel>, #tpu.dimension_semantics<subcore_parallel>], iteration_bounds = array<i64: 2, 16>, scalar_prefetch = 0 : i64, scratch_operands = 7 : i64, tpu.core_type = #tpu.core_type<sc_vector_subcore>, window_params = [{transform_indices = #map}, {transform_indices = #map}]} {
    %mul3A = arith.constant 2 : i32
    %mul3A_0 = arith.muli %arg1, %mul3A : i32
    %add3A = arith.addi %mul3A_0, %arg0 : i32
    %lt3A = arith.constant 8 : i32
    %lt3A_1 = arith.cmpi slt, %add3A, %lt3A : i32
    %convert_element_type3A = arith.extui %lt3A_1 : i1 to i32
    %cond3A = arith.constant 0 : i32
    %cond3A_2 = arith.cmpi ne, %convert_element_type3A, %cond3A : i32
    scf.if %cond3A_2 {
      %mul3A_3 = arith.constant 3 : i32
      %mul3A_4 = arith.muli %mul3A_3, %add3A : i32
      %add3A_5 = arith.constant 0 : i32
      %add3A_6 = arith.addi %mul3A_4, %add3A_5 : i32
      "tpu.region"() ({
        %run_scoped3A = tpu.sem_alloc : memref<!tpu.dma_semaphore, #tpu.memory_space<semaphore_mem>>
        %dma_start3A = arith.constant 0 : i32
        %dma_start3A_46 = tpu.memref_slice %arg2[%add3A_6, %dma_start3A] : memref<24x4096xf32, #tpu.memory_space<hbm>> -> memref<1x4096xf32, #tpu.memory_space<hbm>>
        %dma_start3A_47 = tpu.memref_squeeze %dma_start3A_46 : memref<1x4096xf32, #tpu.memory_space<hbm>> -> memref<4096xf32, #tpu.memory_space<hbm>>
        %dma_start3A_48 = arith.constant 0 : i32
        %dma_start3A_49 = tpu.memref_slice %arg2[%add3A_6, %dma_start3A_48] : memref<24x4096xf32, #tpu.memory_space<hbm>> -> memref<1x4096xf32, #tpu.memory_space<hbm>>
        %dma_start3A_50 = tpu.memref_squeeze %dma_start3A_49 : memref<1x4096xf32, #tpu.memory_space<hbm>> -> memref<4096xf32, #tpu.memory_space<hbm>>
        tpu.enqueue_dma source(%dma_start3A_50 : memref<4096xf32, #tpu.memory_space<hbm>>) target(%arg4 : memref<4096xf32, #tpu.memory_space<vmem>>) target_semaphore(%run_scoped3A : memref<!tpu.dma_semaphore, #tpu.memory_space<semaphore_mem>>)
        %dma_wait3A = arith.constant 0 : i32
        %dma_wait3A_51 = tpu.memref_slice %arg2[%add3A_6, %dma_wait3A] : memref<24x4096xf32, #tpu.memory_space<hbm>> -> memref<1x4096xf32, #tpu.memory_space<hbm>>
        %dma_wait3A_52 = tpu.memref_squeeze %dma_wait3A_51 : memref<1x4096xf32, #tpu.memory_space<hbm>> -> memref<4096xf32, #tpu.memory_space<hbm>>
        %dma_wait3A_53 = arith.constant 0 : i32
        %dma_wait3A_54 = tpu.memref_slice %arg2[%add3A_6, %dma_wait3A_53] : memref<24x4096xf32, #tpu.memory_space<hbm>> -> memref<1x4096xf32, #tpu.memory_space<hbm>>
        %dma_wait3A_55 = tpu.memref_squeeze %dma_wait3A_54 : memref<1x4096xf32, #tpu.memory_space<hbm>> -> memref<4096xf32, #tpu.memory_space<hbm>>
        tpu.wait_dma2 semaphore(%run_scoped3A : memref<!tpu.dma_semaphore, #tpu.memory_space<semaphore_mem>>) src(%dma_wait3A_55 : memref<4096xf32, #tpu.memory_space<hbm>>) dst(%arg4 : memref<4096xf32, #tpu.memory_space<vmem>>)
        tpu.yield
      }) : () -> ()
      %mul3A_7 = arith.constant 3 : i32
      %mul3A_8 = arith.muli %mul3A_7, %add3A : i32
      %add3A_9 = arith.constant 1 : i32
      %add3A_10 = arith.addi %mul3A_8, %add3A_9 : i32
      "tpu.region"() ({
        %run_scoped3A = tpu.sem_alloc : memref<!tpu.dma_semaphore, #tpu.memory_space<semaphore_mem>>
        %dma_start3A = arith.constant 0 : i32
        %dma_start3A_46 = tpu.memref_slice %arg2[%add3A_10, %dma_start3A] : memref<24x4096xf32, #tpu.memory_space<hbm>> -> memref<1x4096xf32, #tpu.memory_space<hbm>>
        %dma_start3A_47 = tpu.memref_squeeze %dma_start3A_46 : memref<1x4096xf32, #tpu.memory_space<hbm>> -> memref<4096xf32, #tpu.memory_space<hbm>>
        %dma_start3A_48 = arith.constant 0 : i32
        %dma_start3A_49 = tpu.memref_slice %arg2[%add3A_10, %dma_start3A_48] : memref<24x4096xf32, #tpu.memory_space<hbm>> -> memref<1x4096xf32, #tpu.memory_space<hbm>>
        %dma_start3A_50 = tpu.memref_squeeze %dma_start3A_49 : memref<1x4096xf32, #tpu.memory_space<hbm>> -> memref<4096xf32, #tpu.memory_space<hbm>>
        tpu.enqueue_dma source(%dma_start3A_50 : memref<4096xf32, #tpu.memory_space<hbm>>) target(%arg5 : memref<4096xf32, #tpu.memory_space<vmem>>) target_semaphore(%run_scoped3A : memref<!tpu.dma_semaphore, #tpu.memory_space<semaphore_mem>>)
        %dma_wait3A = arith.constant 0 : i32
        %dma_wait3A_51 = tpu.memref_slice %arg2[%add3A_10, %dma_wait3A] : memref<24x4096xf32, #tpu.memory_space<hbm>> -> memref<1x4096xf32, #tpu.memory_space<hbm>>
        %dma_wait3A_52 = tpu.memref_squeeze %dma_wait3A_51 : memref<1x4096xf32, #tpu.memory_space<hbm>> -> memref<4096xf32, #tpu.memory_space<hbm>>
        %dma_wait3A_53 = arith.constant 0 : i32
        %dma_wait3A_54 = tpu.memref_slice %arg2[%add3A_10, %dma_wait3A_53] : memref<24x4096xf32, #tpu.memory_space<hbm>> -> memref<1x4096xf32, #tpu.memory_space<hbm>>
        %dma_wait3A_55 = tpu.memref_squeeze %dma_wait3A_54 : memref<1x4096xf32, #tpu.memory_space<hbm>> -> memref<4096xf32, #tpu.memory_space<hbm>>
        tpu.wait_dma2 semaphore(%run_scoped3A : memref<!tpu.dma_semaphore, #tpu.memory_space<semaphore_mem>>) src(%dma_wait3A_55 : memref<4096xf32, #tpu.memory_space<hbm>>) dst(%arg5 : memref<4096xf32, #tpu.memory_space<vmem>>)
        tpu.yield
      }) : () -> ()
      %mul3A_11 = arith.constant 3 : i32
      %mul3A_12 = arith.muli %mul3A_11, %add3A : i32
      %add3A_13 = arith.constant 2 : i32
      %add3A_14 = arith.addi %mul3A_12, %add3A_13 : i32
      "tpu.region"() ({
        %run_scoped3A = tpu.sem_alloc : memref<!tpu.dma_semaphore, #tpu.memory_space<semaphore_mem>>
        %dma_start3A = arith.constant 0 : i32
        %dma_start3A_46 = tpu.memref_slice %arg2[%add3A_14, %dma_start3A] : memref<24x4096xf32, #tpu.memory_space<hbm>> -> memref<1x4096xf32, #tpu.memory_space<hbm>>
        %dma_start3A_47 = tpu.memref_squeeze %dma_start3A_46 : memref<1x4096xf32, #tpu.memory_space<hbm>> -> memref<4096xf32, #tpu.memory_space<hbm>>
        %dma_start3A_48 = arith.constant 0 : i32
        %dma_start3A_49 = tpu.memref_slice %arg2[%add3A_14, %dma_start3A_48] : memref<24x4096xf32, #tpu.memory_space<hbm>> -> memref<1x4096xf32, #tpu.memory_space<hbm>>
        %dma_start3A_50 = tpu.memref_squeeze %dma_start3A_49 : memref<1x4096xf32, #tpu.memory_space<hbm>> -> memref<4096xf32, #tpu.memory_space<hbm>>
        tpu.enqueue_dma source(%dma_start3A_50 : memref<4096xf32, #tpu.memory_space<hbm>>) target(%arg6 : memref<4096xf32, #tpu.memory_space<vmem>>) target_semaphore(%run_scoped3A : memref<!tpu.dma_semaphore, #tpu.memory_space<semaphore_mem>>)
        %dma_wait3A = arith.constant 0 : i32
        %dma_wait3A_51 = tpu.memref_slice %arg2[%add3A_14, %dma_wait3A] : memref<24x4096xf32, #tpu.memory_space<hbm>> -> memref<1x4096xf32, #tpu.memory_space<hbm>>
        %dma_wait3A_52 = tpu.memref_squeeze %dma_wait3A_51 : memref<1x4096xf32, #tpu.memory_space<hbm>> -> memref<4096xf32, #tpu.memory_space<hbm>>
        %dma_wait3A_53 = arith.constant 0 : i32
        %dma_wait3A_54 = tpu.memref_slice %arg2[%add3A_14, %dma_wait3A_53] : memref<24x4096xf32, #tpu.memory_space<hbm>> -> memref<1x4096xf32, #tpu.memory_space<hbm>>
        %dma_wait3A_55 = tpu.memref_squeeze %dma_wait3A_54 : memref<1x4096xf32, #tpu.memory_space<hbm>> -> memref<4096xf32, #tpu.memory_space<hbm>>
        tpu.wait_dma2 semaphore(%run_scoped3A : memref<!tpu.dma_semaphore, #tpu.memory_space<semaphore_mem>>) src(%dma_wait3A_55 : memref<4096xf32, #tpu.memory_space<hbm>>) dst(%arg6 : memref<4096xf32, #tpu.memory_space<vmem>>)
        tpu.yield
      }) : () -> ()
      %iota3A = tpu.iota {dimensions = array<i32: 0>} : vector<16xi32>
      %eq3A = arith.constant 0 : i32
      %eq3A_15 = vector.broadcast %eq3A : i32 to vector<16xi32>
      %eq3A_16 = arith.cmpi eq, %iota3A, %eq3A_15 : vector<16xi32>
      %scan3A = arith.constant 0 : i32
      %scan3A_17 = arith.constant 0 : i32
      %scan3A_18 = arith.constant 256 : i32
      %scan3A_19 = arith.addi %scan3A_17, %scan3A_18 : i32
      %scan3A_20 = arith.constant 1 : i32
      scf.for %scan3A_46 = %scan3A_17 to %scan3A_19 step %scan3A_20  : i32 {
        %broadcast_in_dim3A_47 = arith.constant 1.000000e+10 : f32
        %broadcast_in_dim3A_48 = vector.broadcast %broadcast_in_dim3A_47 : f32 to vector<16xf32>
        %mul3A_49 = arith.constant 16 : i32
        %mul3A_50 = arith.muli %scan3A_46, %mul3A_49 : i32
        %swap3A = arith.index_cast %mul3A_50 : i32 to index
        %swap3A_51 = tpu.vector_load %arg7[%swap3A] {strides = array<i32>} : memref<4096xf32, #tpu.memory_space<vmem>>, vector<16xf32>,
        tpu.vector_store %arg7[%swap3A], %broadcast_in_dim3A_48 {strides = array<i32>} : memref<4096xf32, #tpu.memory_space<vmem>>, vector<16xf32>,
      }
      %scan3A_21 = arith.constant 256 : i32
      %broadcast_in_dim3A = arith.constant 0 : i32
      %broadcast_in_dim3A_22 = vector.broadcast %broadcast_in_dim3A : i32 to vector<16xi32>
      %broadcast_in_dim3A_23 = arith.constant 0 : i32
      %broadcast_in_dim3A_24 = vector.broadcast %broadcast_in_dim3A_23 : i32 to vector<16xi32>
      %gather3A = tpu.vector_load_idx %arg4[%broadcast_in_dim3A_24] : memref<4096xf32, #tpu.memory_space<vmem>>[vector<16xi32>], vector<16xf32>,
      tpu.vector_store_idx %arg8[%broadcast_in_dim3A_22], %gather3A masked %eq3A_16 : memref<1024xf32, #tpu.memory_space<vmem>>[vector<16xi32>], vector<16xf32>, vector<16xi1>
      %gather3A_25 = tpu.vector_load_idx %arg5[%broadcast_in_dim3A_24] : memref<4096xf32, #tpu.memory_space<vmem>>[vector<16xi32>], vector<16xf32>,
      tpu.vector_store_idx %arg9[%broadcast_in_dim3A_22], %gather3A_25 masked %eq3A_16 : memref<1024xf32, #tpu.memory_space<vmem>>[vector<16xi32>], vector<16xf32>, vector<16xi1>
      %gather3A_26 = tpu.vector_load_idx %arg6[%broadcast_in_dim3A_24] : memref<4096xf32, #tpu.memory_space<vmem>>[vector<16xi32>], vector<16xf32>,
      tpu.vector_store_idx %arg10[%broadcast_in_dim3A_22], %gather3A_26 masked %eq3A_16 : memref<1024xf32, #tpu.memory_space<vmem>>[vector<16xi32>], vector<16xf32>, vector<16xi1>
      %scan3A_27 = arith.constant 0 : i32
      %scan3A_28 = arith.constant 1 : i32
      %scan3A_29 = arith.constant 1023 : i32
      %scan3A_30 = arith.addi %scan3A_28, %scan3A_29 : i32
      %scan3A_31 = arith.constant 1 : i32
      %scan3A_32 = scf.for %scan3A_46 = %scan3A_28 to %scan3A_30 step %scan3A_31 iter_args(%scan3A_47 = %scan3A_27) -> (i32)  : i32 {
        %broadcast_in_dim3A_48 = vector.broadcast %scan3A_47 : i32 to vector<16xi32>
        %gather3A_49 = tpu.vector_load_idx %arg4[%broadcast_in_dim3A_48] : memref<4096xf32, #tpu.memory_space<vmem>>[vector<16xi32>], vector<16xf32>,
        %gather3A_50 = tpu.vector_load_idx %arg5[%broadcast_in_dim3A_48] : memref<4096xf32, #tpu.memory_space<vmem>>[vector<16xi32>], vector<16xf32>,
        %gather3A_51 = tpu.vector_load_idx %arg6[%broadcast_in_dim3A_48] : memref<4096xf32, #tpu.memory_space<vmem>>[vector<16xi32>], vector<16xf32>,
        %broadcast_in_dim3A_52 = arith.constant -1.000000e+00 : f32
        %broadcast_in_dim3A_53 = vector.broadcast %broadcast_in_dim3A_52 : f32 to vector<16xf32>
        %broadcast_in_dim3A_54 = arith.constant 0 : i32
        %broadcast_in_dim3A_55 = vector.broadcast %broadcast_in_dim3A_54 : i32 to vector<16xi32>
        %scan3A_56 = arith.constant 0 : i32
        %scan3A_57 = arith.constant 256 : i32
        %scan3A_58 = arith.addi %scan3A_56, %scan3A_57 : i32
        %scan3A_59 = arith.constant 8 : i32
        %scan3A_60:2 = scf.for %scan3A_80 = %scan3A_56 to %scan3A_58 step %scan3A_59 iter_args(%scan3A_81 = %broadcast_in_dim3A_53, %scan3A_82 = %broadcast_in_dim3A_55) -> (vector<16xf32>, vector<16xi32>)  : i32 {
          %mul3A_83 = arith.constant 16 : i32
          %mul3A_84 = arith.muli %scan3A_80, %mul3A_83 : i32
          %get3A = arith.index_cast %mul3A_84 : i32 to index
          %get3A_85 = tpu.vector_load %arg4[%get3A] {strides = array<i32>} : memref<4096xf32, #tpu.memory_space<vmem>>, vector<16xf32>,
          %sub3A = arith.subf %get3A_85, %gather3A_49 : vector<16xf32>
          %get3A_86 = arith.index_cast %mul3A_84 : i32 to index
          %get3A_87 = tpu.vector_load %arg5[%get3A_86] {strides = array<i32>} : memref<4096xf32, #tpu.memory_space<vmem>>, vector<16xf32>,
          %sub3A_88 = arith.subf %get3A_87, %gather3A_50 : vector<16xf32>
          %get3A_89 = arith.index_cast %mul3A_84 : i32 to index
          %get3A_90 = tpu.vector_load %arg6[%get3A_89] {strides = array<i32>} : memref<4096xf32, #tpu.memory_space<vmem>>, vector<16xf32>,
          %sub3A_91 = arith.subf %get3A_90, %gather3A_51 : vector<16xf32>
          %mul3A_92 = arith.mulf %sub3A, %sub3A : vector<16xf32>
          %mul3A_93 = arith.mulf %sub3A_88, %sub3A_88 : vector<16xf32>
          %add3A_94 = arith.addf %mul3A_92, %mul3A_93 : vector<16xf32>
          %mul3A_95 = arith.mulf %sub3A_91, %sub3A_91 : vector<16xf32>
          %add3A_96 = arith.addf %add3A_94, %mul3A_95 : vector<16xf32>
          %get3A_97 = arith.index_cast %mul3A_84 : i32 to index
          %get3A_98 = tpu.vector_load %arg7[%get3A_97] {strides = array<i32>} : memref<4096xf32, #tpu.memory_space<vmem>>, vector<16xf32>,
          %min3A = arith.minimumf %get3A_98, %add3A_96 : vector<16xf32>
          %swap3A = arith.index_cast %mul3A_84 : i32 to index
          %swap3A_99 = tpu.vector_load %arg7[%swap3A] {strides = array<i32>} : memref<4096xf32, #tpu.memory_space<vmem>>, vector<16xf32>,
          tpu.vector_store %arg7[%swap3A], %min3A {strides = array<i32>} : memref<4096xf32, #tpu.memory_space<vmem>>, vector<16xf32>,
          %gt3A = arith.cmpf ogt, %min3A, %scan3A_81 : vector<16xf32>
          %select_n3A_100 = arith.select %gt3A, %min3A, %scan3A_81 : vector<16xi1>, vector<16xf32>
          %add3A_101 = vector.broadcast %mul3A_84 : i32 to vector<16xi32>
          %add3A_102 = arith.addi %iota3A, %add3A_101 : vector<16xi32>
          %select_n3A_103 = arith.select %gt3A, %add3A_102, %scan3A_82 : vector<16xi1>, vector<16xi32>
          %scan3A_104 = arith.constant 1 : i32
          %scan3A_105 = arith.addi %scan3A_80, %scan3A_104 : i32
          %mul3A_106 = arith.constant 16 : i32
          %mul3A_107 = arith.muli %scan3A_105, %mul3A_106 : i32
          %get3A_108 = arith.index_cast %mul3A_107 : i32 to index
          %get3A_109 = tpu.vector_load %arg4[%get3A_108] {strides = array<i32>} : memref<4096xf32, #tpu.memory_space<vmem>>, vector<16xf32>,
          %sub3A_110 = arith.subf %get3A_109, %gather3A_49 : vector<16xf32>
          %get3A_111 = arith.index_cast %mul3A_107 : i32 to index
          %get3A_112 = tpu.vector_load %arg5[%get3A_111] {strides = array<i32>} : memref<4096xf32, #tpu.memory_space<vmem>>, vector<16xf32>,
          %sub3A_113 = arith.subf %get3A_112, %gather3A_50 : vector<16xf32>
          %get3A_114 = arith.index_cast %mul3A_107 : i32 to index
          %get3A_115 = tpu.vector_load %arg6[%get3A_114] {strides = array<i32>} : memref<4096xf32, #tpu.memory_space<vmem>>, vector<16xf32>,
          %sub3A_116 = arith.subf %get3A_115, %gather3A_51 : vector<16xf32>
          %mul3A_117 = arith.mulf %sub3A_110, %sub3A_110 : vector<16xf32>
          %mul3A_118 = arith.mulf %sub3A_113, %sub3A_113 : vector<16xf32>
          %add3A_119 = arith.addf %mul3A_117, %mul3A_118 : vector<16xf32>
          %mul3A_120 = arith.mulf %sub3A_116, %sub3A_116 : vector<16xf32>
          %add3A_121 = arith.addf %add3A_119, %mul3A_120 : vector<16xf32>
          %get3A_122 = arith.index_cast %mul3A_107 : i32 to index
          %get3A_123 = tpu.vector_load %arg7[%get3A_122] {strides = array<i32>} : memref<4096xf32, #tpu.memory_space<vmem>>, vector<16xf32>,
          %min3A_124 = arith.minimumf %get3A_123, %add3A_121 : vector<16xf32>
          %swap3A_125 = arith.index_cast %mul3A_107 : i32 to index
          %swap3A_126 = tpu.vector_load %arg7[%swap3A_125] {strides = array<i32>} : memref<4096xf32, #tpu.memory_space<vmem>>, vector<16xf32>,
          tpu.vector_store %arg7[%swap3A_125], %min3A_124 {strides = array<i32>} : memref<4096xf32, #tpu.memory_space<vmem>>, vector<16xf32>,
          %gt3A_127 = arith.cmpf ogt, %min3A_124, %select_n3A_100 : vector<16xf32>
          %select_n3A_128 = arith.select %gt3A_127, %min3A_124, %select_n3A_100 : vector<16xi1>, vector<16xf32>
          %add3A_129 = vector.broadcast %mul3A_107 : i32 to vector<16xi32>
          %add3A_130 = arith.addi %iota3A, %add3A_129 : vector<16xi32>
          %select_n3A_131 = arith.select %gt3A_127, %add3A_130, %select_n3A_103 : vector<16xi1>, vector<16xi32>
          %scan3A_132 = arith.constant 2 : i32
          %scan3A_133 = arith.addi %scan3A_80, %scan3A_132 : i32
          %mul3A_134 = arith.constant 16 : i32
          %mul3A_135 = arith.muli %scan3A_133, %mul3A_134 : i32
          %get3A_136 = arith.index_cast %mul3A_135 : i32 to index
          %get3A_137 = tpu.vector_load %arg4[%get3A_136] {strides = array<i32>} : memref<4096xf32, #tpu.memory_space<vmem>>, vector<16xf32>,
          %sub3A_138 = arith.subf %get3A_137, %gather3A_49 : vector<16xf32>
          %get3A_139 = arith.index_cast %mul3A_135 : i32 to index
          %get3A_140 = tpu.vector_load %arg5[%get3A_139] {strides = array<i32>} : memref<4096xf32, #tpu.memory_space<vmem>>, vector<16xf32>,
          %sub3A_141 = arith.subf %get3A_140, %gather3A_50 : vector<16xf32>
          %get3A_142 = arith.index_cast %mul3A_135 : i32 to index
          %get3A_143 = tpu.vector_load %arg6[%get3A_142] {strides = array<i32>} : memref<4096xf32, #tpu.memory_space<vmem>>, vector<16xf32>,
          %sub3A_144 = arith.subf %get3A_143, %gather3A_51 : vector<16xf32>
          %mul3A_145 = arith.mulf %sub3A_138, %sub3A_138 : vector<16xf32>
          %mul3A_146 = arith.mulf %sub3A_141, %sub3A_141 : vector<16xf32>
          %add3A_147 = arith.addf %mul3A_145, %mul3A_146 : vector<16xf32>
          %mul3A_148 = arith.mulf %sub3A_144, %sub3A_144 : vector<16xf32>
          %add3A_149 = arith.addf %add3A_147, %mul3A_148 : vector<16xf32>
          %get3A_150 = arith.index_cast %mul3A_135 : i32 to index
          %get3A_151 = tpu.vector_load %arg7[%get3A_150] {strides = array<i32>} : memref<4096xf32, #tpu.memory_space<vmem>>, vector<16xf32>,
          %min3A_152 = arith.minimumf %get3A_151, %add3A_149 : vector<16xf32>
          %swap3A_153 = arith.index_cast %mul3A_135 : i32 to index
          %swap3A_154 = tpu.vector_load %arg7[%swap3A_153] {strides = array<i32>} : memref<4096xf32, #tpu.memory_space<vmem>>, vector<16xf32>,
          tpu.vector_store %arg7[%swap3A_153], %min3A_152 {strides = array<i32>} : memref<4096xf32, #tpu.memory_space<vmem>>, vector<16xf32>,
          %gt3A_155 = arith.cmpf ogt, %min3A_152, %select_n3A_128 : vector<16xf32>
          %select_n3A_156 = arith.select %gt3A_155, %min3A_152, %select_n3A_128 : vector<16xi1>, vector<16xf32>
          %add3A_157 = vector.broadcast %mul3A_135 : i32 to vector<16xi32>
          %add3A_158 = arith.addi %iota3A, %add3A_157 : vector<16xi32>
          %select_n3A_159 = arith.select %gt3A_155, %add3A_158, %select_n3A_131 : vector<16xi1>, vector<16xi32>
          %scan3A_160 = arith.constant 3 : i32
          %scan3A_161 = arith.addi %scan3A_80, %scan3A_160 : i32
          %mul3A_162 = arith.constant 16 : i32
          %mul3A_163 = arith.muli %scan3A_161, %mul3A_162 : i32
          %get3A_164 = arith.index_cast %mul3A_163 : i32 to index
          %get3A_165 = tpu.vector_load %arg4[%get3A_164] {strides = array<i32>} : memref<4096xf32, #tpu.memory_space<vmem>>, vector<16xf32>,
          %sub3A_166 = arith.subf %get3A_165, %gather3A_49 : vector<16xf32>
          %get3A_167 = arith.index_cast %mul3A_163 : i32 to index
          %get3A_168 = tpu.vector_load %arg5[%get3A_167] {strides = array<i32>} : memref<4096xf32, #tpu.memory_space<vmem>>, vector<16xf32>,
          %sub3A_169 = arith.subf %get3A_168, %gather3A_50 : vector<16xf32>
          %get3A_170 = arith.index_cast %mul3A_163 : i32 to index
          %get3A_171 = tpu.vector_load %arg6[%get3A_170] {strides = array<i32>} : memref<4096xf32, #tpu.memory_space<vmem>>, vector<16xf32>,
          %sub3A_172 = arith.subf %get3A_171, %gather3A_51 : vector<16xf32>
          %mul3A_173 = arith.mulf %sub3A_166, %sub3A_166 : vector<16xf32>
          %mul3A_174 = arith.mulf %sub3A_169, %sub3A_169 : vector<16xf32>
          %add3A_175 = arith.addf %mul3A_173, %mul3A_174 : vector<16xf32>
          %mul3A_176 = arith.mulf %sub3A_172, %sub3A_172 : vector<16xf32>
          %add3A_177 = arith.addf %add3A_175, %mul3A_176 : vector<16xf32>
          %get3A_178 = arith.index_cast %mul3A_163 : i32 to index
          %get3A_179 = tpu.vector_load %arg7[%get3A_178] {strides = array<i32>} : memref<4096xf32, #tpu.memory_space<vmem>>, vector<16xf32>,
          %min3A_180 = arith.minimumf %get3A_179, %add3A_177 : vector<16xf32>
          %swap3A_181 = arith.index_cast %mul3A_163 : i32 to index
          %swap3A_182 = tpu.vector_load %arg7[%swap3A_181] {strides = array<i32>} : memref<4096xf32, #tpu.memory_space<vmem>>, vector<16xf32>,
          tpu.vector_store %arg7[%swap3A_181], %min3A_180 {strides = array<i32>} : memref<4096xf32, #tpu.memory_space<vmem>>, vector<16xf32>,
          %gt3A_183 = arith.cmpf ogt, %min3A_180, %select_n3A_156 : vector<16xf32>
          %select_n3A_184 = arith.select %gt3A_183, %min3A_180, %select_n3A_156 : vector<16xi1>, vector<16xf32>
          %add3A_185 = vector.broadcast %mul3A_163 : i32 to vector<16xi32>
          %add3A_186 = arith.addi %iota3A, %add3A_185 : vector<16xi32>
          %select_n3A_187 = arith.select %gt3A_183, %add3A_186, %select_n3A_159 : vector<16xi1>, vector<16xi32>
          %scan3A_188 = arith.constant 4 : i32
          %scan3A_189 = arith.addi %scan3A_80, %scan3A_188 : i32
          %mul3A_190 = arith.constant 16 : i32
          %mul3A_191 = arith.muli %scan3A_189, %mul3A_190 : i32
          %get3A_192 = arith.index_cast %mul3A_191 : i32 to index
          %get3A_193 = tpu.vector_load %arg4[%get3A_192] {strides = array<i32>} : memref<4096xf32, #tpu.memory_space<vmem>>, vector<16xf32>,
          %sub3A_194 = arith.subf %get3A_193, %gather3A_49 : vector<16xf32>
          %get3A_195 = arith.index_cast %mul3A_191 : i32 to index
          %get3A_196 = tpu.vector_load %arg5[%get3A_195] {strides = array<i32>} : memref<4096xf32, #tpu.memory_space<vmem>>, vector<16xf32>,
          %sub3A_197 = arith.subf %get3A_196, %gather3A_50 : vector<16xf32>
          %get3A_198 = arith.index_cast %mul3A_191 : i32 to index
          %get3A_199 = tpu.vector_load %arg6[%get3A_198] {strides = array<i32>} : memref<4096xf32, #tpu.memory_space<vmem>>, vector<16xf32>,
          %sub3A_200 = arith.subf %get3A_199, %gather3A_51 : vector<16xf32>
          %mul3A_201 = arith.mulf %sub3A_194, %sub3A_194 : vector<16xf32>
          %mul3A_202 = arith.mulf %sub3A_197, %sub3A_197 : vector<16xf32>
          %add3A_203 = arith.addf %mul3A_201, %mul3A_202 : vector<16xf32>
          %mul3A_204 = arith.mulf %sub3A_200, %sub3A_200 : vector<16xf32>
          %add3A_205 = arith.addf %add3A_203, %mul3A_204 : vector<16xf32>
          %get3A_206 = arith.index_cast %mul3A_191 : i32 to index
          %get3A_207 = tpu.vector_load %arg7[%get3A_206] {strides = array<i32>} : memref<4096xf32, #tpu.memory_space<vmem>>, vector<16xf32>,
          %min3A_208 = arith.minimumf %get3A_207, %add3A_205 : vector<16xf32>
          %swap3A_209 = arith.index_cast %mul3A_191 : i32 to index
          %swap3A_210 = tpu.vector_load %arg7[%swap3A_209] {strides = array<i32>} : memref<4096xf32, #tpu.memory_space<vmem>>, vector<16xf32>,
          tpu.vector_store %arg7[%swap3A_209], %min3A_208 {strides = array<i32>} : memref<4096xf32, #tpu.memory_space<vmem>>, vector<16xf32>,
          %gt3A_211 = arith.cmpf ogt, %min3A_208, %select_n3A_184 : vector<16xf32>
          %select_n3A_212 = arith.select %gt3A_211, %min3A_208, %select_n3A_184 : vector<16xi1>, vector<16xf32>
          %add3A_213 = vector.broadcast %mul3A_191 : i32 to vector<16xi32>
          %add3A_214 = arith.addi %iota3A, %add3A_213 : vector<16xi32>
          %select_n3A_215 = arith.select %gt3A_211, %add3A_214, %select_n3A_187 : vector<16xi1>, vector<16xi32>
          %scan3A_216 = arith.constant 5 : i32
          %scan3A_217 = arith.addi %scan3A_80, %scan3A_216 : i32
          %mul3A_218 = arith.constant 16 : i32
          %mul3A_219 = arith.muli %scan3A_217, %mul3A_218 : i32
          %get3A_220 = arith.index_cast %mul3A_219 : i32 to index
          %get3A_221 = tpu.vector_load %arg4[%get3A_220] {strides = array<i32>} : memref<4096xf32, #tpu.memory_space<vmem>>, vector<16xf32>,
          %sub3A_222 = arith.subf %get3A_221, %gather3A_49 : vector<16xf32>
          %get3A_223 = arith.index_cast %mul3A_219 : i32 to index
          %get3A_224 = tpu.vector_load %arg5[%get3A_223] {strides = array<i32>} : memref<4096xf32, #tpu.memory_space<vmem>>, vector<16xf32>,
          %sub3A_225 = arith.subf %get3A_224, %gather3A_50 : vector<16xf32>
          %get3A_226 = arith.index_cast %mul3A_219 : i32 to index
          %get3A_227 = tpu.vector_load %arg6[%get3A_226] {strides = array<i32>} : memref<4096xf32, #tpu.memory_space<vmem>>, vector<16xf32>,
          %sub3A_228 = arith.subf %get3A_227, %gather3A_51 : vector<16xf32>
          %mul3A_229 = arith.mulf %sub3A_222, %sub3A_222 : vector<16xf32>
          %mul3A_230 = arith.mulf %sub3A_225, %sub3A_225 : vector<16xf32>
          %add3A_231 = arith.addf %mul3A_229, %mul3A_230 : vector<16xf32>
          %mul3A_232 = arith.mulf %sub3A_228, %sub3A_228 : vector<16xf32>
          %add3A_233 = arith.addf %add3A_231, %mul3A_232 : vector<16xf32>
          %get3A_234 = arith.index_cast %mul3A_219 : i32 to index
          %get3A_235 = tpu.vector_load %arg7[%get3A_234] {strides = array<i32>} : memref<4096xf32, #tpu.memory_space<vmem>>, vector<16xf32>,
          %min3A_236 = arith.minimumf %get3A_235, %add3A_233 : vector<16xf32>
          %swap3A_237 = arith.index_cast %mul3A_219 : i32 to index
          %swap3A_238 = tpu.vector_load %arg7[%swap3A_237] {strides = array<i32>} : memref<4096xf32, #tpu.memory_space<vmem>>, vector<16xf32>,
          tpu.vector_store %arg7[%swap3A_237], %min3A_236 {strides = array<i32>} : memref<4096xf32, #tpu.memory_space<vmem>>, vector<16xf32>,
          %gt3A_239 = arith.cmpf ogt, %min3A_236, %select_n3A_212 : vector<16xf32>
          %select_n3A_240 = arith.select %gt3A_239, %min3A_236, %select_n3A_212 : vector<16xi1>, vector<16xf32>
          %add3A_241 = vector.broadcast %mul3A_219 : i32 to vector<16xi32>
          %add3A_242 = arith.addi %iota3A, %add3A_241 : vector<16xi32>
          %select_n3A_243 = arith.select %gt3A_239, %add3A_242, %select_n3A_215 : vector<16xi1>, vector<16xi32>
          %scan3A_244 = arith.constant 6 : i32
          %scan3A_245 = arith.addi %scan3A_80, %scan3A_244 : i32
          %mul3A_246 = arith.constant 16 : i32
          %mul3A_247 = arith.muli %scan3A_245, %mul3A_246 : i32
          %get3A_248 = arith.index_cast %mul3A_247 : i32 to index
          %get3A_249 = tpu.vector_load %arg4[%get3A_248] {strides = array<i32>} : memref<4096xf32, #tpu.memory_space<vmem>>, vector<16xf32>,
          %sub3A_250 = arith.subf %get3A_249, %gather3A_49 : vector<16xf32>
          %get3A_251 = arith.index_cast %mul3A_247 : i32 to index
          %get3A_252 = tpu.vector_load %arg5[%get3A_251] {strides = array<i32>} : memref<4096xf32, #tpu.memory_space<vmem>>, vector<16xf32>,
          %sub3A_253 = arith.subf %get3A_252, %gather3A_50 : vector<16xf32>
          %get3A_254 = arith.index_cast %mul3A_247 : i32 to index
          %get3A_255 = tpu.vector_load %arg6[%get3A_254] {strides = array<i32>} : memref<4096xf32, #tpu.memory_space<vmem>>, vector<16xf32>,
          %sub3A_256 = arith.subf %get3A_255, %gather3A_51 : vector<16xf32>
          %mul3A_257 = arith.mulf %sub3A_250, %sub3A_250 : vector<16xf32>
          %mul3A_258 = arith.mulf %sub3A_253, %sub3A_253 : vector<16xf32>
          %add3A_259 = arith.addf %mul3A_257, %mul3A_258 : vector<16xf32>
          %mul3A_260 = arith.mulf %sub3A_256, %sub3A_256 : vector<16xf32>
          %add3A_261 = arith.addf %add3A_259, %mul3A_260 : vector<16xf32>
          %get3A_262 = arith.index_cast %mul3A_247 : i32 to index
          %get3A_263 = tpu.vector_load %arg7[%get3A_262] {strides = array<i32>} : memref<4096xf32, #tpu.memory_space<vmem>>, vector<16xf32>,
          %min3A_264 = arith.minimumf %get3A_263, %add3A_261 : vector<16xf32>
          %swap3A_265 = arith.index_cast %mul3A_247 : i32 to index
          %swap3A_266 = tpu.vector_load %arg7[%swap3A_265] {strides = array<i32>} : memref<4096xf32, #tpu.memory_space<vmem>>, vector<16xf32>,
          tpu.vector_store %arg7[%swap3A_265], %min3A_264 {strides = array<i32>} : memref<4096xf32, #tpu.memory_space<vmem>>, vector<16xf32>,
          %gt3A_267 = arith.cmpf ogt, %min3A_264, %select_n3A_240 : vector<16xf32>
          %select_n3A_268 = arith.select %gt3A_267, %min3A_264, %select_n3A_240 : vector<16xi1>, vector<16xf32>
          %add3A_269 = vector.broadcast %mul3A_247 : i32 to vector<16xi32>
          %add3A_270 = arith.addi %iota3A, %add3A_269 : vector<16xi32>
          %select_n3A_271 = arith.select %gt3A_267, %add3A_270, %select_n3A_243 : vector<16xi1>, vector<16xi32>
          %scan3A_272 = arith.constant 7 : i32
          %scan3A_273 = arith.addi %scan3A_80, %scan3A_272 : i32
          %mul3A_274 = arith.constant 16 : i32
          %mul3A_275 = arith.muli %scan3A_273, %mul3A_274 : i32
          %get3A_276 = arith.index_cast %mul3A_275 : i32 to index
          %get3A_277 = tpu.vector_load %arg4[%get3A_276] {strides = array<i32>} : memref<4096xf32, #tpu.memory_space<vmem>>, vector<16xf32>,
          %sub3A_278 = arith.subf %get3A_277, %gather3A_49 : vector<16xf32>
          %get3A_279 = arith.index_cast %mul3A_275 : i32 to index
          %get3A_280 = tpu.vector_load %arg5[%get3A_279] {strides = array<i32>} : memref<4096xf32, #tpu.memory_space<vmem>>, vector<16xf32>,
          %sub3A_281 = arith.subf %get3A_280, %gather3A_50 : vector<16xf32>
          %get3A_282 = arith.index_cast %mul3A_275 : i32 to index
          %get3A_283 = tpu.vector_load %arg6[%get3A_282] {strides = array<i32>} : memref<4096xf32, #tpu.memory_space<vmem>>, vector<16xf32>,
          %sub3A_284 = arith.subf %get3A_283, %gather3A_51 : vector<16xf32>
          %mul3A_285 = arith.mulf %sub3A_278, %sub3A_278 : vector<16xf32>
          %mul3A_286 = arith.mulf %sub3A_281, %sub3A_281 : vector<16xf32>
          %add3A_287 = arith.addf %mul3A_285, %mul3A_286 : vector<16xf32>
          %mul3A_288 = arith.mulf %sub3A_284, %sub3A_284 : vector<16xf32>
          %add3A_289 = arith.addf %add3A_287, %mul3A_288 : vector<16xf32>
          %get3A_290 = arith.index_cast %mul3A_275 : i32 to index
          %get3A_291 = tpu.vector_load %arg7[%get3A_290] {strides = array<i32>} : memref<4096xf32, #tpu.memory_space<vmem>>, vector<16xf32>,
          %min3A_292 = arith.minimumf %get3A_291, %add3A_289 : vector<16xf32>
          %swap3A_293 = arith.index_cast %mul3A_275 : i32 to index
          %swap3A_294 = tpu.vector_load %arg7[%swap3A_293] {strides = array<i32>} : memref<4096xf32, #tpu.memory_space<vmem>>, vector<16xf32>,
          tpu.vector_store %arg7[%swap3A_293], %min3A_292 {strides = array<i32>} : memref<4096xf32, #tpu.memory_space<vmem>>, vector<16xf32>,
          %gt3A_295 = arith.cmpf ogt, %min3A_292, %select_n3A_268 : vector<16xf32>
          %select_n3A_296 = arith.select %gt3A_295, %min3A_292, %select_n3A_268 : vector<16xi1>, vector<16xf32>
          %add3A_297 = vector.broadcast %mul3A_275 : i32 to vector<16xi32>
          %add3A_298 = arith.addi %iota3A, %add3A_297 : vector<16xi32>
          %select_n3A_299 = arith.select %gt3A_295, %add3A_298, %select_n3A_271 : vector<16xi1>, vector<16xi32>
          scf.yield %select_n3A_296, %select_n3A_299 : vector<16xf32>, vector<16xi32>
        }
        %scan3A_61 = arith.constant 256 : i32
        %reduce_max3A = arith.constant true
        %reduce_max3A_62 = vector.broadcast %reduce_max3A : i1 to vector<16xi1>
        %reduce_max3A_63 = tpu.scan <max>, %scan3A_60#0 masked %reduce_max3A_62 : vector<16xf32>, vector<16xi1> -> vector<16xf32>
        %reduce_max3A_64 = vector.extract %reduce_max3A_63[15] : f32 from vector<16xf32>
        %eq3A_65 = vector.broadcast %reduce_max3A_64 : f32 to vector<16xf32>
        %eq3A_66 = arith.cmpf oeq, %scan3A_60#0, %eq3A_65 : vector<16xf32>
        %jit3A = arith.constant 4096 : i32
        %broadcast_in_dim3A_67 = vector.broadcast %jit3A : i32 to vector<16xi32>
        %select_n3A = arith.select %eq3A_66, %scan3A_60#1, %broadcast_in_dim3A_67 : vector<16xi1>, vector<16xi32>
        %reduce_min3A = arith.constant true
        %reduce_min3A_68 = vector.broadcast %reduce_min3A : i1 to vector<16xi1>
        %reduce_min3A_69 = arith.constant -2147483648 : i32
        %reduce_min3A_70 = vector.broadcast %reduce_min3A_69 : i32 to vector<16xi32>
        %reduce_min3A_71 = arith.xori %select_n3A, %reduce_min3A_70 : vector<16xi32>
        %reduce_min3A_72 = tpu.scan <min>, %reduce_min3A_71 masked %reduce_min3A_68 : vector<16xi32>, vector<16xi1> -> vector<16xi32>
        %reduce_min3A_73 = arith.xori %reduce_min3A_72, %reduce_min3A_70 : vector<16xi32>
        %reduce_min3A_74 = vector.extract %reduce_min3A_73[15] : i32 from vector<16xi32>
        %broadcast_in_dim3A_75 = vector.broadcast %scan3A_46 : i32 to vector<16xi32>
        %broadcast_in_dim3A_76 = vector.broadcast %reduce_min3A_74 : i32 to vector<16xi32>
        %gather3A_77 = tpu.vector_load_idx %arg4[%broadcast_in_dim3A_76] : memref<4096xf32, #tpu.memory_space<vmem>>[vector<16xi32>], vector<16xf32>,
        tpu.vector_store_idx %arg8[%broadcast_in_dim3A_75], %gather3A_77 masked %eq3A_16 : memref<1024xf32, #tpu.memory_space<vmem>>[vector<16xi32>], vector<16xf32>, vector<16xi1>
        %gather3A_78 = tpu.vector_load_idx %arg5[%broadcast_in_dim3A_76] : memref<4096xf32, #tpu.memory_space<vmem>>[vector<16xi32>], vector<16xf32>,
        tpu.vector_store_idx %arg9[%broadcast_in_dim3A_75], %gather3A_78 masked %eq3A_16 : memref<1024xf32, #tpu.memory_space<vmem>>[vector<16xi32>], vector<16xf32>, vector<16xi1>
        %gather3A_79 = tpu.vector_load_idx %arg6[%broadcast_in_dim3A_76] : memref<4096xf32, #tpu.memory_space<vmem>>[vector<16xi32>], vector<16xf32>,
        tpu.vector_store_idx %arg10[%broadcast_in_dim3A_75], %gather3A_79 masked %eq3A_16 : memref<1024xf32, #tpu.memory_space<vmem>>[vector<16xi32>], vector<16xf32>, vector<16xi1>
        scf.yield %reduce_min3A_74 : i32
      }
      %scan3A_33 = arith.constant 1023 : i32
      %mul3A_34 = arith.constant 3 : i32
      %mul3A_35 = arith.muli %mul3A_34, %add3A : i32
      %add3A_36 = arith.constant 0 : i32
      %add3A_37 = arith.addi %mul3A_35, %add3A_36 : i32
      "tpu.region"() ({
        %run_scoped3A = tpu.sem_alloc : memref<!tpu.dma_semaphore, #tpu.memory_space<semaphore_mem>>
        %dma_start3A = arith.constant 0 : i32
        %dma_start3A_46 = tpu.memref_slice %arg3[%add3A_37, %dma_start3A] : memref<24x1024xf32, #tpu.memory_space<hbm>> -> memref<1x1024xf32, #tpu.memory_space<hbm>>
        %dma_start3A_47 = tpu.memref_squeeze %dma_start3A_46 : memref<1x1024xf32, #tpu.memory_space<hbm>> -> memref<1024xf32, #tpu.memory_space<hbm>>
        %dma_start3A_48 = arith.constant 0 : i32
        %dma_start3A_49 = tpu.memref_slice %arg3[%add3A_37, %dma_start3A_48] : memref<24x1024xf32, #tpu.memory_space<hbm>> -> memref<1x1024xf32, #tpu.memory_space<hbm>>
        %dma_start3A_50 = tpu.memref_squeeze %dma_start3A_49 : memref<1x1024xf32, #tpu.memory_space<hbm>> -> memref<1024xf32, #tpu.memory_space<hbm>>
        tpu.enqueue_dma source(%arg8 : memref<1024xf32, #tpu.memory_space<vmem>>) target(%dma_start3A_50 : memref<1024xf32, #tpu.memory_space<hbm>>) target_semaphore(%run_scoped3A : memref<!tpu.dma_semaphore, #tpu.memory_space<semaphore_mem>>)
        %dma_wait3A = arith.constant 0 : i32
        %dma_wait3A_51 = tpu.memref_slice %arg3[%add3A_37, %dma_wait3A] : memref<24x1024xf32, #tpu.memory_space<hbm>> -> memref<1x1024xf32, #tpu.memory_space<hbm>>
        %dma_wait3A_52 = tpu.memref_squeeze %dma_wait3A_51 : memref<1x1024xf32, #tpu.memory_space<hbm>> -> memref<1024xf32, #tpu.memory_space<hbm>>
        %dma_wait3A_53 = arith.constant 0 : i32
        %dma_wait3A_54 = tpu.memref_slice %arg3[%add3A_37, %dma_wait3A_53] : memref<24x1024xf32, #tpu.memory_space<hbm>> -> memref<1x1024xf32, #tpu.memory_space<hbm>>
        %dma_wait3A_55 = tpu.memref_squeeze %dma_wait3A_54 : memref<1x1024xf32, #tpu.memory_space<hbm>> -> memref<1024xf32, #tpu.memory_space<hbm>>
        tpu.wait_dma2 semaphore(%run_scoped3A : memref<!tpu.dma_semaphore, #tpu.memory_space<semaphore_mem>>) src(%arg8 : memref<1024xf32, #tpu.memory_space<vmem>>) dst(%dma_wait3A_55 : memref<1024xf32, #tpu.memory_space<hbm>>)
        tpu.yield
      }) : () -> ()
      %mul3A_38 = arith.constant 3 : i32
      %mul3A_39 = arith.muli %mul3A_38, %add3A : i32
      %add3A_40 = arith.constant 1 : i32
      %add3A_41 = arith.addi %mul3A_39, %add3A_40 : i32
      "tpu.region"() ({
        %run_scoped3A = tpu.sem_alloc : memref<!tpu.dma_semaphore, #tpu.memory_space<semaphore_mem>>
        %dma_start3A = arith.constant 0 : i32
        %dma_start3A_46 = tpu.memref_slice %arg3[%add3A_41, %dma_start3A] : memref<24x1024xf32, #tpu.memory_space<hbm>> -> memref<1x1024xf32, #tpu.memory_space<hbm>>
        %dma_start3A_47 = tpu.memref_squeeze %dma_start3A_46 : memref<1x1024xf32, #tpu.memory_space<hbm>> -> memref<1024xf32, #tpu.memory_space<hbm>>
        %dma_start3A_48 = arith.constant 0 : i32
        %dma_start3A_49 = tpu.memref_slice %arg3[%add3A_41, %dma_start3A_48] : memref<24x1024xf32, #tpu.memory_space<hbm>> -> memref<1x1024xf32, #tpu.memory_space<hbm>>
        %dma_start3A_50 = tpu.memref_squeeze %dma_start3A_49 : memref<1x1024xf32, #tpu.memory_space<hbm>> -> memref<1024xf32, #tpu.memory_space<hbm>>
        tpu.enqueue_dma source(%arg9 : memref<1024xf32, #tpu.memory_space<vmem>>) target(%dma_start3A_50 : memref<1024xf32, #tpu.memory_space<hbm>>) target_semaphore(%run_scoped3A : memref<!tpu.dma_semaphore, #tpu.memory_space<semaphore_mem>>)
        %dma_wait3A = arith.constant 0 : i32
        %dma_wait3A_51 = tpu.memref_slice %arg3[%add3A_41, %dma_wait3A] : memref<24x1024xf32, #tpu.memory_space<hbm>> -> memref<1x1024xf32, #tpu.memory_space<hbm>>
        %dma_wait3A_52 = tpu.memref_squeeze %dma_wait3A_51 : memref<1x1024xf32, #tpu.memory_space<hbm>> -> memref<1024xf32, #tpu.memory_space<hbm>>
        %dma_wait3A_53 = arith.constant 0 : i32
        %dma_wait3A_54 = tpu.memref_slice %arg3[%add3A_41, %dma_wait3A_53] : memref<24x1024xf32, #tpu.memory_space<hbm>> -> memref<1x1024xf32, #tpu.memory_space<hbm>>
        %dma_wait3A_55 = tpu.memref_squeeze %dma_wait3A_54 : memref<1x1024xf32, #tpu.memory_space<hbm>> -> memref<1024xf32, #tpu.memory_space<hbm>>
        tpu.wait_dma2 semaphore(%run_scoped3A : memref<!tpu.dma_semaphore, #tpu.memory_space<semaphore_mem>>) src(%arg9 : memref<1024xf32, #tpu.memory_space<vmem>>) dst(%dma_wait3A_55 : memref<1024xf32, #tpu.memory_space<hbm>>)
        tpu.yield
      }) : () -> ()
      %mul3A_42 = arith.constant 3 : i32
      %mul3A_43 = arith.muli %mul3A_42, %add3A : i32
      %add3A_44 = arith.constant 2 : i32
      %add3A_45 = arith.addi %mul3A_43, %add3A_44 : i32
      "tpu.region"() ({
        %run_scoped3A = tpu.sem_alloc : memref<!tpu.dma_semaphore, #tpu.memory_space<semaphore_mem>>
        %dma_start3A = arith.constant 0 : i32
        %dma_start3A_46 = tpu.memref_slice %arg3[%add3A_45, %dma_start3A] : memref<24x1024xf32, #tpu.memory_space<hbm>> -> memref<1x1024xf32, #tpu.memory_space<hbm>>
        %dma_start3A_47 = tpu.memref_squeeze %dma_start3A_46 : memref<1x1024xf32, #tpu.memory_space<hbm>> -> memref<1024xf32, #tpu.memory_space<hbm>>
        %dma_start3A_48 = arith.constant 0 : i32
        %dma_start3A_49 = tpu.memref_slice %arg3[%add3A_45, %dma_start3A_48] : memref<24x1024xf32, #tpu.memory_space<hbm>> -> memref<1x1024xf32, #tpu.memory_space<hbm>>
        %dma_start3A_50 = tpu.memref_squeeze %dma_start3A_49 : memref<1x1024xf32, #tpu.memory_space<hbm>> -> memref<1024xf32, #tpu.memory_space<hbm>>
        tpu.enqueue_dma source(%arg10 : memref<1024xf32, #tpu.memory_space<vmem>>) target(%dma_start3A_50 : memref<1024xf32, #tpu.memory_space<hbm>>) target_semaphore(%run_scoped3A : memref<!tpu.dma_semaphore, #tpu.memory_space<semaphore_mem>>)
        %dma_wait3A = arith.constant 0 : i32
        %dma_wait3A_51 = tpu.memref_slice %arg3[%add3A_45, %dma_wait3A] : memref<24x1024xf32, #tpu.memory_space<hbm>> -> memref<1x1024xf32, #tpu.memory_space<hbm>>
        %dma_wait3A_52 = tpu.memref_squeeze %dma_wait3A_51 : memref<1x1024xf32, #tpu.memory_space<hbm>> -> memref<1024xf32, #tpu.memory_space<hbm>>
        %dma_wait3A_53 = arith.constant 0 : i32
        %dma_wait3A_54 = tpu.memref_slice %arg3[%add3A_45, %dma_wait3A_53] : memref<24x1024xf32, #tpu.memory_space<hbm>> -> memref<1x1024xf32, #tpu.memory_space<hbm>>
        %dma_wait3A_55 = tpu.memref_squeeze %dma_wait3A_54 : memref<1x1024xf32, #tpu.memory_space<hbm>> -> memref<1024xf32, #tpu.memory_space<hbm>>
        tpu.wait_dma2 semaphore(%run_scoped3A : memref<!tpu.dma_semaphore, #tpu.memory_space<semaphore_mem>>) src(%arg10 : memref<1024xf32, #tpu.memory_space<vmem>>) dst(%dma_wait3A_55 : memref<1024xf32, #tpu.memory_space<hbm>>)
        tpu.yield
      }) : () -> ()
    } else {
    }
    return
  }
}

#map = affine_map<(d0, d1) -> (0, 0)>
module attributes {stable_mosaic.version = 14 : i64} {
  func.func @body(%arg0: i32, %arg1: i32, %arg2: memref<24x1024xf32, #tpu.memory_space<hbm>>, %arg3: memref<8x1024xf32, #tpu.memory_space<hbm>>, %arg4: memref<24x256xf32, #tpu.memory_space<hbm>>, %arg5: memref<8x256xf32, #tpu.memory_space<hbm>>, %arg6: memref<1024xf32, #tpu.memory_space<vmem>>, %arg7: memref<1024xf32, #tpu.memory_space<vmem>>, %arg8: memref<1024xf32, #tpu.memory_space<vmem>>, %arg9: memref<1024xf32, #tpu.memory_space<vmem>>, %arg10: memref<256xf32, #tpu.memory_space<vmem>>, %arg11: memref<256xf32, #tpu.memory_space<vmem>>, %arg12: memref<256xf32, #tpu.memory_space<vmem>>, %arg13: memref<1024xf32, #tpu.memory_space<vmem>>, %arg14: memref<256xf32, #tpu.memory_space<vmem>>) attributes {dimension_semantics = [#tpu.dimension_semantics<core_parallel>, #tpu.dimension_semantics<subcore_parallel>], iteration_bounds = array<i64: 2, 16>, scalar_prefetch = 0 : i64, scratch_operands = 9 : i64, tpu.core_type = #tpu.core_type<sc_vector_subcore>, window_params = [{transform_indices = #map}, {transform_indices = #map}, {transform_indices = #map}, {transform_indices = #map}]} {
    %mul3A = arith.constant 2 : i32
    %mul3A_0 = arith.muli %arg1, %mul3A : i32
    %add3A = arith.addi %mul3A_0, %arg0 : i32
    %lt3A = arith.constant 8 : i32
    %lt3A_1 = arith.cmpi slt, %add3A, %lt3A : i32
    %convert_element_type3A = arith.extui %lt3A_1 : i1 to i32
    %cond3A = arith.constant 0 : i32
    %cond3A_2 = arith.cmpi ne, %convert_element_type3A, %cond3A : i32
    scf.if %cond3A_2 {
      %mul3A_3 = arith.constant 3 : i32
      %mul3A_4 = arith.muli %mul3A_3, %add3A : i32
      %add3A_5 = arith.constant 0 : i32
      %add3A_6 = arith.addi %mul3A_4, %add3A_5 : i32
      "tpu.region"() ({
        %run_scoped3A = tpu.sem_alloc : memref<!tpu.dma_semaphore, #tpu.memory_space<semaphore_mem>>
        %dma_start3A = arith.constant 0 : i32
        %dma_start3A_47 = tpu.memref_slice %arg2[%add3A_6, %dma_start3A] : memref<24x1024xf32, #tpu.memory_space<hbm>> -> memref<1x1024xf32, #tpu.memory_space<hbm>>
        %dma_start3A_48 = tpu.memref_squeeze %dma_start3A_47 : memref<1x1024xf32, #tpu.memory_space<hbm>> -> memref<1024xf32, #tpu.memory_space<hbm>>
        %dma_start3A_49 = arith.constant 0 : i32
        %dma_start3A_50 = tpu.memref_slice %arg2[%add3A_6, %dma_start3A_49] : memref<24x1024xf32, #tpu.memory_space<hbm>> -> memref<1x1024xf32, #tpu.memory_space<hbm>>
        %dma_start3A_51 = tpu.memref_squeeze %dma_start3A_50 : memref<1x1024xf32, #tpu.memory_space<hbm>> -> memref<1024xf32, #tpu.memory_space<hbm>>
        tpu.enqueue_dma source(%dma_start3A_51 : memref<1024xf32, #tpu.memory_space<hbm>>) target(%arg6 : memref<1024xf32, #tpu.memory_space<vmem>>) target_semaphore(%run_scoped3A : memref<!tpu.dma_semaphore, #tpu.memory_space<semaphore_mem>>)
        %dma_wait3A = arith.constant 0 : i32
        %dma_wait3A_52 = tpu.memref_slice %arg2[%add3A_6, %dma_wait3A] : memref<24x1024xf32, #tpu.memory_space<hbm>> -> memref<1x1024xf32, #tpu.memory_space<hbm>>
        %dma_wait3A_53 = tpu.memref_squeeze %dma_wait3A_52 : memref<1x1024xf32, #tpu.memory_space<hbm>> -> memref<1024xf32, #tpu.memory_space<hbm>>
        %dma_wait3A_54 = arith.constant 0 : i32
        %dma_wait3A_55 = tpu.memref_slice %arg2[%add3A_6, %dma_wait3A_54] : memref<24x1024xf32, #tpu.memory_space<hbm>> -> memref<1x1024xf32, #tpu.memory_space<hbm>>
        %dma_wait3A_56 = tpu.memref_squeeze %dma_wait3A_55 : memref<1x1024xf32, #tpu.memory_space<hbm>> -> memref<1024xf32, #tpu.memory_space<hbm>>
        tpu.wait_dma2 semaphore(%run_scoped3A : memref<!tpu.dma_semaphore, #tpu.memory_space<semaphore_mem>>) src(%dma_wait3A_56 : memref<1024xf32, #tpu.memory_space<hbm>>) dst(%arg6 : memref<1024xf32, #tpu.memory_space<vmem>>)
        tpu.yield
      }) : () -> ()
      %mul3A_7 = arith.constant 3 : i32
      %mul3A_8 = arith.muli %mul3A_7, %add3A : i32
      %add3A_9 = arith.constant 1 : i32
      %add3A_10 = arith.addi %mul3A_8, %add3A_9 : i32
      "tpu.region"() ({
        %run_scoped3A = tpu.sem_alloc : memref<!tpu.dma_semaphore, #tpu.memory_space<semaphore_mem>>
        %dma_start3A = arith.constant 0 : i32
        %dma_start3A_47 = tpu.memref_slice %arg2[%add3A_10, %dma_start3A] : memref<24x1024xf32, #tpu.memory_space<hbm>> -> memref<1x1024xf32, #tpu.memory_space<hbm>>
        %dma_start3A_48 = tpu.memref_squeeze %dma_start3A_47 : memref<1x1024xf32, #tpu.memory_space<hbm>> -> memref<1024xf32, #tpu.memory_space<hbm>>
        %dma_start3A_49 = arith.constant 0 : i32
        %dma_start3A_50 = tpu.memref_slice %arg2[%add3A_10, %dma_start3A_49] : memref<24x1024xf32, #tpu.memory_space<hbm>> -> memref<1x1024xf32, #tpu.memory_space<hbm>>
        %dma_start3A_51 = tpu.memref_squeeze %dma_start3A_50 : memref<1x1024xf32, #tpu.memory_space<hbm>> -> memref<1024xf32, #tpu.memory_space<hbm>>
        tpu.enqueue_dma source(%dma_start3A_51 : memref<1024xf32, #tpu.memory_space<hbm>>) target(%arg7 : memref<1024xf32, #tpu.memory_space<vmem>>) target_semaphore(%run_scoped3A : memref<!tpu.dma_semaphore, #tpu.memory_space<semaphore_mem>>)
        %dma_wait3A = arith.constant 0 : i32
        %dma_wait3A_52 = tpu.memref_slice %arg2[%add3A_10, %dma_wait3A] : memref<24x1024xf32, #tpu.memory_space<hbm>> -> memref<1x1024xf32, #tpu.memory_space<hbm>>
        %dma_wait3A_53 = tpu.memref_squeeze %dma_wait3A_52 : memref<1x1024xf32, #tpu.memory_space<hbm>> -> memref<1024xf32, #tpu.memory_space<hbm>>
        %dma_wait3A_54 = arith.constant 0 : i32
        %dma_wait3A_55 = tpu.memref_slice %arg2[%add3A_10, %dma_wait3A_54] : memref<24x1024xf32, #tpu.memory_space<hbm>> -> memref<1x1024xf32, #tpu.memory_space<hbm>>
        %dma_wait3A_56 = tpu.memref_squeeze %dma_wait3A_55 : memref<1x1024xf32, #tpu.memory_space<hbm>> -> memref<1024xf32, #tpu.memory_space<hbm>>
        tpu.wait_dma2 semaphore(%run_scoped3A : memref<!tpu.dma_semaphore, #tpu.memory_space<semaphore_mem>>) src(%dma_wait3A_56 : memref<1024xf32, #tpu.memory_space<hbm>>) dst(%arg7 : memref<1024xf32, #tpu.memory_space<vmem>>)
        tpu.yield
      }) : () -> ()
      %mul3A_11 = arith.constant 3 : i32
      %mul3A_12 = arith.muli %mul3A_11, %add3A : i32
      %add3A_13 = arith.constant 2 : i32
      %add3A_14 = arith.addi %mul3A_12, %add3A_13 : i32
      "tpu.region"() ({
        %run_scoped3A = tpu.sem_alloc : memref<!tpu.dma_semaphore, #tpu.memory_space<semaphore_mem>>
        %dma_start3A = arith.constant 0 : i32
        %dma_start3A_47 = tpu.memref_slice %arg2[%add3A_14, %dma_start3A] : memref<24x1024xf32, #tpu.memory_space<hbm>> -> memref<1x1024xf32, #tpu.memory_space<hbm>>
        %dma_start3A_48 = tpu.memref_squeeze %dma_start3A_47 : memref<1x1024xf32, #tpu.memory_space<hbm>> -> memref<1024xf32, #tpu.memory_space<hbm>>
        %dma_start3A_49 = arith.constant 0 : i32
        %dma_start3A_50 = tpu.memref_slice %arg2[%add3A_14, %dma_start3A_49] : memref<24x1024xf32, #tpu.memory_space<hbm>> -> memref<1x1024xf32, #tpu.memory_space<hbm>>
        %dma_start3A_51 = tpu.memref_squeeze %dma_start3A_50 : memref<1x1024xf32, #tpu.memory_space<hbm>> -> memref<1024xf32, #tpu.memory_space<hbm>>
        tpu.enqueue_dma source(%dma_start3A_51 : memref<1024xf32, #tpu.memory_space<hbm>>) target(%arg8 : memref<1024xf32, #tpu.memory_space<vmem>>) target_semaphore(%run_scoped3A : memref<!tpu.dma_semaphore, #tpu.memory_space<semaphore_mem>>)
        %dma_wait3A = arith.constant 0 : i32
        %dma_wait3A_52 = tpu.memref_slice %arg2[%add3A_14, %dma_wait3A] : memref<24x1024xf32, #tpu.memory_space<hbm>> -> memref<1x1024xf32, #tpu.memory_space<hbm>>
        %dma_wait3A_53 = tpu.memref_squeeze %dma_wait3A_52 : memref<1x1024xf32, #tpu.memory_space<hbm>> -> memref<1024xf32, #tpu.memory_space<hbm>>
        %dma_wait3A_54 = arith.constant 0 : i32
        %dma_wait3A_55 = tpu.memref_slice %arg2[%add3A_14, %dma_wait3A_54] : memref<24x1024xf32, #tpu.memory_space<hbm>> -> memref<1x1024xf32, #tpu.memory_space<hbm>>
        %dma_wait3A_56 = tpu.memref_squeeze %dma_wait3A_55 : memref<1x1024xf32, #tpu.memory_space<hbm>> -> memref<1024xf32, #tpu.memory_space<hbm>>
        tpu.wait_dma2 semaphore(%run_scoped3A : memref<!tpu.dma_semaphore, #tpu.memory_space<semaphore_mem>>) src(%dma_wait3A_56 : memref<1024xf32, #tpu.memory_space<hbm>>) dst(%arg8 : memref<1024xf32, #tpu.memory_space<vmem>>)
        tpu.yield
      }) : () -> ()
      "tpu.region"() ({
        %run_scoped3A = tpu.sem_alloc : memref<!tpu.dma_semaphore, #tpu.memory_space<semaphore_mem>>
        %dma_start3A = arith.constant 0 : i32
        %dma_start3A_47 = tpu.memref_slice %arg3[%add3A, %dma_start3A] : memref<8x1024xf32, #tpu.memory_space<hbm>> -> memref<1x1024xf32, #tpu.memory_space<hbm>>
        %dma_start3A_48 = tpu.memref_squeeze %dma_start3A_47 : memref<1x1024xf32, #tpu.memory_space<hbm>> -> memref<1024xf32, #tpu.memory_space<hbm>>
        %dma_start3A_49 = arith.constant 0 : i32
        %dma_start3A_50 = tpu.memref_slice %arg3[%add3A, %dma_start3A_49] : memref<8x1024xf32, #tpu.memory_space<hbm>> -> memref<1x1024xf32, #tpu.memory_space<hbm>>
        %dma_start3A_51 = tpu.memref_squeeze %dma_start3A_50 : memref<1x1024xf32, #tpu.memory_space<hbm>> -> memref<1024xf32, #tpu.memory_space<hbm>>
        tpu.enqueue_dma source(%dma_start3A_51 : memref<1024xf32, #tpu.memory_space<hbm>>) target(%arg13 : memref<1024xf32, #tpu.memory_space<vmem>>) target_semaphore(%run_scoped3A : memref<!tpu.dma_semaphore, #tpu.memory_space<semaphore_mem>>)
        %dma_wait3A = arith.constant 0 : i32
        %dma_wait3A_52 = tpu.memref_slice %arg3[%add3A, %dma_wait3A] : memref<8x1024xf32, #tpu.memory_space<hbm>> -> memref<1x1024xf32, #tpu.memory_space<hbm>>
        %dma_wait3A_53 = tpu.memref_squeeze %dma_wait3A_52 : memref<1x1024xf32, #tpu.memory_space<hbm>> -> memref<1024xf32, #tpu.memory_space<hbm>>
        %dma_wait3A_54 = arith.constant 0 : i32
        %dma_wait3A_55 = tpu.memref_slice %arg3[%add3A, %dma_wait3A_54] : memref<8x1024xf32, #tpu.memory_space<hbm>> -> memref<1x1024xf32, #tpu.memory_space<hbm>>
        %dma_wait3A_56 = tpu.memref_squeeze %dma_wait3A_55 : memref<1x1024xf32, #tpu.memory_space<hbm>> -> memref<1024xf32, #tpu.memory_space<hbm>>
        tpu.wait_dma2 semaphore(%run_scoped3A : memref<!tpu.dma_semaphore, #tpu.memory_space<semaphore_mem>>) src(%dma_wait3A_56 : memref<1024xf32, #tpu.memory_space<hbm>>) dst(%arg13 : memref<1024xf32, #tpu.memory_space<vmem>>)
        tpu.yield
      }) : () -> ()
      %iota3A = tpu.iota {dimensions = array<i32: 0>} : vector<16xi32>
      %eq3A = arith.constant 0 : i32
      %eq3A_15 = vector.broadcast %eq3A : i32 to vector<16xi32>
      %eq3A_16 = arith.cmpi eq, %iota3A, %eq3A_15 : vector<16xi32>
      %scan3A = arith.constant 0 : i32
      %scan3A_17 = arith.constant 0 : i32
      %scan3A_18 = arith.constant 64 : i32
      %scan3A_19 = arith.addi %scan3A_17, %scan3A_18 : i32
      %scan3A_20 = arith.constant 1 : i32
      scf.for %scan3A_47 = %scan3A_17 to %scan3A_19 step %scan3A_20  : i32 {
        %broadcast_in_dim3A_48 = arith.constant 1.000000e+10 : f32
        %broadcast_in_dim3A_49 = vector.broadcast %broadcast_in_dim3A_48 : f32 to vector<16xf32>
        %mul3A_50 = arith.constant 16 : i32
        %mul3A_51 = arith.muli %scan3A_47, %mul3A_50 : i32
        %swap3A = arith.index_cast %mul3A_51 : i32 to index
        %swap3A_52 = tpu.vector_load %arg9[%swap3A] {strides = array<i32>} : memref<1024xf32, #tpu.memory_space<vmem>>, vector<16xf32>,
        tpu.vector_store %arg9[%swap3A], %broadcast_in_dim3A_49 {strides = array<i32>} : memref<1024xf32, #tpu.memory_space<vmem>>, vector<16xf32>,
      }
      %scan3A_21 = arith.constant 64 : i32
      %broadcast_in_dim3A = arith.constant 0 : i32
      %broadcast_in_dim3A_22 = vector.broadcast %broadcast_in_dim3A : i32 to vector<16xi32>
      %broadcast_in_dim3A_23 = arith.constant 0 : i32
      %broadcast_in_dim3A_24 = vector.broadcast %broadcast_in_dim3A_23 : i32 to vector<16xi32>
      %gather3A = tpu.vector_load_idx %arg6[%broadcast_in_dim3A_24] : memref<1024xf32, #tpu.memory_space<vmem>>[vector<16xi32>], vector<16xf32>,
      tpu.vector_store_idx %arg10[%broadcast_in_dim3A_22], %gather3A masked %eq3A_16 : memref<256xf32, #tpu.memory_space<vmem>>[vector<16xi32>], vector<16xf32>, vector<16xi1>
      %gather3A_25 = tpu.vector_load_idx %arg7[%broadcast_in_dim3A_24] : memref<1024xf32, #tpu.memory_space<vmem>>[vector<16xi32>], vector<16xf32>,
      tpu.vector_store_idx %arg11[%broadcast_in_dim3A_22], %gather3A_25 masked %eq3A_16 : memref<256xf32, #tpu.memory_space<vmem>>[vector<16xi32>], vector<16xf32>, vector<16xi1>
      %gather3A_26 = tpu.vector_load_idx %arg8[%broadcast_in_dim3A_24] : memref<1024xf32, #tpu.memory_space<vmem>>[vector<16xi32>], vector<16xf32>,
      tpu.vector_store_idx %arg12[%broadcast_in_dim3A_22], %gather3A_26 masked %eq3A_16 : memref<256xf32, #tpu.memory_space<vmem>>[vector<16xi32>], vector<16xf32>, vector<16xi1>
      %gather3A_27 = tpu.vector_load_idx %arg13[%broadcast_in_dim3A_24] : memref<1024xf32, #tpu.memory_space<vmem>>[vector<16xi32>], vector<16xf32>,
      tpu.vector_store_idx %arg14[%broadcast_in_dim3A_22], %gather3A_27 masked %eq3A_16 : memref<256xf32, #tpu.memory_space<vmem>>[vector<16xi32>], vector<16xf32>, vector<16xi1>
      %scan3A_28 = arith.constant 0 : i32
      %scan3A_29 = arith.constant 1 : i32
      %scan3A_30 = arith.constant 255 : i32
      %scan3A_31 = arith.addi %scan3A_29, %scan3A_30 : i32
      %scan3A_32 = arith.constant 1 : i32
      %scan3A_33 = scf.for %scan3A_47 = %scan3A_29 to %scan3A_31 step %scan3A_32 iter_args(%scan3A_48 = %scan3A_28) -> (i32)  : i32 {
        %broadcast_in_dim3A_49 = vector.broadcast %scan3A_48 : i32 to vector<16xi32>
        %gather3A_50 = tpu.vector_load_idx %arg6[%broadcast_in_dim3A_49] : memref<1024xf32, #tpu.memory_space<vmem>>[vector<16xi32>], vector<16xf32>,
        %gather3A_51 = tpu.vector_load_idx %arg7[%broadcast_in_dim3A_49] : memref<1024xf32, #tpu.memory_space<vmem>>[vector<16xi32>], vector<16xf32>,
        %gather3A_52 = tpu.vector_load_idx %arg8[%broadcast_in_dim3A_49] : memref<1024xf32, #tpu.memory_space<vmem>>[vector<16xi32>], vector<16xf32>,
        %broadcast_in_dim3A_53 = arith.constant -1.000000e+00 : f32
        %broadcast_in_dim3A_54 = vector.broadcast %broadcast_in_dim3A_53 : f32 to vector<16xf32>
        %broadcast_in_dim3A_55 = arith.constant 0 : i32
        %broadcast_in_dim3A_56 = vector.broadcast %broadcast_in_dim3A_55 : i32 to vector<16xi32>
        %scan3A_57 = arith.constant 0 : i32
        %scan3A_58 = arith.constant 64 : i32
        %scan3A_59 = arith.addi %scan3A_57, %scan3A_58 : i32
        %scan3A_60 = arith.constant 8 : i32
        %scan3A_61:2 = scf.for %scan3A_82 = %scan3A_57 to %scan3A_59 step %scan3A_60 iter_args(%scan3A_83 = %broadcast_in_dim3A_54, %scan3A_84 = %broadcast_in_dim3A_56) -> (vector<16xf32>, vector<16xi32>)  : i32 {
          %mul3A_85 = arith.constant 16 : i32
          %mul3A_86 = arith.muli %scan3A_82, %mul3A_85 : i32
          %get3A = arith.index_cast %mul3A_86 : i32 to index
          %get3A_87 = tpu.vector_load %arg6[%get3A] {strides = array<i32>} : memref<1024xf32, #tpu.memory_space<vmem>>, vector<16xf32>,
          %sub3A = arith.subf %get3A_87, %gather3A_50 : vector<16xf32>
          %get3A_88 = arith.index_cast %mul3A_86 : i32 to index
          %get3A_89 = tpu.vector_load %arg7[%get3A_88] {strides = array<i32>} : memref<1024xf32, #tpu.memory_space<vmem>>, vector<16xf32>,
          %sub3A_90 = arith.subf %get3A_89, %gather3A_51 : vector<16xf32>
          %get3A_91 = arith.index_cast %mul3A_86 : i32 to index
          %get3A_92 = tpu.vector_load %arg8[%get3A_91] {strides = array<i32>} : memref<1024xf32, #tpu.memory_space<vmem>>, vector<16xf32>,
          %sub3A_93 = arith.subf %get3A_92, %gather3A_52 : vector<16xf32>
          %mul3A_94 = arith.mulf %sub3A, %sub3A : vector<16xf32>
          %mul3A_95 = arith.mulf %sub3A_90, %sub3A_90 : vector<16xf32>
          %add3A_96 = arith.addf %mul3A_94, %mul3A_95 : vector<16xf32>
          %mul3A_97 = arith.mulf %sub3A_93, %sub3A_93 : vector<16xf32>
          %add3A_98 = arith.addf %add3A_96, %mul3A_97 : vector<16xf32>
          %get3A_99 = arith.index_cast %mul3A_86 : i32 to index
          %get3A_100 = tpu.vector_load %arg9[%get3A_99] {strides = array<i32>} : memref<1024xf32, #tpu.memory_space<vmem>>, vector<16xf32>,
          %min3A = arith.minimumf %get3A_100, %add3A_98 : vector<16xf32>
          %swap3A = arith.index_cast %mul3A_86 : i32 to index
          %swap3A_101 = tpu.vector_load %arg9[%swap3A] {strides = array<i32>} : memref<1024xf32, #tpu.memory_space<vmem>>, vector<16xf32>,
          tpu.vector_store %arg9[%swap3A], %min3A {strides = array<i32>} : memref<1024xf32, #tpu.memory_space<vmem>>, vector<16xf32>,
          %gt3A = arith.cmpf ogt, %min3A, %scan3A_83 : vector<16xf32>
          %select_n3A_102 = arith.select %gt3A, %min3A, %scan3A_83 : vector<16xi1>, vector<16xf32>
          %add3A_103 = vector.broadcast %mul3A_86 : i32 to vector<16xi32>
          %add3A_104 = arith.addi %iota3A, %add3A_103 : vector<16xi32>
          %select_n3A_105 = arith.select %gt3A, %add3A_104, %scan3A_84 : vector<16xi1>, vector<16xi32>
          %scan3A_106 = arith.constant 1 : i32
          %scan3A_107 = arith.addi %scan3A_82, %scan3A_106 : i32
          %mul3A_108 = arith.constant 16 : i32
          %mul3A_109 = arith.muli %scan3A_107, %mul3A_108 : i32
          %get3A_110 = arith.index_cast %mul3A_109 : i32 to index
          %get3A_111 = tpu.vector_load %arg6[%get3A_110] {strides = array<i32>} : memref<1024xf32, #tpu.memory_space<vmem>>, vector<16xf32>,
          %sub3A_112 = arith.subf %get3A_111, %gather3A_50 : vector<16xf32>
          %get3A_113 = arith.index_cast %mul3A_109 : i32 to index
          %get3A_114 = tpu.vector_load %arg7[%get3A_113] {strides = array<i32>} : memref<1024xf32, #tpu.memory_space<vmem>>, vector<16xf32>,
          %sub3A_115 = arith.subf %get3A_114, %gather3A_51 : vector<16xf32>
          %get3A_116 = arith.index_cast %mul3A_109 : i32 to index
          %get3A_117 = tpu.vector_load %arg8[%get3A_116] {strides = array<i32>} : memref<1024xf32, #tpu.memory_space<vmem>>, vector<16xf32>,
          %sub3A_118 = arith.subf %get3A_117, %gather3A_52 : vector<16xf32>
          %mul3A_119 = arith.mulf %sub3A_112, %sub3A_112 : vector<16xf32>
          %mul3A_120 = arith.mulf %sub3A_115, %sub3A_115 : vector<16xf32>
          %add3A_121 = arith.addf %mul3A_119, %mul3A_120 : vector<16xf32>
          %mul3A_122 = arith.mulf %sub3A_118, %sub3A_118 : vector<16xf32>
          %add3A_123 = arith.addf %add3A_121, %mul3A_122 : vector<16xf32>
          %get3A_124 = arith.index_cast %mul3A_109 : i32 to index
          %get3A_125 = tpu.vector_load %arg9[%get3A_124] {strides = array<i32>} : memref<1024xf32, #tpu.memory_space<vmem>>, vector<16xf32>,
          %min3A_126 = arith.minimumf %get3A_125, %add3A_123 : vector<16xf32>
          %swap3A_127 = arith.index_cast %mul3A_109 : i32 to index
          %swap3A_128 = tpu.vector_load %arg9[%swap3A_127] {strides = array<i32>} : memref<1024xf32, #tpu.memory_space<vmem>>, vector<16xf32>,
          tpu.vector_store %arg9[%swap3A_127], %min3A_126 {strides = array<i32>} : memref<1024xf32, #tpu.memory_space<vmem>>, vector<16xf32>,
          %gt3A_129 = arith.cmpf ogt, %min3A_126, %select_n3A_102 : vector<16xf32>
          %select_n3A_130 = arith.select %gt3A_129, %min3A_126, %select_n3A_102 : vector<16xi1>, vector<16xf32>
          %add3A_131 = vector.broadcast %mul3A_109 : i32 to vector<16xi32>
          %add3A_132 = arith.addi %iota3A, %add3A_131 : vector<16xi32>
          %select_n3A_133 = arith.select %gt3A_129, %add3A_132, %select_n3A_105 : vector<16xi1>, vector<16xi32>
          %scan3A_134 = arith.constant 2 : i32
          %scan3A_135 = arith.addi %scan3A_82, %scan3A_134 : i32
          %mul3A_136 = arith.constant 16 : i32
          %mul3A_137 = arith.muli %scan3A_135, %mul3A_136 : i32
          %get3A_138 = arith.index_cast %mul3A_137 : i32 to index
          %get3A_139 = tpu.vector_load %arg6[%get3A_138] {strides = array<i32>} : memref<1024xf32, #tpu.memory_space<vmem>>, vector<16xf32>,
          %sub3A_140 = arith.subf %get3A_139, %gather3A_50 : vector<16xf32>
          %get3A_141 = arith.index_cast %mul3A_137 : i32 to index
          %get3A_142 = tpu.vector_load %arg7[%get3A_141] {strides = array<i32>} : memref<1024xf32, #tpu.memory_space<vmem>>, vector<16xf32>,
          %sub3A_143 = arith.subf %get3A_142, %gather3A_51 : vector<16xf32>
          %get3A_144 = arith.index_cast %mul3A_137 : i32 to index
          %get3A_145 = tpu.vector_load %arg8[%get3A_144] {strides = array<i32>} : memref<1024xf32, #tpu.memory_space<vmem>>, vector<16xf32>,
          %sub3A_146 = arith.subf %get3A_145, %gather3A_52 : vector<16xf32>
          %mul3A_147 = arith.mulf %sub3A_140, %sub3A_140 : vector<16xf32>
          %mul3A_148 = arith.mulf %sub3A_143, %sub3A_143 : vector<16xf32>
          %add3A_149 = arith.addf %mul3A_147, %mul3A_148 : vector<16xf32>
          %mul3A_150 = arith.mulf %sub3A_146, %sub3A_146 : vector<16xf32>
          %add3A_151 = arith.addf %add3A_149, %mul3A_150 : vector<16xf32>
          %get3A_152 = arith.index_cast %mul3A_137 : i32 to index
          %get3A_153 = tpu.vector_load %arg9[%get3A_152] {strides = array<i32>} : memref<1024xf32, #tpu.memory_space<vmem>>, vector<16xf32>,
          %min3A_154 = arith.minimumf %get3A_153, %add3A_151 : vector<16xf32>
          %swap3A_155 = arith.index_cast %mul3A_137 : i32 to index
          %swap3A_156 = tpu.vector_load %arg9[%swap3A_155] {strides = array<i32>} : memref<1024xf32, #tpu.memory_space<vmem>>, vector<16xf32>,
          tpu.vector_store %arg9[%swap3A_155], %min3A_154 {strides = array<i32>} : memref<1024xf32, #tpu.memory_space<vmem>>, vector<16xf32>,
          %gt3A_157 = arith.cmpf ogt, %min3A_154, %select_n3A_130 : vector<16xf32>
          %select_n3A_158 = arith.select %gt3A_157, %min3A_154, %select_n3A_130 : vector<16xi1>, vector<16xf32>
          %add3A_159 = vector.broadcast %mul3A_137 : i32 to vector<16xi32>
          %add3A_160 = arith.addi %iota3A, %add3A_159 : vector<16xi32>
          %select_n3A_161 = arith.select %gt3A_157, %add3A_160, %select_n3A_133 : vector<16xi1>, vector<16xi32>
          %scan3A_162 = arith.constant 3 : i32
          %scan3A_163 = arith.addi %scan3A_82, %scan3A_162 : i32
          %mul3A_164 = arith.constant 16 : i32
          %mul3A_165 = arith.muli %scan3A_163, %mul3A_164 : i32
          %get3A_166 = arith.index_cast %mul3A_165 : i32 to index
          %get3A_167 = tpu.vector_load %arg6[%get3A_166] {strides = array<i32>} : memref<1024xf32, #tpu.memory_space<vmem>>, vector<16xf32>,
          %sub3A_168 = arith.subf %get3A_167, %gather3A_50 : vector<16xf32>
          %get3A_169 = arith.index_cast %mul3A_165 : i32 to index
          %get3A_170 = tpu.vector_load %arg7[%get3A_169] {strides = array<i32>} : memref<1024xf32, #tpu.memory_space<vmem>>, vector<16xf32>,
          %sub3A_171 = arith.subf %get3A_170, %gather3A_51 : vector<16xf32>
          %get3A_172 = arith.index_cast %mul3A_165 : i32 to index
          %get3A_173 = tpu.vector_load %arg8[%get3A_172] {strides = array<i32>} : memref<1024xf32, #tpu.memory_space<vmem>>, vector<16xf32>,
          %sub3A_174 = arith.subf %get3A_173, %gather3A_52 : vector<16xf32>
          %mul3A_175 = arith.mulf %sub3A_168, %sub3A_168 : vector<16xf32>
          %mul3A_176 = arith.mulf %sub3A_171, %sub3A_171 : vector<16xf32>
          %add3A_177 = arith.addf %mul3A_175, %mul3A_176 : vector<16xf32>
          %mul3A_178 = arith.mulf %sub3A_174, %sub3A_174 : vector<16xf32>
          %add3A_179 = arith.addf %add3A_177, %mul3A_178 : vector<16xf32>
          %get3A_180 = arith.index_cast %mul3A_165 : i32 to index
          %get3A_181 = tpu.vector_load %arg9[%get3A_180] {strides = array<i32>} : memref<1024xf32, #tpu.memory_space<vmem>>, vector<16xf32>,
          %min3A_182 = arith.minimumf %get3A_181, %add3A_179 : vector<16xf32>
          %swap3A_183 = arith.index_cast %mul3A_165 : i32 to index
          %swap3A_184 = tpu.vector_load %arg9[%swap3A_183] {strides = array<i32>} : memref<1024xf32, #tpu.memory_space<vmem>>, vector<16xf32>,
          tpu.vector_store %arg9[%swap3A_183], %min3A_182 {strides = array<i32>} : memref<1024xf32, #tpu.memory_space<vmem>>, vector<16xf32>,
          %gt3A_185 = arith.cmpf ogt, %min3A_182, %select_n3A_158 : vector<16xf32>
          %select_n3A_186 = arith.select %gt3A_185, %min3A_182, %select_n3A_158 : vector<16xi1>, vector<16xf32>
          %add3A_187 = vector.broadcast %mul3A_165 : i32 to vector<16xi32>
          %add3A_188 = arith.addi %iota3A, %add3A_187 : vector<16xi32>
          %select_n3A_189 = arith.select %gt3A_185, %add3A_188, %select_n3A_161 : vector<16xi1>, vector<16xi32>
          %scan3A_190 = arith.constant 4 : i32
          %scan3A_191 = arith.addi %scan3A_82, %scan3A_190 : i32
          %mul3A_192 = arith.constant 16 : i32
          %mul3A_193 = arith.muli %scan3A_191, %mul3A_192 : i32
          %get3A_194 = arith.index_cast %mul3A_193 : i32 to index
          %get3A_195 = tpu.vector_load %arg6[%get3A_194] {strides = array<i32>} : memref<1024xf32, #tpu.memory_space<vmem>>, vector<16xf32>,
          %sub3A_196 = arith.subf %get3A_195, %gather3A_50 : vector<16xf32>
          %get3A_197 = arith.index_cast %mul3A_193 : i32 to index
          %get3A_198 = tpu.vector_load %arg7[%get3A_197] {strides = array<i32>} : memref<1024xf32, #tpu.memory_space<vmem>>, vector<16xf32>,
          %sub3A_199 = arith.subf %get3A_198, %gather3A_51 : vector<16xf32>
          %get3A_200 = arith.index_cast %mul3A_193 : i32 to index
          %get3A_201 = tpu.vector_load %arg8[%get3A_200] {strides = array<i32>} : memref<1024xf32, #tpu.memory_space<vmem>>, vector<16xf32>,
          %sub3A_202 = arith.subf %get3A_201, %gather3A_52 : vector<16xf32>
          %mul3A_203 = arith.mulf %sub3A_196, %sub3A_196 : vector<16xf32>
          %mul3A_204 = arith.mulf %sub3A_199, %sub3A_199 : vector<16xf32>
          %add3A_205 = arith.addf %mul3A_203, %mul3A_204 : vector<16xf32>
          %mul3A_206 = arith.mulf %sub3A_202, %sub3A_202 : vector<16xf32>
          %add3A_207 = arith.addf %add3A_205, %mul3A_206 : vector<16xf32>
          %get3A_208 = arith.index_cast %mul3A_193 : i32 to index
          %get3A_209 = tpu.vector_load %arg9[%get3A_208] {strides = array<i32>} : memref<1024xf32, #tpu.memory_space<vmem>>, vector<16xf32>,
          %min3A_210 = arith.minimumf %get3A_209, %add3A_207 : vector<16xf32>
          %swap3A_211 = arith.index_cast %mul3A_193 : i32 to index
          %swap3A_212 = tpu.vector_load %arg9[%swap3A_211] {strides = array<i32>} : memref<1024xf32, #tpu.memory_space<vmem>>, vector<16xf32>,
          tpu.vector_store %arg9[%swap3A_211], %min3A_210 {strides = array<i32>} : memref<1024xf32, #tpu.memory_space<vmem>>, vector<16xf32>,
          %gt3A_213 = arith.cmpf ogt, %min3A_210, %select_n3A_186 : vector<16xf32>
          %select_n3A_214 = arith.select %gt3A_213, %min3A_210, %select_n3A_186 : vector<16xi1>, vector<16xf32>
          %add3A_215 = vector.broadcast %mul3A_193 : i32 to vector<16xi32>
          %add3A_216 = arith.addi %iota3A, %add3A_215 : vector<16xi32>
          %select_n3A_217 = arith.select %gt3A_213, %add3A_216, %select_n3A_189 : vector<16xi1>, vector<16xi32>
          %scan3A_218 = arith.constant 5 : i32
          %scan3A_219 = arith.addi %scan3A_82, %scan3A_218 : i32
          %mul3A_220 = arith.constant 16 : i32
          %mul3A_221 = arith.muli %scan3A_219, %mul3A_220 : i32
          %get3A_222 = arith.index_cast %mul3A_221 : i32 to index
          %get3A_223 = tpu.vector_load %arg6[%get3A_222] {strides = array<i32>} : memref<1024xf32, #tpu.memory_space<vmem>>, vector<16xf32>,
          %sub3A_224 = arith.subf %get3A_223, %gather3A_50 : vector<16xf32>
          %get3A_225 = arith.index_cast %mul3A_221 : i32 to index
          %get3A_226 = tpu.vector_load %arg7[%get3A_225] {strides = array<i32>} : memref<1024xf32, #tpu.memory_space<vmem>>, vector<16xf32>,
          %sub3A_227 = arith.subf %get3A_226, %gather3A_51 : vector<16xf32>
          %get3A_228 = arith.index_cast %mul3A_221 : i32 to index
          %get3A_229 = tpu.vector_load %arg8[%get3A_228] {strides = array<i32>} : memref<1024xf32, #tpu.memory_space<vmem>>, vector<16xf32>,
          %sub3A_230 = arith.subf %get3A_229, %gather3A_52 : vector<16xf32>
          %mul3A_231 = arith.mulf %sub3A_224, %sub3A_224 : vector<16xf32>
          %mul3A_232 = arith.mulf %sub3A_227, %sub3A_227 : vector<16xf32>
          %add3A_233 = arith.addf %mul3A_231, %mul3A_232 : vector<16xf32>
          %mul3A_234 = arith.mulf %sub3A_230, %sub3A_230 : vector<16xf32>
          %add3A_235 = arith.addf %add3A_233, %mul3A_234 : vector<16xf32>
          %get3A_236 = arith.index_cast %mul3A_221 : i32 to index
          %get3A_237 = tpu.vector_load %arg9[%get3A_236] {strides = array<i32>} : memref<1024xf32, #tpu.memory_space<vmem>>, vector<16xf32>,
          %min3A_238 = arith.minimumf %get3A_237, %add3A_235 : vector<16xf32>
          %swap3A_239 = arith.index_cast %mul3A_221 : i32 to index
          %swap3A_240 = tpu.vector_load %arg9[%swap3A_239] {strides = array<i32>} : memref<1024xf32, #tpu.memory_space<vmem>>, vector<16xf32>,
          tpu.vector_store %arg9[%swap3A_239], %min3A_238 {strides = array<i32>} : memref<1024xf32, #tpu.memory_space<vmem>>, vector<16xf32>,
          %gt3A_241 = arith.cmpf ogt, %min3A_238, %select_n3A_214 : vector<16xf32>
          %select_n3A_242 = arith.select %gt3A_241, %min3A_238, %select_n3A_214 : vector<16xi1>, vector<16xf32>
          %add3A_243 = vector.broadcast %mul3A_221 : i32 to vector<16xi32>
          %add3A_244 = arith.addi %iota3A, %add3A_243 : vector<16xi32>
          %select_n3A_245 = arith.select %gt3A_241, %add3A_244, %select_n3A_217 : vector<16xi1>, vector<16xi32>
          %scan3A_246 = arith.constant 6 : i32
          %scan3A_247 = arith.addi %scan3A_82, %scan3A_246 : i32
          %mul3A_248 = arith.constant 16 : i32
          %mul3A_249 = arith.muli %scan3A_247, %mul3A_248 : i32
          %get3A_250 = arith.index_cast %mul3A_249 : i32 to index
          %get3A_251 = tpu.vector_load %arg6[%get3A_250] {strides = array<i32>} : memref<1024xf32, #tpu.memory_space<vmem>>, vector<16xf32>,
          %sub3A_252 = arith.subf %get3A_251, %gather3A_50 : vector<16xf32>
          %get3A_253 = arith.index_cast %mul3A_249 : i32 to index
          %get3A_254 = tpu.vector_load %arg7[%get3A_253] {strides = array<i32>} : memref<1024xf32, #tpu.memory_space<vmem>>, vector<16xf32>,
          %sub3A_255 = arith.subf %get3A_254, %gather3A_51 : vector<16xf32>
          %get3A_256 = arith.index_cast %mul3A_249 : i32 to index
          %get3A_257 = tpu.vector_load %arg8[%get3A_256] {strides = array<i32>} : memref<1024xf32, #tpu.memory_space<vmem>>, vector<16xf32>,
          %sub3A_258 = arith.subf %get3A_257, %gather3A_52 : vector<16xf32>
          %mul3A_259 = arith.mulf %sub3A_252, %sub3A_252 : vector<16xf32>
          %mul3A_260 = arith.mulf %sub3A_255, %sub3A_255 : vector<16xf32>
          %add3A_261 = arith.addf %mul3A_259, %mul3A_260 : vector<16xf32>
          %mul3A_262 = arith.mulf %sub3A_258, %sub3A_258 : vector<16xf32>
          %add3A_263 = arith.addf %add3A_261, %mul3A_262 : vector<16xf32>
          %get3A_264 = arith.index_cast %mul3A_249 : i32 to index
          %get3A_265 = tpu.vector_load %arg9[%get3A_264] {strides = array<i32>} : memref<1024xf32, #tpu.memory_space<vmem>>, vector<16xf32>,
          %min3A_266 = arith.minimumf %get3A_265, %add3A_263 : vector<16xf32>
          %swap3A_267 = arith.index_cast %mul3A_249 : i32 to index
          %swap3A_268 = tpu.vector_load %arg9[%swap3A_267] {strides = array<i32>} : memref<1024xf32, #tpu.memory_space<vmem>>, vector<16xf32>,
          tpu.vector_store %arg9[%swap3A_267], %min3A_266 {strides = array<i32>} : memref<1024xf32, #tpu.memory_space<vmem>>, vector<16xf32>,
          %gt3A_269 = arith.cmpf ogt, %min3A_266, %select_n3A_242 : vector<16xf32>
          %select_n3A_270 = arith.select %gt3A_269, %min3A_266, %select_n3A_242 : vector<16xi1>, vector<16xf32>
          %add3A_271 = vector.broadcast %mul3A_249 : i32 to vector<16xi32>
          %add3A_272 = arith.addi %iota3A, %add3A_271 : vector<16xi32>
          %select_n3A_273 = arith.select %gt3A_269, %add3A_272, %select_n3A_245 : vector<16xi1>, vector<16xi32>
          %scan3A_274 = arith.constant 7 : i32
          %scan3A_275 = arith.addi %scan3A_82, %scan3A_274 : i32
          %mul3A_276 = arith.constant 16 : i32
          %mul3A_277 = arith.muli %scan3A_275, %mul3A_276 : i32
          %get3A_278 = arith.index_cast %mul3A_277 : i32 to index
          %get3A_279 = tpu.vector_load %arg6[%get3A_278] {strides = array<i32>} : memref<1024xf32, #tpu.memory_space<vmem>>, vector<16xf32>,
          %sub3A_280 = arith.subf %get3A_279, %gather3A_50 : vector<16xf32>
          %get3A_281 = arith.index_cast %mul3A_277 : i32 to index
          %get3A_282 = tpu.vector_load %arg7[%get3A_281] {strides = array<i32>} : memref<1024xf32, #tpu.memory_space<vmem>>, vector<16xf32>,
          %sub3A_283 = arith.subf %get3A_282, %gather3A_51 : vector<16xf32>
          %get3A_284 = arith.index_cast %mul3A_277 : i32 to index
          %get3A_285 = tpu.vector_load %arg8[%get3A_284] {strides = array<i32>} : memref<1024xf32, #tpu.memory_space<vmem>>, vector<16xf32>,
          %sub3A_286 = arith.subf %get3A_285, %gather3A_52 : vector<16xf32>
          %mul3A_287 = arith.mulf %sub3A_280, %sub3A_280 : vector<16xf32>
          %mul3A_288 = arith.mulf %sub3A_283, %sub3A_283 : vector<16xf32>
          %add3A_289 = arith.addf %mul3A_287, %mul3A_288 : vector<16xf32>
          %mul3A_290 = arith.mulf %sub3A_286, %sub3A_286 : vector<16xf32>
          %add3A_291 = arith.addf %add3A_289, %mul3A_290 : vector<16xf32>
          %get3A_292 = arith.index_cast %mul3A_277 : i32 to index
          %get3A_293 = tpu.vector_load %arg9[%get3A_292] {strides = array<i32>} : memref<1024xf32, #tpu.memory_space<vmem>>, vector<16xf32>,
          %min3A_294 = arith.minimumf %get3A_293, %add3A_291 : vector<16xf32>
          %swap3A_295 = arith.index_cast %mul3A_277 : i32 to index
          %swap3A_296 = tpu.vector_load %arg9[%swap3A_295] {strides = array<i32>} : memref<1024xf32, #tpu.memory_space<vmem>>, vector<16xf32>,
          tpu.vector_store %arg9[%swap3A_295], %min3A_294 {strides = array<i32>} : memref<1024xf32, #tpu.memory_space<vmem>>, vector<16xf32>,
          %gt3A_297 = arith.cmpf ogt, %min3A_294, %select_n3A_270 : vector<16xf32>
          %select_n3A_298 = arith.select %gt3A_297, %min3A_294, %select_n3A_270 : vector<16xi1>, vector<16xf32>
          %add3A_299 = vector.broadcast %mul3A_277 : i32 to vector<16xi32>
          %add3A_300 = arith.addi %iota3A, %add3A_299 : vector<16xi32>
          %select_n3A_301 = arith.select %gt3A_297, %add3A_300, %select_n3A_273 : vector<16xi1>, vector<16xi32>
          scf.yield %select_n3A_298, %select_n3A_301 : vector<16xf32>, vector<16xi32>
        }
        %scan3A_62 = arith.constant 64 : i32
        %reduce_max3A = arith.constant true
        %reduce_max3A_63 = vector.broadcast %reduce_max3A : i1 to vector<16xi1>
        %reduce_max3A_64 = tpu.scan <max>, %scan3A_61#0 masked %reduce_max3A_63 : vector<16xf32>, vector<16xi1> -> vector<16xf32>
        %reduce_max3A_65 = vector.extract %reduce_max3A_64[15] : f32 from vector<16xf32>
        %eq3A_66 = vector.broadcast %reduce_max3A_65 : f32 to vector<16xf32>
        %eq3A_67 = arith.cmpf oeq, %scan3A_61#0, %eq3A_66 : vector<16xf32>
        %jit3A = arith.constant 1024 : i32
        %broadcast_in_dim3A_68 = vector.broadcast %jit3A : i32 to vector<16xi32>
        %select_n3A = arith.select %eq3A_67, %scan3A_61#1, %broadcast_in_dim3A_68 : vector<16xi1>, vector<16xi32>
        %reduce_min3A = arith.constant true
        %reduce_min3A_69 = vector.broadcast %reduce_min3A : i1 to vector<16xi1>
        %reduce_min3A_70 = arith.constant -2147483648 : i32
        %reduce_min3A_71 = vector.broadcast %reduce_min3A_70 : i32 to vector<16xi32>
        %reduce_min3A_72 = arith.xori %select_n3A, %reduce_min3A_71 : vector<16xi32>
        %reduce_min3A_73 = tpu.scan <min>, %reduce_min3A_72 masked %reduce_min3A_69 : vector<16xi32>, vector<16xi1> -> vector<16xi32>
        %reduce_min3A_74 = arith.xori %reduce_min3A_73, %reduce_min3A_71 : vector<16xi32>
        %reduce_min3A_75 = vector.extract %reduce_min3A_74[15] : i32 from vector<16xi32>
        %broadcast_in_dim3A_76 = vector.broadcast %scan3A_47 : i32 to vector<16xi32>
        %broadcast_in_dim3A_77 = vector.broadcast %reduce_min3A_75 : i32 to vector<16xi32>
        %gather3A_78 = tpu.vector_load_idx %arg6[%broadcast_in_dim3A_77] : memref<1024xf32, #tpu.memory_space<vmem>>[vector<16xi32>], vector<16xf32>,
        tpu.vector_store_idx %arg10[%broadcast_in_dim3A_76], %gather3A_78 masked %eq3A_16 : memref<256xf32, #tpu.memory_space<vmem>>[vector<16xi32>], vector<16xf32>, vector<16xi1>
        %gather3A_79 = tpu.vector_load_idx %arg7[%broadcast_in_dim3A_77] : memref<1024xf32, #tpu.memory_space<vmem>>[vector<16xi32>], vector<16xf32>,
        tpu.vector_store_idx %arg11[%broadcast_in_dim3A_76], %gather3A_79 masked %eq3A_16 : memref<256xf32, #tpu.memory_space<vmem>>[vector<16xi32>], vector<16xf32>, vector<16xi1>
        %gather3A_80 = tpu.vector_load_idx %arg8[%broadcast_in_dim3A_77] : memref<1024xf32, #tpu.memory_space<vmem>>[vector<16xi32>], vector<16xf32>,
        tpu.vector_store_idx %arg12[%broadcast_in_dim3A_76], %gather3A_80 masked %eq3A_16 : memref<256xf32, #tpu.memory_space<vmem>>[vector<16xi32>], vector<16xf32>, vector<16xi1>
        %gather3A_81 = tpu.vector_load_idx %arg13[%broadcast_in_dim3A_77] : memref<1024xf32, #tpu.memory_space<vmem>>[vector<16xi32>], vector<16xf32>,
        tpu.vector_store_idx %arg14[%broadcast_in_dim3A_76], %gather3A_81 masked %eq3A_16 : memref<256xf32, #tpu.memory_space<vmem>>[vector<16xi32>], vector<16xf32>, vector<16xi1>
        scf.yield %reduce_min3A_75 : i32
      }
      %scan3A_34 = arith.constant 255 : i32
      %mul3A_35 = arith.constant 3 : i32
      %mul3A_36 = arith.muli %mul3A_35, %add3A : i32
      %add3A_37 = arith.constant 0 : i32
      %add3A_38 = arith.addi %mul3A_36, %add3A_37 : i32
      "tpu.region"() ({
        %run_scoped3A = tpu.sem_alloc : memref<!tpu.dma_semaphore, #tpu.memory_space<semaphore_mem>>
        %dma_start3A = arith.constant 0 : i32
        %dma_start3A_47 = tpu.memref_slice %arg4[%add3A_38, %dma_start3A] : memref<24x256xf32, #tpu.memory_space<hbm>> -> memref<1x256xf32, #tpu.memory_space<hbm>>
        %dma_start3A_48 = tpu.memref_squeeze %dma_start3A_47 : memref<1x256xf32, #tpu.memory_space<hbm>> -> memref<256xf32, #tpu.memory_space<hbm>>
        %dma_start3A_49 = arith.constant 0 : i32
        %dma_start3A_50 = tpu.memref_slice %arg4[%add3A_38, %dma_start3A_49] : memref<24x256xf32, #tpu.memory_space<hbm>> -> memref<1x256xf32, #tpu.memory_space<hbm>>
        %dma_start3A_51 = tpu.memref_squeeze %dma_start3A_50 : memref<1x256xf32, #tpu.memory_space<hbm>> -> memref<256xf32, #tpu.memory_space<hbm>>
        tpu.enqueue_dma source(%arg10 : memref<256xf32, #tpu.memory_space<vmem>>) target(%dma_start3A_51 : memref<256xf32, #tpu.memory_space<hbm>>) target_semaphore(%run_scoped3A : memref<!tpu.dma_semaphore, #tpu.memory_space<semaphore_mem>>)
        %dma_wait3A = arith.constant 0 : i32
        %dma_wait3A_52 = tpu.memref_slice %arg4[%add3A_38, %dma_wait3A] : memref<24x256xf32, #tpu.memory_space<hbm>> -> memref<1x256xf32, #tpu.memory_space<hbm>>
        %dma_wait3A_53 = tpu.memref_squeeze %dma_wait3A_52 : memref<1x256xf32, #tpu.memory_space<hbm>> -> memref<256xf32, #tpu.memory_space<hbm>>
        %dma_wait3A_54 = arith.constant 0 : i32
        %dma_wait3A_55 = tpu.memref_slice %arg4[%add3A_38, %dma_wait3A_54] : memref<24x256xf32, #tpu.memory_space<hbm>> -> memref<1x256xf32, #tpu.memory_space<hbm>>
        %dma_wait3A_56 = tpu.memref_squeeze %dma_wait3A_55 : memref<1x256xf32, #tpu.memory_space<hbm>> -> memref<256xf32, #tpu.memory_space<hbm>>
        tpu.wait_dma2 semaphore(%run_scoped3A : memref<!tpu.dma_semaphore, #tpu.memory_space<semaphore_mem>>) src(%arg10 : memref<256xf32, #tpu.memory_space<vmem>>) dst(%dma_wait3A_56 : memref<256xf32, #tpu.memory_space<hbm>>)
        tpu.yield
      }) : () -> ()
      %mul3A_39 = arith.constant 3 : i32
      %mul3A_40 = arith.muli %mul3A_39, %add3A : i32
      %add3A_41 = arith.constant 1 : i32
      %add3A_42 = arith.addi %mul3A_40, %add3A_41 : i32
      "tpu.region"() ({
        %run_scoped3A = tpu.sem_alloc : memref<!tpu.dma_semaphore, #tpu.memory_space<semaphore_mem>>
        %dma_start3A = arith.constant 0 : i32
        %dma_start3A_47 = tpu.memref_slice %arg4[%add3A_42, %dma_start3A] : memref<24x256xf32, #tpu.memory_space<hbm>> -> memref<1x256xf32, #tpu.memory_space<hbm>>
        %dma_start3A_48 = tpu.memref_squeeze %dma_start3A_47 : memref<1x256xf32, #tpu.memory_space<hbm>> -> memref<256xf32, #tpu.memory_space<hbm>>
        %dma_start3A_49 = arith.constant 0 : i32
        %dma_start3A_50 = tpu.memref_slice %arg4[%add3A_42, %dma_start3A_49] : memref<24x256xf32, #tpu.memory_space<hbm>> -> memref<1x256xf32, #tpu.memory_space<hbm>>
        %dma_start3A_51 = tpu.memref_squeeze %dma_start3A_50 : memref<1x256xf32, #tpu.memory_space<hbm>> -> memref<256xf32, #tpu.memory_space<hbm>>
        tpu.enqueue_dma source(%arg11 : memref<256xf32, #tpu.memory_space<vmem>>) target(%dma_start3A_51 : memref<256xf32, #tpu.memory_space<hbm>>) target_semaphore(%run_scoped3A : memref<!tpu.dma_semaphore, #tpu.memory_space<semaphore_mem>>)
        %dma_wait3A = arith.constant 0 : i32
        %dma_wait3A_52 = tpu.memref_slice %arg4[%add3A_42, %dma_wait3A] : memref<24x256xf32, #tpu.memory_space<hbm>> -> memref<1x256xf32, #tpu.memory_space<hbm>>
        %dma_wait3A_53 = tpu.memref_squeeze %dma_wait3A_52 : memref<1x256xf32, #tpu.memory_space<hbm>> -> memref<256xf32, #tpu.memory_space<hbm>>
        %dma_wait3A_54 = arith.constant 0 : i32
        %dma_wait3A_55 = tpu.memref_slice %arg4[%add3A_42, %dma_wait3A_54] : memref<24x256xf32, #tpu.memory_space<hbm>> -> memref<1x256xf32, #tpu.memory_space<hbm>>
        %dma_wait3A_56 = tpu.memref_squeeze %dma_wait3A_55 : memref<1x256xf32, #tpu.memory_space<hbm>> -> memref<256xf32, #tpu.memory_space<hbm>>
        tpu.wait_dma2 semaphore(%run_scoped3A : memref<!tpu.dma_semaphore, #tpu.memory_space<semaphore_mem>>) src(%arg11 : memref<256xf32, #tpu.memory_space<vmem>>) dst(%dma_wait3A_56 : memref<256xf32, #tpu.memory_space<hbm>>)
        tpu.yield
      }) : () -> ()
      %mul3A_43 = arith.constant 3 : i32
      %mul3A_44 = arith.muli %mul3A_43, %add3A : i32
      %add3A_45 = arith.constant 2 : i32
      %add3A_46 = arith.addi %mul3A_44, %add3A_45 : i32
      "tpu.region"() ({
        %run_scoped3A = tpu.sem_alloc : memref<!tpu.dma_semaphore, #tpu.memory_space<semaphore_mem>>
        %dma_start3A = arith.constant 0 : i32
        %dma_start3A_47 = tpu.memref_slice %arg4[%add3A_46, %dma_start3A] : memref<24x256xf32, #tpu.memory_space<hbm>> -> memref<1x256xf32, #tpu.memory_space<hbm>>
        %dma_start3A_48 = tpu.memref_squeeze %dma_start3A_47 : memref<1x256xf32, #tpu.memory_space<hbm>> -> memref<256xf32, #tpu.memory_space<hbm>>
        %dma_start3A_49 = arith.constant 0 : i32
        %dma_start3A_50 = tpu.memref_slice %arg4[%add3A_46, %dma_start3A_49] : memref<24x256xf32, #tpu.memory_space<hbm>> -> memref<1x256xf32, #tpu.memory_space<hbm>>
        %dma_start3A_51 = tpu.memref_squeeze %dma_start3A_50 : memref<1x256xf32, #tpu.memory_space<hbm>> -> memref<256xf32, #tpu.memory_space<hbm>>
        tpu.enqueue_dma source(%arg12 : memref<256xf32, #tpu.memory_space<vmem>>) target(%dma_start3A_51 : memref<256xf32, #tpu.memory_space<hbm>>) target_semaphore(%run_scoped3A : memref<!tpu.dma_semaphore, #tpu.memory_space<semaphore_mem>>)
        %dma_wait3A = arith.constant 0 : i32
        %dma_wait3A_52 = tpu.memref_slice %arg4[%add3A_46, %dma_wait3A] : memref<24x256xf32, #tpu.memory_space<hbm>> -> memref<1x256xf32, #tpu.memory_space<hbm>>
        %dma_wait3A_53 = tpu.memref_squeeze %dma_wait3A_52 : memref<1x256xf32, #tpu.memory_space<hbm>> -> memref<256xf32, #tpu.memory_space<hbm>>
        %dma_wait3A_54 = arith.constant 0 : i32
        %dma_wait3A_55 = tpu.memref_slice %arg4[%add3A_46, %dma_wait3A_54] : memref<24x256xf32, #tpu.memory_space<hbm>> -> memref<1x256xf32, #tpu.memory_space<hbm>>
        %dma_wait3A_56 = tpu.memref_squeeze %dma_wait3A_55 : memref<1x256xf32, #tpu.memory_space<hbm>> -> memref<256xf32, #tpu.memory_space<hbm>>
        tpu.wait_dma2 semaphore(%run_scoped3A : memref<!tpu.dma_semaphore, #tpu.memory_space<semaphore_mem>>) src(%arg12 : memref<256xf32, #tpu.memory_space<vmem>>) dst(%dma_wait3A_56 : memref<256xf32, #tpu.memory_space<hbm>>)
        tpu.yield
      }) : () -> ()
      "tpu.region"() ({
        %run_scoped3A = tpu.sem_alloc : memref<!tpu.dma_semaphore, #tpu.memory_space<semaphore_mem>>
        %dma_start3A = arith.constant 0 : i32
        %dma_start3A_47 = tpu.memref_slice %arg5[%add3A, %dma_start3A] : memref<8x256xf32, #tpu.memory_space<hbm>> -> memref<1x256xf32, #tpu.memory_space<hbm>>
        %dma_start3A_48 = tpu.memref_squeeze %dma_start3A_47 : memref<1x256xf32, #tpu.memory_space<hbm>> -> memref<256xf32, #tpu.memory_space<hbm>>
        %dma_start3A_49 = arith.constant 0 : i32
        %dma_start3A_50 = tpu.memref_slice %arg5[%add3A, %dma_start3A_49] : memref<8x256xf32, #tpu.memory_space<hbm>> -> memref<1x256xf32, #tpu.memory_space<hbm>>
        %dma_start3A_51 = tpu.memref_squeeze %dma_start3A_50 : memref<1x256xf32, #tpu.memory_space<hbm>> -> memref<256xf32, #tpu.memory_space<hbm>>
        tpu.enqueue_dma source(%arg14 : memref<256xf32, #tpu.memory_space<vmem>>) target(%dma_start3A_51 : memref<256xf32, #tpu.memory_space<hbm>>) target_semaphore(%run_scoped3A : memref<!tpu.dma_semaphore, #tpu.memory_space<semaphore_mem>>)
        %dma_wait3A = arith.constant 0 : i32
        %dma_wait3A_52 = tpu.memref_slice %arg5[%add3A, %dma_wait3A] : memref<8x256xf32, #tpu.memory_space<hbm>> -> memref<1x256xf32, #tpu.memory_space<hbm>>
        %dma_wait3A_53 = tpu.memref_squeeze %dma_wait3A_52 : memref<1x256xf32, #tpu.memory_space<hbm>> -> memref<256xf32, #tpu.memory_space<hbm>>
        %dma_wait3A_54 = arith.constant 0 : i32
        %dma_wait3A_55 = tpu.memref_slice %arg5[%add3A, %dma_wait3A_54] : memref<8x256xf32, #tpu.memory_space<hbm>> -> memref<1x256xf32, #tpu.memory_space<hbm>>
        %dma_wait3A_56 = tpu.memref_squeeze %dma_wait3A_55 : memref<1x256xf32, #tpu.memory_space<hbm>> -> memref<256xf32, #tpu.memory_space<hbm>>
        tpu.wait_dma2 semaphore(%run_scoped3A : memref<!tpu.dma_semaphore, #tpu.memory_space<semaphore_mem>>) src(%arg14 : memref<256xf32, #tpu.memory_space<vmem>>) dst(%dma_wait3A_56 : memref<256xf32, #tpu.memory_space<hbm>>)
        tpu.yield
      }) : () -> ()
    } else {
    }
    return
  }
}

module attributes {stable_mosaic.version = 14 : i64} {
  func.func @_skel_body(%arg0: i32, %arg1: i32, %arg2: memref<1x4096x3xf32, #tpu.memory_space<vmem>>, %arg3: memref<1x8x4096xf32, #tpu.memory_space<vmem>>, %arg4: memref<1x256x3xf32, #tpu.memory_space<vmem>>, %arg5: memref<1x256x3xf32, #tpu.memory_space<vmem>>, %arg6: memref<1x256x1xf32, #tpu.memory_space<vmem>>, %arg7: memref<256x4096xf32, #tpu.memory_space<vmem>>, %arg8: memref<32x256x3xf32, #tpu.memory_space<vmem>>) attributes {dimension_semantics = [#tpu.dimension_semantics<arbitrary>, #tpu.dimension_semantics<arbitrary>], iteration_bounds = array<i64: 8, 4>, scalar_prefetch = 0 : i64, scratch_operands = 2 : i64, tpu.core_type = #tpu.core_type<tc>, window_params = [{transform_indices = @transform_0, window_bounds = array<i64: 1, 4096, 3>}, {transform_indices = @transform_1, window_bounds = array<i64: 1, 8, 4096>}, {transform_indices = @transform_2, window_bounds = array<i64: 1, 256, 3>}, {transform_indices = @transform_3, window_bounds = array<i64: 1, 256, 3>}, {transform_indices = @transform_4, window_bounds = array<i64: 1, 256, 1>}]} {
    %get3A = arith.constant 0 : index
    %get3A_0 = arith.constant 0 : index
    %get3A_1 = arith.constant 0 : index
    %get3A_2 = vector.load %arg3[%get3A, %get3A_0, %get3A_1] : memref<1x8x4096xf32, #tpu.memory_space<vmem>>, vector<1x1x4096xf32>
    %get3A_3 = vector.shape_cast %get3A_2 : vector<1x1x4096xf32> to vector<1x4096xf32>
    %get3A_4 = arith.constant 0 : index
    %get3A_5 = arith.constant 1 : index
    %get3A_6 = arith.constant 0 : index
    %get3A_7 = vector.load %arg3[%get3A_4, %get3A_5, %get3A_6] : memref<1x8x4096xf32, #tpu.memory_space<vmem>>, vector<1x1x4096xf32>
    %get3A_8 = vector.shape_cast %get3A_7 : vector<1x1x4096xf32> to vector<1x4096xf32>
    %get3A_9 = arith.constant 0 : index
    %get3A_10 = arith.constant 2 : index
    %get3A_11 = arith.constant 0 : index
    %get3A_12 = vector.load %arg3[%get3A_9, %get3A_10, %get3A_11] : memref<1x8x4096xf32, #tpu.memory_space<vmem>>, vector<1x1x4096xf32>
    %get3A_13 = vector.shape_cast %get3A_12 : vector<1x1x4096xf32> to vector<1x4096xf32>
    %get3A_14 = arith.constant 0 : index
    %get3A_15 = arith.constant 0 : index
    %get3A_16 = arith.constant 0 : index
    %get3A_17 = vector.load %arg4[%get3A_14, %get3A_15, %get3A_16] : memref<1x256x3xf32, #tpu.memory_space<vmem>>, vector<1x256x3xf32>
    %get3A_18 = vector.shape_cast %get3A_17 : vector<1x256x3xf32> to vector<256x3xf32>
    %slice3A = vector.extract_strided_slice %get3A_18 {offsets = [0, 0], sizes = [256, 1], strides = [1, 1]} : vector<256x3xf32> to vector<256x1xf32>
    %slice3A_19 = vector.extract_strided_slice %get3A_18 {offsets = [0, 1], sizes = [256, 1], strides = [1, 1]} : vector<256x3xf32> to vector<256x1xf32>
    %slice3A_20 = vector.extract_strided_slice %get3A_18 {offsets = [0, 2], sizes = [256, 1], strides = [1, 1]} : vector<256x3xf32> to vector<256x1xf32>
    %sub3A = vector.broadcast %slice3A : vector<256x1xf32> to vector<256x4096xf32>
    %sub3A_21 = vector.broadcast %get3A_3 : vector<1x4096xf32> to vector<256x4096xf32>
    %sub3A_22 = arith.subf %sub3A, %sub3A_21 : vector<256x4096xf32>
    %sub3A_23 = vector.broadcast %slice3A_19 : vector<256x1xf32> to vector<256x4096xf32>
    %sub3A_24 = vector.broadcast %get3A_8 : vector<1x4096xf32> to vector<256x4096xf32>
    %sub3A_25 = arith.subf %sub3A_23, %sub3A_24 : vector<256x4096xf32>
    %sub3A_26 = vector.broadcast %slice3A_20 : vector<256x1xf32> to vector<256x4096xf32>
    %sub3A_27 = vector.broadcast %get3A_13 : vector<1x4096xf32> to vector<256x4096xf32>
    %sub3A_28 = arith.subf %sub3A_26, %sub3A_27 : vector<256x4096xf32>
    %mul3A = arith.mulf %sub3A_22, %sub3A_22 : vector<256x4096xf32>
    %mul3A_29 = arith.mulf %sub3A_25, %sub3A_25 : vector<256x4096xf32>
    %add3A = arith.addf %mul3A, %mul3A_29 : vector<256x4096xf32>
    %mul3A_30 = arith.mulf %sub3A_28, %sub3A_28 : vector<256x4096xf32>
    %add3A_31 = arith.addf %add3A, %mul3A_30 : vector<256x4096xf32>
    %swap3A = arith.constant 0 : index
    %swap3A_32 = arith.constant 0 : index
    %swap3A_33 = vector.load %arg7[%swap3A, %swap3A_32] : memref<256x4096xf32, #tpu.memory_space<vmem>>, vector<256x4096xf32>
    tpu.vector_store %arg7[%swap3A, %swap3A_32], %add3A_31 {strides = array<i32>} : memref<256x4096xf32, #tpu.memory_space<vmem>>, vector<256x4096xf32>,
    %iota3A = tpu.iota {dimensions = array<i32: 1>} : vector<256x4096xi32>
    %broadcast_in_dim3A = arith.constant 0.000000e+00 : f32
    %broadcast_in_dim3A_34 = vector.broadcast %broadcast_in_dim3A : f32 to vector<256x3xf32>
    %scan3A = arith.constant 0.000000e+00 : f32
    %scan3A_35 = arith.constant 0 : i32
    %scan3A_36 = arith.constant 32 : i32
    %scan3A_37 = arith.addi %scan3A_35, %scan3A_36 : i32
    %scan3A_38 = arith.constant 1 : i32
    %scan3A_39 = scf.for %scan3A_66 = %scan3A_35 to %scan3A_37 step %scan3A_38 iter_args(%scan3A_67 = %broadcast_in_dim3A_34) -> (vector<256x3xf32>)  : i32 {
      %get3A_68 = arith.constant 0 : index
      %get3A_69 = arith.constant 0 : index
      %get3A_70 = vector.load %arg7[%get3A_68, %get3A_69] : memref<256x4096xf32, #tpu.memory_space<vmem>>, vector<256x4096xf32>
      %reduce_min3A = arith.constant dense<0x7F800000> : vector<256xf32>
      %reduce_min3A_71 = vector.multi_reduction <minimumf>, %get3A_70, %reduce_min3A [1] : vector<256x4096xf32> to vector<256xf32>
      %broadcast_in_dim3A_72 = vector.shape_cast %reduce_min3A_71 : vector<256xf32> to vector<256x1xf32>
      %eq3A = vector.broadcast %broadcast_in_dim3A_72 : vector<256x1xf32> to vector<256x4096xf32>
      %eq3A_73 = arith.cmpf oeq, %get3A_70, %eq3A : vector<256x4096xf32>
      %jit3A = arith.constant 4096 : i32
      %broadcast_in_dim3A_74 = vector.broadcast %jit3A : i32 to vector<256x4096xi32>
      %select_n3A = arith.select %eq3A_73, %iota3A, %broadcast_in_dim3A_74 : vector<256x4096xi1>, vector<256x4096xi32>
      %reduce_min3A_75 = arith.constant dense<2147483647> : vector<256xi32>
      %reduce_min3A_76 = vector.multi_reduction <minsi>, %select_n3A, %reduce_min3A_75 [1] : vector<256x4096xi32> to vector<256xi32>
      %broadcast_in_dim3A_77 = vector.shape_cast %reduce_min3A_76 : vector<256xi32> to vector<256x1xi32>
      %eq3A_78 = vector.broadcast %broadcast_in_dim3A_77 : vector<256x1xi32> to vector<256x4096xi32>
      %eq3A_79 = arith.cmpi eq, %iota3A, %eq3A_78 : vector<256x4096xi32>
      %jit3A_80 = arith.constant 0x7F800000 : f32
      %broadcast_in_dim3A_81 = vector.broadcast %jit3A_80 : f32 to vector<256x4096xf32>
      %select_n3A_82 = arith.select %eq3A_79, %broadcast_in_dim3A_81, %get3A_70 : vector<256x4096xi1>, vector<256x4096xf32>
      %swap3A_83 = arith.constant 0 : index
      %swap3A_84 = arith.constant 0 : index
      %swap3A_85 = vector.load %arg7[%swap3A_83, %swap3A_84] : memref<256x4096xf32, #tpu.memory_space<vmem>>, vector<256x4096xf32>
      tpu.vector_store %arg7[%swap3A_83, %swap3A_84], %select_n3A_82 {strides = array<i32>} : memref<256x4096xf32, #tpu.memory_space<vmem>>, vector<256x4096xf32>,
      %broadcast_in_dim3A_86 = vector.shape_cast %get3A_3 : vector<1x4096xf32> to vector<1x4096xf32>
      %broadcast_in_dim3A_87 = vector.broadcast %broadcast_in_dim3A_86 : vector<1x4096xf32> to vector<256x4096xf32>
      %broadcast_in_dim3A_88 = vector.broadcast %scan3A : f32 to vector<256x4096xf32>
      %select_n3A_89 = arith.select %eq3A_79, %broadcast_in_dim3A_87, %broadcast_in_dim3A_88 : vector<256x4096xi1>, vector<256x4096xf32>
      %reduce_sum3A = arith.constant dense<0.000000e+00> : vector<256xf32>
      %reduce_sum3A_90 = vector.multi_reduction <add>, %select_n3A_89, %reduce_sum3A [1] : vector<256x4096xf32> to vector<256xf32>
      %broadcast_in_dim3A_91 = vector.shape_cast %reduce_sum3A_90 : vector<256xf32> to vector<256x1xf32>
      %broadcast_in_dim3A_92 = vector.shape_cast %get3A_8 : vector<1x4096xf32> to vector<1x4096xf32>
      %broadcast_in_dim3A_93 = vector.broadcast %broadcast_in_dim3A_92 : vector<1x4096xf32> to vector<256x4096xf32>
      %broadcast_in_dim3A_94 = vector.broadcast %scan3A : f32 to vector<256x4096xf32>
      %select_n3A_95 = arith.select %eq3A_79, %broadcast_in_dim3A_93, %broadcast_in_dim3A_94 : vector<256x4096xi1>, vector<256x4096xf32>
      %reduce_sum3A_96 = arith.constant dense<0.000000e+00> : vector<256xf32>
      %reduce_sum3A_97 = vector.multi_reduction <add>, %select_n3A_95, %reduce_sum3A_96 [1] : vector<256x4096xf32> to vector<256xf32>
      %broadcast_in_dim3A_98 = vector.shape_cast %reduce_sum3A_97 : vector<256xf32> to vector<256x1xf32>
      %broadcast_in_dim3A_99 = vector.shape_cast %get3A_13 : vector<1x4096xf32> to vector<1x4096xf32>
      %broadcast_in_dim3A_100 = vector.broadcast %broadcast_in_dim3A_99 : vector<1x4096xf32> to vector<256x4096xf32>
      %broadcast_in_dim3A_101 = vector.broadcast %scan3A : f32 to vector<256x4096xf32>
      %select_n3A_102 = arith.select %eq3A_79, %broadcast_in_dim3A_100, %broadcast_in_dim3A_101 : vector<256x4096xi1>, vector<256x4096xf32>
      %reduce_sum3A_103 = arith.constant dense<0.000000e+00> : vector<256xf32>
      %reduce_sum3A_104 = vector.multi_reduction <add>, %select_n3A_102, %reduce_sum3A_103 [1] : vector<256x4096xf32> to vector<256xf32>
      %broadcast_in_dim3A_105 = vector.shape_cast %reduce_sum3A_104 : vector<256xf32> to vector<256x1xf32>
      %concatenate3A = tpu.concatenate %broadcast_in_dim3A_91, %broadcast_in_dim3A_98, %broadcast_in_dim3A_105 in 1 : vector<256x1xf32>, vector<256x1xf32>, vector<256x1xf32> -> vector<256x3xf32>
      %swap3A_106 = arith.index_cast %scan3A_66 : i32 to index
      %swap3A_107 = arith.constant 0 : index
      %swap3A_108 = arith.constant 0 : index
      %swap3A_109 = vector.load %arg8[%swap3A_106, %swap3A_107, %swap3A_108] : memref<32x256x3xf32, #tpu.memory_space<vmem>>, vector<1x256x3xf32>
      %swap3A_110 = vector.shape_cast %swap3A_109 : vector<1x256x3xf32> to vector<256x3xf32>
      %swap3A_111 = vector.shape_cast %concatenate3A : vector<256x3xf32> to vector<1x256x3xf32>
      tpu.vector_store %arg8[%swap3A_106, %swap3A_107, %swap3A_108], %swap3A_111 {strides = array<i32>} : memref<32x256x3xf32, #tpu.memory_space<vmem>>, vector<1x256x3xf32>,
      %add3A_112 = arith.addf %scan3A_67, %concatenate3A : vector<256x3xf32>
      scf.yield %add3A_112 : vector<256x3xf32>
    }
    %scan3A_40 = arith.constant 32 : i32
    %div3A = arith.constant 3.200000e+01 : f32
    %div3A_41 = vector.broadcast %div3A : f32 to vector<256x3xf32>
    %div3A_42 = arith.divf %scan3A_39, %div3A_41 : vector<256x3xf32>
    %broadcast_in_dim3A_43 = arith.constant 0.000000e+00 : f32
    %broadcast_in_dim3A_44 = vector.broadcast %broadcast_in_dim3A_43 : f32 to vector<256x1xf32>
    %scan3A_45 = arith.constant 0 : i32
    %scan3A_46 = arith.constant 32 : i32
    %scan3A_47 = arith.addi %scan3A_45, %scan3A_46 : i32
    %scan3A_48 = arith.constant 1 : i32
    %scan3A_49 = scf.for %scan3A_66 = %scan3A_45 to %scan3A_47 step %scan3A_48 iter_args(%scan3A_67 = %broadcast_in_dim3A_44) -> (vector<256x1xf32>)  : i32 {
      %get3A_68 = arith.index_cast %scan3A_66 : i32 to index
      %get3A_69 = arith.constant 0 : index
      %get3A_70 = arith.constant 0 : index
      %get3A_71 = vector.load %arg8[%get3A_68, %get3A_69, %get3A_70] : memref<32x256x3xf32, #tpu.memory_space<vmem>>, vector<1x256x3xf32>
      %get3A_72 = vector.shape_cast %get3A_71 : vector<1x256x3xf32> to vector<256x3xf32>
      %sub3A_73 = arith.subf %get3A_72, %div3A_42 : vector<256x3xf32>
      %slice3A_74 = vector.extract_strided_slice %sub3A_73 {offsets = [0, 0], sizes = [256, 1], strides = [1, 1]} : vector<256x3xf32> to vector<256x1xf32>
      %slice3A_75 = vector.extract_strided_slice %sub3A_73 {offsets = [0, 0], sizes = [256, 1], strides = [1, 1]} : vector<256x3xf32> to vector<256x1xf32>
      %mul3A_76 = arith.mulf %slice3A_74, %slice3A_75 : vector<256x1xf32>
      %slice3A_77 = vector.extract_strided_slice %sub3A_73 {offsets = [0, 1], sizes = [256, 1], strides = [1, 1]} : vector<256x3xf32> to vector<256x1xf32>
      %slice3A_78 = vector.extract_strided_slice %sub3A_73 {offsets = [0, 1], sizes = [256, 1], strides = [1, 1]} : vector<256x3xf32> to vector<256x1xf32>
      %mul3A_79 = arith.mulf %slice3A_77, %slice3A_78 : vector<256x1xf32>
      %add3A_80 = arith.addf %mul3A_76, %mul3A_79 : vector<256x1xf32>
      %slice3A_81 = vector.extract_strided_slice %sub3A_73 {offsets = [0, 2], sizes = [256, 1], strides = [1, 1]} : vector<256x3xf32> to vector<256x1xf32>
      %slice3A_82 = vector.extract_strided_slice %sub3A_73 {offsets = [0, 2], sizes = [256, 1], strides = [1, 1]} : vector<256x3xf32> to vector<256x1xf32>
      %mul3A_83 = arith.mulf %slice3A_81, %slice3A_82 : vector<256x1xf32>
      %add3A_84 = arith.addf %add3A_80, %mul3A_83 : vector<256x1xf32>
      %add3A_85 = arith.constant 9.99999996E-13 : f32
      %add3A_86 = vector.broadcast %add3A_85 : f32 to vector<256x1xf32>
      %add3A_87 = arith.addf %add3A_84, %add3A_86 : vector<256x1xf32>
      %sqrt3A = math.sqrt %add3A_87 : vector<256x1xf32>
      %add3A_88 = arith.addf %scan3A_67, %sqrt3A : vector<256x1xf32>
      scf.yield %add3A_88 : vector<256x1xf32>
    }
    %scan3A_50 = arith.constant 32 : i32
    %div3A_51 = arith.constant 3.200000e+01 : f32
    %div3A_52 = vector.broadcast %div3A_51 : f32 to vector<256x1xf32>
    %div3A_53 = arith.divf %scan3A_49, %div3A_52 : vector<256x1xf32>
    %swap3A_54 = arith.constant 0 : index
    %swap3A_55 = arith.constant 0 : index
    %swap3A_56 = arith.constant 0 : index
    %swap3A_57 = vector.load %arg5[%swap3A_54, %swap3A_55, %swap3A_56] : memref<1x256x3xf32, #tpu.memory_space<vmem>>, vector<1x256x3xf32>
    %swap3A_58 = vector.shape_cast %swap3A_57 : vector<1x256x3xf32> to vector<256x3xf32>
    %swap3A_59 = vector.shape_cast %div3A_42 : vector<256x3xf32> to vector<1x256x3xf32>
    tpu.vector_store %arg5[%swap3A_54, %swap3A_55, %swap3A_56], %swap3A_59 {strides = array<i32>} : memref<1x256x3xf32, #tpu.memory_space<vmem>>, vector<1x256x3xf32>,
    %swap3A_60 = arith.constant 0 : index
    %swap3A_61 = arith.constant 0 : index
    %swap3A_62 = arith.constant 0 : index
    %swap3A_63 = vector.load %arg6[%swap3A_60, %swap3A_61, %swap3A_62] : memref<1x256x1xf32, #tpu.memory_space<vmem>>, vector<1x256x1xf32>
    %swap3A_64 = vector.shape_cast %swap3A_63 : vector<1x256x1xf32> to vector<256x1xf32>
    %swap3A_65 = vector.shape_cast %div3A_53 : vector<256x1xf32> to vector<1x256x1xf32>
    tpu.vector_store %arg6[%swap3A_60, %swap3A_61, %swap3A_62], %swap3A_65 {strides = array<i32>} : memref<1x256x1xf32, #tpu.memory_space<vmem>>, vector<1x256x1xf32>,
    return
  }
  func.func @transform_0(%arg0: i32, %arg1: i32) -> (i32, i32, i32) {
    %c0_i32 = arith.constant 0 : i32
    %c0_i32_0 = arith.constant 0 : i32
    %c0_i32_1 = arith.constant 0 : i32
    return %arg0, %c0_i32, %c0_i32_0 : i32, i32, i32
  }
  func.func @transform_1(%arg0: i32, %arg1: i32) -> (i32, i32, i32) {
    %c0_i32 = arith.constant 0 : i32
    %c0_i32_0 = arith.constant 0 : i32
    %c0_i32_1 = arith.constant 0 : i32
    return %arg0, %c0_i32, %c0_i32_0 : i32, i32, i32
  }
  func.func @transform_2(%arg0: i32, %arg1: i32) -> (i32, i32, i32) {
    %c0_i32 = arith.constant 0 : i32
    %c0_i32_0 = arith.constant 0 : i32
    return %arg0, %arg1, %c0_i32 : i32, i32, i32
  }
  func.func @transform_3(%arg0: i32, %arg1: i32) -> (i32, i32, i32) {
    %c0_i32 = arith.constant 0 : i32
    %c0_i32_0 = arith.constant 0 : i32
    return %arg0, %arg1, %c0_i32 : i32, i32, i32
  }
  func.func @transform_4(%arg0: i32, %arg1: i32) -> (i32, i32, i32) {
    %c0_i32 = arith.constant 0 : i32
    %c0_i32_0 = arith.constant 0 : i32
    return %arg0, %arg1, %c0_i32 : i32, i32, i32
  }
}

module attributes {stable_mosaic.version = 14 : i64} {
  func.func @_skel_body(%arg0: i32, %arg1: i32, %arg2: memref<1x4096x3xf32, #tpu.memory_space<vmem>>, %arg3: memref<1x8x4096xf32, #tpu.memory_space<vmem>>, %arg4: memref<1x256x3xf32, #tpu.memory_space<vmem>>, %arg5: memref<1x256x3xf32, #tpu.memory_space<vmem>>, %arg6: memref<1x256x1xf32, #tpu.memory_space<vmem>>, %arg7: memref<256x4096xf32, #tpu.memory_space<vmem>>, %arg8: memref<32x256x3xf32, #tpu.memory_space<vmem>>) attributes {dimension_semantics = [#tpu.dimension_semantics<arbitrary>, #tpu.dimension_semantics<arbitrary>], iteration_bounds = array<i64: 8, 4>, scalar_prefetch = 0 : i64, scratch_operands = 2 : i64, tpu.core_type = #tpu.core_type<tc>, window_params = [{transform_indices = @transform_0, window_bounds = array<i64: 1, 4096, 3>}, {transform_indices = @transform_1, window_bounds = array<i64: 1, 8, 4096>}, {transform_indices = @transform_2, window_bounds = array<i64: 1, 256, 3>}, {transform_indices = @transform_3, window_bounds = array<i64: 1, 256, 3>}, {transform_indices = @transform_4, window_bounds = array<i64: 1, 256, 1>}]} {
    %get3A = arith.constant 0 : index
    %get3A_0 = arith.constant 0 : index
    %get3A_1 = arith.constant 0 : index
    %get3A_2 = vector.load %arg3[%get3A, %get3A_0, %get3A_1] : memref<1x8x4096xf32, #tpu.memory_space<vmem>>, vector<1x1x4096xf32>
    %get3A_3 = vector.shape_cast %get3A_2 : vector<1x1x4096xf32> to vector<1x4096xf32>
    %get3A_4 = arith.constant 0 : index
    %get3A_5 = arith.constant 1 : index
    %get3A_6 = arith.constant 0 : index
    %get3A_7 = vector.load %arg3[%get3A_4, %get3A_5, %get3A_6] : memref<1x8x4096xf32, #tpu.memory_space<vmem>>, vector<1x1x4096xf32>
    %get3A_8 = vector.shape_cast %get3A_7 : vector<1x1x4096xf32> to vector<1x4096xf32>
    %get3A_9 = arith.constant 0 : index
    %get3A_10 = arith.constant 2 : index
    %get3A_11 = arith.constant 0 : index
    %get3A_12 = vector.load %arg3[%get3A_9, %get3A_10, %get3A_11] : memref<1x8x4096xf32, #tpu.memory_space<vmem>>, vector<1x1x4096xf32>
    %get3A_13 = vector.shape_cast %get3A_12 : vector<1x1x4096xf32> to vector<1x4096xf32>
    %get3A_14 = arith.constant 0 : index
    %get3A_15 = arith.constant 0 : index
    %get3A_16 = arith.constant 0 : index
    %get3A_17 = vector.load %arg4[%get3A_14, %get3A_15, %get3A_16] : memref<1x256x3xf32, #tpu.memory_space<vmem>>, vector<1x256x3xf32>
    %get3A_18 = vector.shape_cast %get3A_17 : vector<1x256x3xf32> to vector<256x3xf32>
    %slice3A = vector.extract_strided_slice %get3A_18 {offsets = [0, 0], sizes = [256, 1], strides = [1, 1]} : vector<256x3xf32> to vector<256x1xf32>
    %slice3A_19 = vector.extract_strided_slice %get3A_18 {offsets = [0, 1], sizes = [256, 1], strides = [1, 1]} : vector<256x3xf32> to vector<256x1xf32>
    %slice3A_20 = vector.extract_strided_slice %get3A_18 {offsets = [0, 2], sizes = [256, 1], strides = [1, 1]} : vector<256x3xf32> to vector<256x1xf32>
    %sub3A = vector.broadcast %slice3A : vector<256x1xf32> to vector<256x4096xf32>
    %sub3A_21 = vector.broadcast %get3A_3 : vector<1x4096xf32> to vector<256x4096xf32>
    %sub3A_22 = arith.subf %sub3A, %sub3A_21 : vector<256x4096xf32>
    %sub3A_23 = vector.broadcast %slice3A_19 : vector<256x1xf32> to vector<256x4096xf32>
    %sub3A_24 = vector.broadcast %get3A_8 : vector<1x4096xf32> to vector<256x4096xf32>
    %sub3A_25 = arith.subf %sub3A_23, %sub3A_24 : vector<256x4096xf32>
    %sub3A_26 = vector.broadcast %slice3A_20 : vector<256x1xf32> to vector<256x4096xf32>
    %sub3A_27 = vector.broadcast %get3A_13 : vector<1x4096xf32> to vector<256x4096xf32>
    %sub3A_28 = arith.subf %sub3A_26, %sub3A_27 : vector<256x4096xf32>
    %mul3A = arith.mulf %sub3A_22, %sub3A_22 : vector<256x4096xf32>
    %mul3A_29 = arith.mulf %sub3A_25, %sub3A_25 : vector<256x4096xf32>
    %add3A = arith.addf %mul3A, %mul3A_29 : vector<256x4096xf32>
    %mul3A_30 = arith.mulf %sub3A_28, %sub3A_28 : vector<256x4096xf32>
    %add3A_31 = arith.addf %add3A, %mul3A_30 : vector<256x4096xf32>
    %swap3A = arith.constant 0 : index
    %swap3A_32 = arith.constant 0 : index
    %swap3A_33 = vector.load %arg7[%swap3A, %swap3A_32] : memref<256x4096xf32, #tpu.memory_space<vmem>>, vector<256x4096xf32>
    tpu.vector_store %arg7[%swap3A, %swap3A_32], %add3A_31 {strides = array<i32>} : memref<256x4096xf32, #tpu.memory_space<vmem>>, vector<256x4096xf32>,
    %iota3A = tpu.iota {dimensions = array<i32: 1>} : vector<256x4096xi32>
    %broadcast_in_dim3A = arith.constant 0.000000e+00 : f32
    %broadcast_in_dim3A_34 = vector.broadcast %broadcast_in_dim3A : f32 to vector<256x3xf32>
    %scan3A = arith.constant 0.000000e+00 : f32
    %scan3A_35 = arith.constant 0 : i32
    %scan3A_36 = arith.constant 32 : i32
    %scan3A_37 = arith.addi %scan3A_35, %scan3A_36 : i32
    %scan3A_38 = arith.constant 1 : i32
    %scan3A_39 = scf.for %scan3A_66 = %scan3A_35 to %scan3A_37 step %scan3A_38 iter_args(%scan3A_67 = %broadcast_in_dim3A_34) -> (vector<256x3xf32>)  : i32 {
      %get3A_68 = arith.constant 0 : index
      %get3A_69 = arith.constant 0 : index
      %get3A_70 = vector.load %arg7[%get3A_68, %get3A_69] : memref<256x4096xf32, #tpu.memory_space<vmem>>, vector<256x4096xf32>
      %reduce_min3A = arith.constant dense<0x7F800000> : vector<256xf32>
      %reduce_min3A_71 = vector.multi_reduction <minimumf>, %get3A_70, %reduce_min3A [1] : vector<256x4096xf32> to vector<256xf32>
      %broadcast_in_dim3A_72 = vector.shape_cast %reduce_min3A_71 : vector<256xf32> to vector<256x1xf32>
      %eq3A = vector.broadcast %broadcast_in_dim3A_72 : vector<256x1xf32> to vector<256x4096xf32>
      %eq3A_73 = arith.cmpf oeq, %get3A_70, %eq3A : vector<256x4096xf32>
      %jit3A = arith.constant 4096 : i32
      %broadcast_in_dim3A_74 = vector.broadcast %jit3A : i32 to vector<256x4096xi32>
      %select_n3A = arith.select %eq3A_73, %iota3A, %broadcast_in_dim3A_74 : vector<256x4096xi1>, vector<256x4096xi32>
      %reduce_min3A_75 = arith.constant dense<2147483647> : vector<256xi32>
      %reduce_min3A_76 = vector.multi_reduction <minsi>, %select_n3A, %reduce_min3A_75 [1] : vector<256x4096xi32> to vector<256xi32>
      %broadcast_in_dim3A_77 = vector.shape_cast %reduce_min3A_76 : vector<256xi32> to vector<256x1xi32>
      %eq3A_78 = vector.broadcast %broadcast_in_dim3A_77 : vector<256x1xi32> to vector<256x4096xi32>
      %eq3A_79 = arith.cmpi eq, %iota3A, %eq3A_78 : vector<256x4096xi32>
      %jit3A_80 = arith.constant 0x7F800000 : f32
      %broadcast_in_dim3A_81 = vector.broadcast %jit3A_80 : f32 to vector<256x4096xf32>
      %select_n3A_82 = arith.select %eq3A_79, %broadcast_in_dim3A_81, %get3A_70 : vector<256x4096xi1>, vector<256x4096xf32>
      %swap3A_83 = arith.constant 0 : index
      %swap3A_84 = arith.constant 0 : index
      %swap3A_85 = vector.load %arg7[%swap3A_83, %swap3A_84] : memref<256x4096xf32, #tpu.memory_space<vmem>>, vector<256x4096xf32>
      tpu.vector_store %arg7[%swap3A_83, %swap3A_84], %select_n3A_82 {strides = array<i32>} : memref<256x4096xf32, #tpu.memory_space<vmem>>, vector<256x4096xf32>,
      %broadcast_in_dim3A_86 = vector.shape_cast %get3A_3 : vector<1x4096xf32> to vector<1x4096xf32>
      %broadcast_in_dim3A_87 = vector.broadcast %broadcast_in_dim3A_86 : vector<1x4096xf32> to vector<256x4096xf32>
      %broadcast_in_dim3A_88 = vector.broadcast %scan3A : f32 to vector<256x4096xf32>
      %select_n3A_89 = arith.select %eq3A_79, %broadcast_in_dim3A_87, %broadcast_in_dim3A_88 : vector<256x4096xi1>, vector<256x4096xf32>
      %reduce_sum3A = arith.constant dense<0.000000e+00> : vector<256xf32>
      %reduce_sum3A_90 = vector.multi_reduction <add>, %select_n3A_89, %reduce_sum3A [1] : vector<256x4096xf32> to vector<256xf32>
      %broadcast_in_dim3A_91 = vector.shape_cast %reduce_sum3A_90 : vector<256xf32> to vector<256x1xf32>
      %broadcast_in_dim3A_92 = vector.shape_cast %get3A_8 : vector<1x4096xf32> to vector<1x4096xf32>
      %broadcast_in_dim3A_93 = vector.broadcast %broadcast_in_dim3A_92 : vector<1x4096xf32> to vector<256x4096xf32>
      %broadcast_in_dim3A_94 = vector.broadcast %scan3A : f32 to vector<256x4096xf32>
      %select_n3A_95 = arith.select %eq3A_79, %broadcast_in_dim3A_93, %broadcast_in_dim3A_94 : vector<256x4096xi1>, vector<256x4096xf32>
      %reduce_sum3A_96 = arith.constant dense<0.000000e+00> : vector<256xf32>
      %reduce_sum3A_97 = vector.multi_reduction <add>, %select_n3A_95, %reduce_sum3A_96 [1] : vector<256x4096xf32> to vector<256xf32>
      %broadcast_in_dim3A_98 = vector.shape_cast %reduce_sum3A_97 : vector<256xf32> to vector<256x1xf32>
      %broadcast_in_dim3A_99 = vector.shape_cast %get3A_13 : vector<1x4096xf32> to vector<1x4096xf32>
      %broadcast_in_dim3A_100 = vector.broadcast %broadcast_in_dim3A_99 : vector<1x4096xf32> to vector<256x4096xf32>
      %broadcast_in_dim3A_101 = vector.broadcast %scan3A : f32 to vector<256x4096xf32>
      %select_n3A_102 = arith.select %eq3A_79, %broadcast_in_dim3A_100, %broadcast_in_dim3A_101 : vector<256x4096xi1>, vector<256x4096xf32>
      %reduce_sum3A_103 = arith.constant dense<0.000000e+00> : vector<256xf32>
      %reduce_sum3A_104 = vector.multi_reduction <add>, %select_n3A_102, %reduce_sum3A_103 [1] : vector<256x4096xf32> to vector<256xf32>
      %broadcast_in_dim3A_105 = vector.shape_cast %reduce_sum3A_104 : vector<256xf32> to vector<256x1xf32>
      %concatenate3A = tpu.concatenate %broadcast_in_dim3A_91, %broadcast_in_dim3A_98, %broadcast_in_dim3A_105 in 1 : vector<256x1xf32>, vector<256x1xf32>, vector<256x1xf32> -> vector<256x3xf32>
      %swap3A_106 = arith.index_cast %scan3A_66 : i32 to index
      %swap3A_107 = arith.constant 0 : index
      %swap3A_108 = arith.constant 0 : index
      %swap3A_109 = vector.load %arg8[%swap3A_106, %swap3A_107, %swap3A_108] : memref<32x256x3xf32, #tpu.memory_space<vmem>>, vector<1x256x3xf32>
      %swap3A_110 = vector.shape_cast %swap3A_109 : vector<1x256x3xf32> to vector<256x3xf32>
      %swap3A_111 = vector.shape_cast %concatenate3A : vector<256x3xf32> to vector<1x256x3xf32>
      tpu.vector_store %arg8[%swap3A_106, %swap3A_107, %swap3A_108], %swap3A_111 {strides = array<i32>} : memref<32x256x3xf32, #tpu.memory_space<vmem>>, vector<1x256x3xf32>,
      %add3A_112 = arith.addf %scan3A_67, %concatenate3A : vector<256x3xf32>
      scf.yield %add3A_112 : vector<256x3xf32>
    }
    %scan3A_40 = arith.constant 32 : i32
    %div3A = arith.constant 3.200000e+01 : f32
    %div3A_41 = vector.broadcast %div3A : f32 to vector<256x3xf32>
    %div3A_42 = arith.divf %scan3A_39, %div3A_41 : vector<256x3xf32>
    %broadcast_in_dim3A_43 = arith.constant 0.000000e+00 : f32
    %broadcast_in_dim3A_44 = vector.broadcast %broadcast_in_dim3A_43 : f32 to vector<256x1xf32>
    %scan3A_45 = arith.constant 0 : i32
    %scan3A_46 = arith.constant 32 : i32
    %scan3A_47 = arith.addi %scan3A_45, %scan3A_46 : i32
    %scan3A_48 = arith.constant 1 : i32
    %scan3A_49 = scf.for %scan3A_66 = %scan3A_45 to %scan3A_47 step %scan3A_48 iter_args(%scan3A_67 = %broadcast_in_dim3A_44) -> (vector<256x1xf32>)  : i32 {
      %get3A_68 = arith.index_cast %scan3A_66 : i32 to index
      %get3A_69 = arith.constant 0 : index
      %get3A_70 = arith.constant 0 : index
      %get3A_71 = vector.load %arg8[%get3A_68, %get3A_69, %get3A_70] : memref<32x256x3xf32, #tpu.memory_space<vmem>>, vector<1x256x3xf32>
      %get3A_72 = vector.shape_cast %get3A_71 : vector<1x256x3xf32> to vector<256x3xf32>
      %sub3A_73 = arith.subf %get3A_72, %div3A_42 : vector<256x3xf32>
      %slice3A_74 = vector.extract_strided_slice %sub3A_73 {offsets = [0, 0], sizes = [256, 1], strides = [1, 1]} : vector<256x3xf32> to vector<256x1xf32>
      %slice3A_75 = vector.extract_strided_slice %sub3A_73 {offsets = [0, 0], sizes = [256, 1], strides = [1, 1]} : vector<256x3xf32> to vector<256x1xf32>
      %mul3A_76 = arith.mulf %slice3A_74, %slice3A_75 : vector<256x1xf32>
      %slice3A_77 = vector.extract_strided_slice %sub3A_73 {offsets = [0, 1], sizes = [256, 1], strides = [1, 1]} : vector<256x3xf32> to vector<256x1xf32>
      %slice3A_78 = vector.extract_strided_slice %sub3A_73 {offsets = [0, 1], sizes = [256, 1], strides = [1, 1]} : vector<256x3xf32> to vector<256x1xf32>
      %mul3A_79 = arith.mulf %slice3A_77, %slice3A_78 : vector<256x1xf32>
      %add3A_80 = arith.addf %mul3A_76, %mul3A_79 : vector<256x1xf32>
      %slice3A_81 = vector.extract_strided_slice %sub3A_73 {offsets = [0, 2], sizes = [256, 1], strides = [1, 1]} : vector<256x3xf32> to vector<256x1xf32>
      %slice3A_82 = vector.extract_strided_slice %sub3A_73 {offsets = [0, 2], sizes = [256, 1], strides = [1, 1]} : vector<256x3xf32> to vector<256x1xf32>
      %mul3A_83 = arith.mulf %slice3A_81, %slice3A_82 : vector<256x1xf32>
      %add3A_84 = arith.addf %add3A_80, %mul3A_83 : vector<256x1xf32>
      %add3A_85 = arith.constant 9.99999996E-13 : f32
      %add3A_86 = vector.broadcast %add3A_85 : f32 to vector<256x1xf32>
      %add3A_87 = arith.addf %add3A_84, %add3A_86 : vector<256x1xf32>
      %sqrt3A = math.sqrt %add3A_87 : vector<256x1xf32>
      %add3A_88 = arith.addf %scan3A_67, %sqrt3A : vector<256x1xf32>
      scf.yield %add3A_88 : vector<256x1xf32>
    }
    %scan3A_50 = arith.constant 32 : i32
    %div3A_51 = arith.constant 3.200000e+01 : f32
    %div3A_52 = vector.broadcast %div3A_51 : f32 to vector<256x1xf32>
    %div3A_53 = arith.divf %scan3A_49, %div3A_52 : vector<256x1xf32>
    %swap3A_54 = arith.constant 0 : index
    %swap3A_55 = arith.constant 0 : index
    %swap3A_56 = arith.constant 0 : index
    %swap3A_57 = vector.load %arg5[%swap3A_54, %swap3A_55, %swap3A_56] : memref<1x256x3xf32, #tpu.memory_space<vmem>>, vector<1x256x3xf32>
    %swap3A_58 = vector.shape_cast %swap3A_57 : vector<1x256x3xf32> to vector<256x3xf32>
    %swap3A_59 = vector.shape_cast %div3A_42 : vector<256x3xf32> to vector<1x256x3xf32>
    tpu.vector_store %arg5[%swap3A_54, %swap3A_55, %swap3A_56], %swap3A_59 {strides = array<i32>} : memref<1x256x3xf32, #tpu.memory_space<vmem>>, vector<1x256x3xf32>,
    %swap3A_60 = arith.constant 0 : index
    %swap3A_61 = arith.constant 0 : index
    %swap3A_62 = arith.constant 0 : index
    %swap3A_63 = vector.load %arg6[%swap3A_60, %swap3A_61, %swap3A_62] : memref<1x256x1xf32, #tpu.memory_space<vmem>>, vector<1x256x1xf32>
    %swap3A_64 = vector.shape_cast %swap3A_63 : vector<1x256x1xf32> to vector<256x1xf32>
    %swap3A_65 = vector.shape_cast %div3A_53 : vector<256x1xf32> to vector<1x256x1xf32>
    tpu.vector_store %arg6[%swap3A_60, %swap3A_61, %swap3A_62], %swap3A_65 {strides = array<i32>} : memref<1x256x1xf32, #tpu.memory_space<vmem>>, vector<1x256x1xf32>,
    return
  }
  func.func @transform_0(%arg0: i32, %arg1: i32) -> (i32, i32, i32) {
    %c0_i32 = arith.constant 0 : i32
    %c0_i32_0 = arith.constant 0 : i32
    %c0_i32_1 = arith.constant 0 : i32
    return %arg0, %c0_i32, %c0_i32_0 : i32, i32, i32
  }
  func.func @transform_1(%arg0: i32, %arg1: i32) -> (i32, i32, i32) {
    %c0_i32 = arith.constant 0 : i32
    %c0_i32_0 = arith.constant 0 : i32
    %c0_i32_1 = arith.constant 0 : i32
    return %arg0, %c0_i32, %c0_i32_0 : i32, i32, i32
  }
  func.func @transform_2(%arg0: i32, %arg1: i32) -> (i32, i32, i32) {
    %c0_i32 = arith.constant 0 : i32
    %c0_i32_0 = arith.constant 0 : i32
    return %arg0, %arg1, %c0_i32 : i32, i32, i32
  }
  func.func @transform_3(%arg0: i32, %arg1: i32) -> (i32, i32, i32) {
    %c0_i32 = arith.constant 0 : i32
    %c0_i32_0 = arith.constant 0 : i32
    return %arg0, %arg1, %c0_i32 : i32, i32, i32
  }
  func.func @transform_4(%arg0: i32, %arg1: i32) -> (i32, i32, i32) {
    %c0_i32 = arith.constant 0 : i32
    %c0_i32_0 = arith.constant 0 : i32
    return %arg0, %arg1, %c0_i32 : i32, i32, i32
  }
}

module attributes {stable_mosaic.version = 14 : i64} {
  func.func @_skel_body(%arg0: i32, %arg1: i32, %arg2: memref<1x1024x3xf32, #tpu.memory_space<vmem>>, %arg3: memref<1x8x1024xf32, #tpu.memory_space<vmem>>, %arg4: memref<1x256x3xf32, #tpu.memory_space<vmem>>, %arg5: memref<1x256x3xf32, #tpu.memory_space<vmem>>, %arg6: memref<1x256x1xf32, #tpu.memory_space<vmem>>, %arg7: memref<256x1024xf32, #tpu.memory_space<vmem>>, %arg8: memref<8x256x3xf32, #tpu.memory_space<vmem>>) attributes {dimension_semantics = [#tpu.dimension_semantics<arbitrary>, #tpu.dimension_semantics<arbitrary>], iteration_bounds = array<i64: 8, 1>, scalar_prefetch = 0 : i64, scratch_operands = 2 : i64, tpu.core_type = #tpu.core_type<tc>, window_params = [{transform_indices = @transform_0, window_bounds = array<i64: 1, 1024, 3>}, {transform_indices = @transform_1, window_bounds = array<i64: 1, 8, 1024>}, {transform_indices = @transform_2, window_bounds = array<i64: 1, 256, 3>}, {transform_indices = @transform_3, window_bounds = array<i64: 1, 256, 3>}, {transform_indices = @transform_4, window_bounds = array<i64: 1, 256, 1>}]} {
    %get3A = arith.constant 0 : index
    %get3A_0 = arith.constant 0 : index
    %get3A_1 = arith.constant 0 : index
    %get3A_2 = vector.load %arg3[%get3A, %get3A_0, %get3A_1] : memref<1x8x1024xf32, #tpu.memory_space<vmem>>, vector<1x1x1024xf32>
    %get3A_3 = vector.shape_cast %get3A_2 : vector<1x1x1024xf32> to vector<1x1024xf32>
    %get3A_4 = arith.constant 0 : index
    %get3A_5 = arith.constant 1 : index
    %get3A_6 = arith.constant 0 : index
    %get3A_7 = vector.load %arg3[%get3A_4, %get3A_5, %get3A_6] : memref<1x8x1024xf32, #tpu.memory_space<vmem>>, vector<1x1x1024xf32>
    %get3A_8 = vector.shape_cast %get3A_7 : vector<1x1x1024xf32> to vector<1x1024xf32>
    %get3A_9 = arith.constant 0 : index
    %get3A_10 = arith.constant 2 : index
    %get3A_11 = arith.constant 0 : index
    %get3A_12 = vector.load %arg3[%get3A_9, %get3A_10, %get3A_11] : memref<1x8x1024xf32, #tpu.memory_space<vmem>>, vector<1x1x1024xf32>
    %get3A_13 = vector.shape_cast %get3A_12 : vector<1x1x1024xf32> to vector<1x1024xf32>
    %get3A_14 = arith.constant 0 : index
    %get3A_15 = arith.constant 0 : index
    %get3A_16 = arith.constant 0 : index
    %get3A_17 = vector.load %arg4[%get3A_14, %get3A_15, %get3A_16] : memref<1x256x3xf32, #tpu.memory_space<vmem>>, vector<1x256x3xf32>
    %get3A_18 = vector.shape_cast %get3A_17 : vector<1x256x3xf32> to vector<256x3xf32>
    %slice3A = vector.extract_strided_slice %get3A_18 {offsets = [0, 0], sizes = [256, 1], strides = [1, 1]} : vector<256x3xf32> to vector<256x1xf32>
    %slice3A_19 = vector.extract_strided_slice %get3A_18 {offsets = [0, 1], sizes = [256, 1], strides = [1, 1]} : vector<256x3xf32> to vector<256x1xf32>
    %slice3A_20 = vector.extract_strided_slice %get3A_18 {offsets = [0, 2], sizes = [256, 1], strides = [1, 1]} : vector<256x3xf32> to vector<256x1xf32>
    %sub3A = vector.broadcast %slice3A : vector<256x1xf32> to vector<256x1024xf32>
    %sub3A_21 = vector.broadcast %get3A_3 : vector<1x1024xf32> to vector<256x1024xf32>
    %sub3A_22 = arith.subf %sub3A, %sub3A_21 : vector<256x1024xf32>
    %sub3A_23 = vector.broadcast %slice3A_19 : vector<256x1xf32> to vector<256x1024xf32>
    %sub3A_24 = vector.broadcast %get3A_8 : vector<1x1024xf32> to vector<256x1024xf32>
    %sub3A_25 = arith.subf %sub3A_23, %sub3A_24 : vector<256x1024xf32>
    %sub3A_26 = vector.broadcast %slice3A_20 : vector<256x1xf32> to vector<256x1024xf32>
    %sub3A_27 = vector.broadcast %get3A_13 : vector<1x1024xf32> to vector<256x1024xf32>
    %sub3A_28 = arith.subf %sub3A_26, %sub3A_27 : vector<256x1024xf32>
    %mul3A = arith.mulf %sub3A_22, %sub3A_22 : vector<256x1024xf32>
    %mul3A_29 = arith.mulf %sub3A_25, %sub3A_25 : vector<256x1024xf32>
    %add3A = arith.addf %mul3A, %mul3A_29 : vector<256x1024xf32>
    %mul3A_30 = arith.mulf %sub3A_28, %sub3A_28 : vector<256x1024xf32>
    %add3A_31 = arith.addf %add3A, %mul3A_30 : vector<256x1024xf32>
    %swap3A = arith.constant 0 : index
    %swap3A_32 = arith.constant 0 : index
    %swap3A_33 = vector.load %arg7[%swap3A, %swap3A_32] : memref<256x1024xf32, #tpu.memory_space<vmem>>, vector<256x1024xf32>
    tpu.vector_store %arg7[%swap3A, %swap3A_32], %add3A_31 {strides = array<i32>} : memref<256x1024xf32, #tpu.memory_space<vmem>>, vector<256x1024xf32>,
    %iota3A = tpu.iota {dimensions = array<i32: 1>} : vector<256x1024xi32>
    %broadcast_in_dim3A = arith.constant 0.000000e+00 : f32
    %broadcast_in_dim3A_34 = vector.broadcast %broadcast_in_dim3A : f32 to vector<256x3xf32>
    %scan3A = arith.constant 0.000000e+00 : f32
    %scan3A_35 = arith.constant 0 : i32
    %scan3A_36 = arith.constant 8 : i32
    %scan3A_37 = arith.addi %scan3A_35, %scan3A_36 : i32
    %scan3A_38 = arith.constant 1 : i32
    %scan3A_39 = scf.for %scan3A_66 = %scan3A_35 to %scan3A_37 step %scan3A_38 iter_args(%scan3A_67 = %broadcast_in_dim3A_34) -> (vector<256x3xf32>)  : i32 {
      %get3A_68 = arith.constant 0 : index
      %get3A_69 = arith.constant 0 : index
      %get3A_70 = vector.load %arg7[%get3A_68, %get3A_69] : memref<256x1024xf32, #tpu.memory_space<vmem>>, vector<256x1024xf32>
      %reduce_min3A = arith.constant dense<0x7F800000> : vector<256xf32>
      %reduce_min3A_71 = vector.multi_reduction <minimumf>, %get3A_70, %reduce_min3A [1] : vector<256x1024xf32> to vector<256xf32>
      %broadcast_in_dim3A_72 = vector.shape_cast %reduce_min3A_71 : vector<256xf32> to vector<256x1xf32>
      %eq3A = vector.broadcast %broadcast_in_dim3A_72 : vector<256x1xf32> to vector<256x1024xf32>
      %eq3A_73 = arith.cmpf oeq, %get3A_70, %eq3A : vector<256x1024xf32>
      %jit3A = arith.constant 1024 : i32
      %broadcast_in_dim3A_74 = vector.broadcast %jit3A : i32 to vector<256x1024xi32>
      %select_n3A = arith.select %eq3A_73, %iota3A, %broadcast_in_dim3A_74 : vector<256x1024xi1>, vector<256x1024xi32>
      %reduce_min3A_75 = arith.constant dense<2147483647> : vector<256xi32>
      %reduce_min3A_76 = vector.multi_reduction <minsi>, %select_n3A, %reduce_min3A_75 [1] : vector<256x1024xi32> to vector<256xi32>
      %broadcast_in_dim3A_77 = vector.shape_cast %reduce_min3A_76 : vector<256xi32> to vector<256x1xi32>
      %eq3A_78 = vector.broadcast %broadcast_in_dim3A_77 : vector<256x1xi32> to vector<256x1024xi32>
      %eq3A_79 = arith.cmpi eq, %iota3A, %eq3A_78 : vector<256x1024xi32>
      %jit3A_80 = arith.constant 0x7F800000 : f32
      %broadcast_in_dim3A_81 = vector.broadcast %jit3A_80 : f32 to vector<256x1024xf32>
      %select_n3A_82 = arith.select %eq3A_79, %broadcast_in_dim3A_81, %get3A_70 : vector<256x1024xi1>, vector<256x1024xf32>
      %swap3A_83 = arith.constant 0 : index
      %swap3A_84 = arith.constant 0 : index
      %swap3A_85 = vector.load %arg7[%swap3A_83, %swap3A_84] : memref<256x1024xf32, #tpu.memory_space<vmem>>, vector<256x1024xf32>
      tpu.vector_store %arg7[%swap3A_83, %swap3A_84], %select_n3A_82 {strides = array<i32>} : memref<256x1024xf32, #tpu.memory_space<vmem>>, vector<256x1024xf32>,
      %broadcast_in_dim3A_86 = vector.shape_cast %get3A_3 : vector<1x1024xf32> to vector<1x1024xf32>
      %broadcast_in_dim3A_87 = vector.broadcast %broadcast_in_dim3A_86 : vector<1x1024xf32> to vector<256x1024xf32>
      %broadcast_in_dim3A_88 = vector.broadcast %scan3A : f32 to vector<256x1024xf32>
      %select_n3A_89 = arith.select %eq3A_79, %broadcast_in_dim3A_87, %broadcast_in_dim3A_88 : vector<256x1024xi1>, vector<256x1024xf32>
      %reduce_sum3A = arith.constant dense<0.000000e+00> : vector<256xf32>
      %reduce_sum3A_90 = vector.multi_reduction <add>, %select_n3A_89, %reduce_sum3A [1] : vector<256x1024xf32> to vector<256xf32>
      %broadcast_in_dim3A_91 = vector.shape_cast %reduce_sum3A_90 : vector<256xf32> to vector<256x1xf32>
      %broadcast_in_dim3A_92 = vector.shape_cast %get3A_8 : vector<1x1024xf32> to vector<1x1024xf32>
      %broadcast_in_dim3A_93 = vector.broadcast %broadcast_in_dim3A_92 : vector<1x1024xf32> to vector<256x1024xf32>
      %broadcast_in_dim3A_94 = vector.broadcast %scan3A : f32 to vector<256x1024xf32>
      %select_n3A_95 = arith.select %eq3A_79, %broadcast_in_dim3A_93, %broadcast_in_dim3A_94 : vector<256x1024xi1>, vector<256x1024xf32>
      %reduce_sum3A_96 = arith.constant dense<0.000000e+00> : vector<256xf32>
      %reduce_sum3A_97 = vector.multi_reduction <add>, %select_n3A_95, %reduce_sum3A_96 [1] : vector<256x1024xf32> to vector<256xf32>
      %broadcast_in_dim3A_98 = vector.shape_cast %reduce_sum3A_97 : vector<256xf32> to vector<256x1xf32>
      %broadcast_in_dim3A_99 = vector.shape_cast %get3A_13 : vector<1x1024xf32> to vector<1x1024xf32>
      %broadcast_in_dim3A_100 = vector.broadcast %broadcast_in_dim3A_99 : vector<1x1024xf32> to vector<256x1024xf32>
      %broadcast_in_dim3A_101 = vector.broadcast %scan3A : f32 to vector<256x1024xf32>
      %select_n3A_102 = arith.select %eq3A_79, %broadcast_in_dim3A_100, %broadcast_in_dim3A_101 : vector<256x1024xi1>, vector<256x1024xf32>
      %reduce_sum3A_103 = arith.constant dense<0.000000e+00> : vector<256xf32>
      %reduce_sum3A_104 = vector.multi_reduction <add>, %select_n3A_102, %reduce_sum3A_103 [1] : vector<256x1024xf32> to vector<256xf32>
      %broadcast_in_dim3A_105 = vector.shape_cast %reduce_sum3A_104 : vector<256xf32> to vector<256x1xf32>
      %concatenate3A = tpu.concatenate %broadcast_in_dim3A_91, %broadcast_in_dim3A_98, %broadcast_in_dim3A_105 in 1 : vector<256x1xf32>, vector<256x1xf32>, vector<256x1xf32> -> vector<256x3xf32>
      %swap3A_106 = arith.index_cast %scan3A_66 : i32 to index
      %swap3A_107 = arith.constant 0 : index
      %swap3A_108 = arith.constant 0 : index
      %swap3A_109 = vector.load %arg8[%swap3A_106, %swap3A_107, %swap3A_108] : memref<8x256x3xf32, #tpu.memory_space<vmem>>, vector<1x256x3xf32>
      %swap3A_110 = vector.shape_cast %swap3A_109 : vector<1x256x3xf32> to vector<256x3xf32>
      %swap3A_111 = vector.shape_cast %concatenate3A : vector<256x3xf32> to vector<1x256x3xf32>
      tpu.vector_store %arg8[%swap3A_106, %swap3A_107, %swap3A_108], %swap3A_111 {strides = array<i32>} : memref<8x256x3xf32, #tpu.memory_space<vmem>>, vector<1x256x3xf32>,
      %add3A_112 = arith.addf %scan3A_67, %concatenate3A : vector<256x3xf32>
      scf.yield %add3A_112 : vector<256x3xf32>
    }
    %scan3A_40 = arith.constant 8 : i32
    %div3A = arith.constant 8.000000e+00 : f32
    %div3A_41 = vector.broadcast %div3A : f32 to vector<256x3xf32>
    %div3A_42 = arith.divf %scan3A_39, %div3A_41 : vector<256x3xf32>
    %broadcast_in_dim3A_43 = arith.constant 0.000000e+00 : f32
    %broadcast_in_dim3A_44 = vector.broadcast %broadcast_in_dim3A_43 : f32 to vector<256x1xf32>
    %scan3A_45 = arith.constant 0 : i32
    %scan3A_46 = arith.constant 8 : i32
    %scan3A_47 = arith.addi %scan3A_45, %scan3A_46 : i32
    %scan3A_48 = arith.constant 1 : i32
    %scan3A_49 = scf.for %scan3A_66 = %scan3A_45 to %scan3A_47 step %scan3A_48 iter_args(%scan3A_67 = %broadcast_in_dim3A_44) -> (vector<256x1xf32>)  : i32 {
      %get3A_68 = arith.index_cast %scan3A_66 : i32 to index
      %get3A_69 = arith.constant 0 : index
      %get3A_70 = arith.constant 0 : index
      %get3A_71 = vector.load %arg8[%get3A_68, %get3A_69, %get3A_70] : memref<8x256x3xf32, #tpu.memory_space<vmem>>, vector<1x256x3xf32>
      %get3A_72 = vector.shape_cast %get3A_71 : vector<1x256x3xf32> to vector<256x3xf32>
      %sub3A_73 = arith.subf %get3A_72, %div3A_42 : vector<256x3xf32>
      %slice3A_74 = vector.extract_strided_slice %sub3A_73 {offsets = [0, 0], sizes = [256, 1], strides = [1, 1]} : vector<256x3xf32> to vector<256x1xf32>
      %slice3A_75 = vector.extract_strided_slice %sub3A_73 {offsets = [0, 0], sizes = [256, 1], strides = [1, 1]} : vector<256x3xf32> to vector<256x1xf32>
      %mul3A_76 = arith.mulf %slice3A_74, %slice3A_75 : vector<256x1xf32>
      %slice3A_77 = vector.extract_strided_slice %sub3A_73 {offsets = [0, 1], sizes = [256, 1], strides = [1, 1]} : vector<256x3xf32> to vector<256x1xf32>
      %slice3A_78 = vector.extract_strided_slice %sub3A_73 {offsets = [0, 1], sizes = [256, 1], strides = [1, 1]} : vector<256x3xf32> to vector<256x1xf32>
      %mul3A_79 = arith.mulf %slice3A_77, %slice3A_78 : vector<256x1xf32>
      %add3A_80 = arith.addf %mul3A_76, %mul3A_79 : vector<256x1xf32>
      %slice3A_81 = vector.extract_strided_slice %sub3A_73 {offsets = [0, 2], sizes = [256, 1], strides = [1, 1]} : vector<256x3xf32> to vector<256x1xf32>
      %slice3A_82 = vector.extract_strided_slice %sub3A_73 {offsets = [0, 2], sizes = [256, 1], strides = [1, 1]} : vector<256x3xf32> to vector<256x1xf32>
      %mul3A_83 = arith.mulf %slice3A_81, %slice3A_82 : vector<256x1xf32>
      %add3A_84 = arith.addf %add3A_80, %mul3A_83 : vector<256x1xf32>
      %add3A_85 = arith.constant 9.99999996E-13 : f32
      %add3A_86 = vector.broadcast %add3A_85 : f32 to vector<256x1xf32>
      %add3A_87 = arith.addf %add3A_84, %add3A_86 : vector<256x1xf32>
      %sqrt3A = math.sqrt %add3A_87 : vector<256x1xf32>
      %add3A_88 = arith.addf %scan3A_67, %sqrt3A : vector<256x1xf32>
      scf.yield %add3A_88 : vector<256x1xf32>
    }
    %scan3A_50 = arith.constant 8 : i32
    %div3A_51 = arith.constant 8.000000e+00 : f32
    %div3A_52 = vector.broadcast %div3A_51 : f32 to vector<256x1xf32>
    %div3A_53 = arith.divf %scan3A_49, %div3A_52 : vector<256x1xf32>
    %swap3A_54 = arith.constant 0 : index
    %swap3A_55 = arith.constant 0 : index
    %swap3A_56 = arith.constant 0 : index
    %swap3A_57 = vector.load %arg5[%swap3A_54, %swap3A_55, %swap3A_56] : memref<1x256x3xf32, #tpu.memory_space<vmem>>, vector<1x256x3xf32>
    %swap3A_58 = vector.shape_cast %swap3A_57 : vector<1x256x3xf32> to vector<256x3xf32>
    %swap3A_59 = vector.shape_cast %div3A_42 : vector<256x3xf32> to vector<1x256x3xf32>
    tpu.vector_store %arg5[%swap3A_54, %swap3A_55, %swap3A_56], %swap3A_59 {strides = array<i32>} : memref<1x256x3xf32, #tpu.memory_space<vmem>>, vector<1x256x3xf32>,
    %swap3A_60 = arith.constant 0 : index
    %swap3A_61 = arith.constant 0 : index
    %swap3A_62 = arith.constant 0 : index
    %swap3A_63 = vector.load %arg6[%swap3A_60, %swap3A_61, %swap3A_62] : memref<1x256x1xf32, #tpu.memory_space<vmem>>, vector<1x256x1xf32>
    %swap3A_64 = vector.shape_cast %swap3A_63 : vector<1x256x1xf32> to vector<256x1xf32>
    %swap3A_65 = vector.shape_cast %div3A_53 : vector<256x1xf32> to vector<1x256x1xf32>
    tpu.vector_store %arg6[%swap3A_60, %swap3A_61, %swap3A_62], %swap3A_65 {strides = array<i32>} : memref<1x256x1xf32, #tpu.memory_space<vmem>>, vector<1x256x1xf32>,
    return
  }
  func.func @transform_0(%arg0: i32, %arg1: i32) -> (i32, i32, i32) {
    %c0_i32 = arith.constant 0 : i32
    %c0_i32_0 = arith.constant 0 : i32
    %c0_i32_1 = arith.constant 0 : i32
    return %arg0, %c0_i32, %c0_i32_0 : i32, i32, i32
  }
  func.func @transform_1(%arg0: i32, %arg1: i32) -> (i32, i32, i32) {
    %c0_i32 = arith.constant 0 : i32
    %c0_i32_0 = arith.constant 0 : i32
    %c0_i32_1 = arith.constant 0 : i32
    return %arg0, %c0_i32, %c0_i32_0 : i32, i32, i32
  }
  func.func @transform_2(%arg0: i32, %arg1: i32) -> (i32, i32, i32) {
    %c0_i32 = arith.constant 0 : i32
    %c0_i32_0 = arith.constant 0 : i32
    return %arg0, %arg1, %c0_i32 : i32, i32, i32
  }
  func.func @transform_3(%arg0: i32, %arg1: i32) -> (i32, i32, i32) {
    %c0_i32 = arith.constant 0 : i32
    %c0_i32_0 = arith.constant 0 : i32
    return %arg0, %arg1, %c0_i32 : i32, i32, i32
  }
  func.func @transform_4(%arg0: i32, %arg1: i32) -> (i32, i32, i32) {
    %c0_i32 = arith.constant 0 : i32
    %c0_i32_0 = arith.constant 0 : i32
    return %arg0, %arg1, %c0_i32 : i32, i32, i32
  }
}

module attributes {stable_mosaic.version = 14 : i64} {
  func.func @_skel_final_body(%arg0: i32, %arg1: i32, %arg2: memref<1x1024x3xf32, #tpu.memory_space<vmem>>, %arg3: memref<1x8x1024xf32, #tpu.memory_space<vmem>>, %arg4: memref<1x256x3xf32, #tpu.memory_space<vmem>>, %arg5: memref<1x256x1xf32, #tpu.memory_space<vmem>>, %arg6: memref<8x192xf32, #tpu.memory_space<vmem>>, %arg7: memref<1x256x3xf32, #tpu.memory_space<vmem>>, %arg8: memref<1x256x1xf32, #tpu.memory_space<vmem>>, %arg9: memref<1x256x192xf32, #tpu.memory_space<vmem>>, %arg10: memref<256x1024xf32, #tpu.memory_space<vmem>>, %arg11: memref<8x256x3xf32, #tpu.memory_space<vmem>>) attributes {dimension_semantics = [#tpu.dimension_semantics<arbitrary>, #tpu.dimension_semantics<arbitrary>], iteration_bounds = array<i64: 8, 1>, scalar_prefetch = 0 : i64, scratch_operands = 2 : i64, tpu.core_type = #tpu.core_type<tc>, window_params = [{transform_indices = @transform_0, window_bounds = array<i64: 1, 1024, 3>}, {transform_indices = @transform_1, window_bounds = array<i64: 1, 8, 1024>}, {transform_indices = @transform_2, window_bounds = array<i64: 1, 256, 3>}, {transform_indices = @transform_3, window_bounds = array<i64: 1, 256, 1>}, {pipeline_mode = #tpu.pipeline_mode<synchronous>, transform_indices = @transform_4, window_bounds = array<i64: 8, 192>}, {transform_indices = @transform_5, window_bounds = array<i64: 1, 256, 3>}, {transform_indices = @transform_6, window_bounds = array<i64: 1, 256, 1>}, {transform_indices = @transform_7, window_bounds = array<i64: 1, 256, 192>}]} {
    %get3A = arith.constant 0 : index
    %get3A_0 = arith.constant 0 : index
    %get3A_1 = arith.constant 0 : index
    %get3A_2 = vector.load %arg3[%get3A, %get3A_0, %get3A_1] : memref<1x8x1024xf32, #tpu.memory_space<vmem>>, vector<1x1x1024xf32>
    %get3A_3 = vector.shape_cast %get3A_2 : vector<1x1x1024xf32> to vector<1x1024xf32>
    %get3A_4 = arith.constant 0 : index
    %get3A_5 = arith.constant 1 : index
    %get3A_6 = arith.constant 0 : index
    %get3A_7 = vector.load %arg3[%get3A_4, %get3A_5, %get3A_6] : memref<1x8x1024xf32, #tpu.memory_space<vmem>>, vector<1x1x1024xf32>
    %get3A_8 = vector.shape_cast %get3A_7 : vector<1x1x1024xf32> to vector<1x1024xf32>
    %get3A_9 = arith.constant 0 : index
    %get3A_10 = arith.constant 2 : index
    %get3A_11 = arith.constant 0 : index
    %get3A_12 = vector.load %arg3[%get3A_9, %get3A_10, %get3A_11] : memref<1x8x1024xf32, #tpu.memory_space<vmem>>, vector<1x1x1024xf32>
    %get3A_13 = vector.shape_cast %get3A_12 : vector<1x1x1024xf32> to vector<1x1024xf32>
    %get3A_14 = arith.constant 0 : index
    %get3A_15 = arith.constant 0 : index
    %get3A_16 = arith.constant 0 : index
    %get3A_17 = vector.load %arg4[%get3A_14, %get3A_15, %get3A_16] : memref<1x256x3xf32, #tpu.memory_space<vmem>>, vector<1x256x3xf32>
    %get3A_18 = vector.shape_cast %get3A_17 : vector<1x256x3xf32> to vector<256x3xf32>
    %slice3A = vector.extract_strided_slice %get3A_18 {offsets = [0, 0], sizes = [256, 1], strides = [1, 1]} : vector<256x3xf32> to vector<256x1xf32>
    %slice3A_19 = vector.extract_strided_slice %get3A_18 {offsets = [0, 1], sizes = [256, 1], strides = [1, 1]} : vector<256x3xf32> to vector<256x1xf32>
    %slice3A_20 = vector.extract_strided_slice %get3A_18 {offsets = [0, 2], sizes = [256, 1], strides = [1, 1]} : vector<256x3xf32> to vector<256x1xf32>
    %sub3A = vector.broadcast %slice3A : vector<256x1xf32> to vector<256x1024xf32>
    %sub3A_21 = vector.broadcast %get3A_3 : vector<1x1024xf32> to vector<256x1024xf32>
    %sub3A_22 = arith.subf %sub3A, %sub3A_21 : vector<256x1024xf32>
    %sub3A_23 = vector.broadcast %slice3A_19 : vector<256x1xf32> to vector<256x1024xf32>
    %sub3A_24 = vector.broadcast %get3A_8 : vector<1x1024xf32> to vector<256x1024xf32>
    %sub3A_25 = arith.subf %sub3A_23, %sub3A_24 : vector<256x1024xf32>
    %sub3A_26 = vector.broadcast %slice3A_20 : vector<256x1xf32> to vector<256x1024xf32>
    %sub3A_27 = vector.broadcast %get3A_13 : vector<1x1024xf32> to vector<256x1024xf32>
    %sub3A_28 = arith.subf %sub3A_26, %sub3A_27 : vector<256x1024xf32>
    %mul3A = arith.mulf %sub3A_22, %sub3A_22 : vector<256x1024xf32>
    %mul3A_29 = arith.mulf %sub3A_25, %sub3A_25 : vector<256x1024xf32>
    %add3A = arith.addf %mul3A, %mul3A_29 : vector<256x1024xf32>
    %mul3A_30 = arith.mulf %sub3A_28, %sub3A_28 : vector<256x1024xf32>
    %add3A_31 = arith.addf %add3A, %mul3A_30 : vector<256x1024xf32>
    %swap3A = arith.constant 0 : index
    %swap3A_32 = arith.constant 0 : index
    %swap3A_33 = vector.load %arg10[%swap3A, %swap3A_32] : memref<256x1024xf32, #tpu.memory_space<vmem>>, vector<256x1024xf32>
    tpu.vector_store %arg10[%swap3A, %swap3A_32], %add3A_31 {strides = array<i32>} : memref<256x1024xf32, #tpu.memory_space<vmem>>, vector<256x1024xf32>,
    %iota3A = tpu.iota {dimensions = array<i32: 1>} : vector<256x1024xi32>
    %broadcast_in_dim3A = arith.constant 0.000000e+00 : f32
    %broadcast_in_dim3A_34 = vector.broadcast %broadcast_in_dim3A : f32 to vector<256x3xf32>
    %scan3A = arith.constant 0.000000e+00 : f32
    %scan3A_35 = arith.constant 0 : i32
    %scan3A_36 = arith.constant 8 : i32
    %scan3A_37 = arith.addi %scan3A_35, %scan3A_36 : i32
    %scan3A_38 = arith.constant 1 : i32
    %scan3A_39 = scf.for %scan3A_88 = %scan3A_35 to %scan3A_37 step %scan3A_38 iter_args(%scan3A_89 = %broadcast_in_dim3A_34) -> (vector<256x3xf32>)  : i32 {
      %get3A_90 = arith.constant 0 : index
      %get3A_91 = arith.constant 0 : index
      %get3A_92 = vector.load %arg10[%get3A_90, %get3A_91] : memref<256x1024xf32, #tpu.memory_space<vmem>>, vector<256x1024xf32>
      %reduce_min3A = arith.constant dense<0x7F800000> : vector<256xf32>
      %reduce_min3A_93 = vector.multi_reduction <minimumf>, %get3A_92, %reduce_min3A [1] : vector<256x1024xf32> to vector<256xf32>
      %broadcast_in_dim3A_94 = vector.shape_cast %reduce_min3A_93 : vector<256xf32> to vector<256x1xf32>
      %eq3A = vector.broadcast %broadcast_in_dim3A_94 : vector<256x1xf32> to vector<256x1024xf32>
      %eq3A_95 = arith.cmpf oeq, %get3A_92, %eq3A : vector<256x1024xf32>
      %jit3A = arith.constant 1024 : i32
      %broadcast_in_dim3A_96 = vector.broadcast %jit3A : i32 to vector<256x1024xi32>
      %select_n3A = arith.select %eq3A_95, %iota3A, %broadcast_in_dim3A_96 : vector<256x1024xi1>, vector<256x1024xi32>
      %reduce_min3A_97 = arith.constant dense<2147483647> : vector<256xi32>
      %reduce_min3A_98 = vector.multi_reduction <minsi>, %select_n3A, %reduce_min3A_97 [1] : vector<256x1024xi32> to vector<256xi32>
      %broadcast_in_dim3A_99 = vector.shape_cast %reduce_min3A_98 : vector<256xi32> to vector<256x1xi32>
      %eq3A_100 = vector.broadcast %broadcast_in_dim3A_99 : vector<256x1xi32> to vector<256x1024xi32>
      %eq3A_101 = arith.cmpi eq, %iota3A, %eq3A_100 : vector<256x1024xi32>
      %jit3A_102 = arith.constant 0x7F800000 : f32
      %broadcast_in_dim3A_103 = vector.broadcast %jit3A_102 : f32 to vector<256x1024xf32>
      %select_n3A_104 = arith.select %eq3A_101, %broadcast_in_dim3A_103, %get3A_92 : vector<256x1024xi1>, vector<256x1024xf32>
      %swap3A_105 = arith.constant 0 : index
      %swap3A_106 = arith.constant 0 : index
      %swap3A_107 = vector.load %arg10[%swap3A_105, %swap3A_106] : memref<256x1024xf32, #tpu.memory_space<vmem>>, vector<256x1024xf32>
      tpu.vector_store %arg10[%swap3A_105, %swap3A_106], %select_n3A_104 {strides = array<i32>} : memref<256x1024xf32, #tpu.memory_space<vmem>>, vector<256x1024xf32>,
      %broadcast_in_dim3A_108 = vector.shape_cast %get3A_3 : vector<1x1024xf32> to vector<1x1024xf32>
      %broadcast_in_dim3A_109 = vector.broadcast %broadcast_in_dim3A_108 : vector<1x1024xf32> to vector<256x1024xf32>
      %broadcast_in_dim3A_110 = vector.broadcast %scan3A : f32 to vector<256x1024xf32>
      %select_n3A_111 = arith.select %eq3A_101, %broadcast_in_dim3A_109, %broadcast_in_dim3A_110 : vector<256x1024xi1>, vector<256x1024xf32>
      %reduce_sum3A = arith.constant dense<0.000000e+00> : vector<256xf32>
      %reduce_sum3A_112 = vector.multi_reduction <add>, %select_n3A_111, %reduce_sum3A [1] : vector<256x1024xf32> to vector<256xf32>
      %broadcast_in_dim3A_113 = vector.shape_cast %reduce_sum3A_112 : vector<256xf32> to vector<256x1xf32>
      %broadcast_in_dim3A_114 = vector.shape_cast %get3A_8 : vector<1x1024xf32> to vector<1x1024xf32>
      %broadcast_in_dim3A_115 = vector.broadcast %broadcast_in_dim3A_114 : vector<1x1024xf32> to vector<256x1024xf32>
      %broadcast_in_dim3A_116 = vector.broadcast %scan3A : f32 to vector<256x1024xf32>
      %select_n3A_117 = arith.select %eq3A_101, %broadcast_in_dim3A_115, %broadcast_in_dim3A_116 : vector<256x1024xi1>, vector<256x1024xf32>
      %reduce_sum3A_118 = arith.constant dense<0.000000e+00> : vector<256xf32>
      %reduce_sum3A_119 = vector.multi_reduction <add>, %select_n3A_117, %reduce_sum3A_118 [1] : vector<256x1024xf32> to vector<256xf32>
      %broadcast_in_dim3A_120 = vector.shape_cast %reduce_sum3A_119 : vector<256xf32> to vector<256x1xf32>
      %broadcast_in_dim3A_121 = vector.shape_cast %get3A_13 : vector<1x1024xf32> to vector<1x1024xf32>
      %broadcast_in_dim3A_122 = vector.broadcast %broadcast_in_dim3A_121 : vector<1x1024xf32> to vector<256x1024xf32>
      %broadcast_in_dim3A_123 = vector.broadcast %scan3A : f32 to vector<256x1024xf32>
      %select_n3A_124 = arith.select %eq3A_101, %broadcast_in_dim3A_122, %broadcast_in_dim3A_123 : vector<256x1024xi1>, vector<256x1024xf32>
      %reduce_sum3A_125 = arith.constant dense<0.000000e+00> : vector<256xf32>
      %reduce_sum3A_126 = vector.multi_reduction <add>, %select_n3A_124, %reduce_sum3A_125 [1] : vector<256x1024xf32> to vector<256xf32>
      %broadcast_in_dim3A_127 = vector.shape_cast %reduce_sum3A_126 : vector<256xf32> to vector<256x1xf32>
      %concatenate3A_128 = tpu.concatenate %broadcast_in_dim3A_113, %broadcast_in_dim3A_120, %broadcast_in_dim3A_127 in 1 : vector<256x1xf32>, vector<256x1xf32>, vector<256x1xf32> -> vector<256x3xf32>
      %swap3A_129 = arith.index_cast %scan3A_88 : i32 to index
      %swap3A_130 = arith.constant 0 : index
      %swap3A_131 = arith.constant 0 : index
      %swap3A_132 = vector.load %arg11[%swap3A_129, %swap3A_130, %swap3A_131] : memref<8x256x3xf32, #tpu.memory_space<vmem>>, vector<1x256x3xf32>
      %swap3A_133 = vector.shape_cast %swap3A_132 : vector<1x256x3xf32> to vector<256x3xf32>
      %swap3A_134 = vector.shape_cast %concatenate3A_128 : vector<256x3xf32> to vector<1x256x3xf32>
      tpu.vector_store %arg11[%swap3A_129, %swap3A_130, %swap3A_131], %swap3A_134 {strides = array<i32>} : memref<8x256x3xf32, #tpu.memory_space<vmem>>, vector<1x256x3xf32>,
      %add3A_135 = arith.addf %scan3A_89, %concatenate3A_128 : vector<256x3xf32>
      scf.yield %add3A_135 : vector<256x3xf32>
    }
    %scan3A_40 = arith.constant 8 : i32
    %div3A = arith.constant 8.000000e+00 : f32
    %div3A_41 = vector.broadcast %div3A : f32 to vector<256x3xf32>
    %div3A_42 = arith.divf %scan3A_39, %div3A_41 : vector<256x3xf32>
    %broadcast_in_dim3A_43 = arith.constant 0.000000e+00 : f32
    %broadcast_in_dim3A_44 = vector.broadcast %broadcast_in_dim3A_43 : f32 to vector<256x1xf32>
    %scan3A_45 = arith.constant 0 : i32
    %scan3A_46 = arith.constant 8 : i32
    %scan3A_47 = arith.addi %scan3A_45, %scan3A_46 : i32
    %scan3A_48 = arith.constant 1 : i32
    %scan3A_49 = scf.for %scan3A_88 = %scan3A_45 to %scan3A_47 step %scan3A_48 iter_args(%scan3A_89 = %broadcast_in_dim3A_44) -> (vector<256x1xf32>)  : i32 {
      %get3A_90 = arith.index_cast %scan3A_88 : i32 to index
      %get3A_91 = arith.constant 0 : index
      %get3A_92 = arith.constant 0 : index
      %get3A_93 = vector.load %arg11[%get3A_90, %get3A_91, %get3A_92] : memref<8x256x3xf32, #tpu.memory_space<vmem>>, vector<1x256x3xf32>
      %get3A_94 = vector.shape_cast %get3A_93 : vector<1x256x3xf32> to vector<256x3xf32>
      %sub3A_95 = arith.subf %get3A_94, %div3A_42 : vector<256x3xf32>
      %slice3A_96 = vector.extract_strided_slice %sub3A_95 {offsets = [0, 0], sizes = [256, 1], strides = [1, 1]} : vector<256x3xf32> to vector<256x1xf32>
      %slice3A_97 = vector.extract_strided_slice %sub3A_95 {offsets = [0, 0], sizes = [256, 1], strides = [1, 1]} : vector<256x3xf32> to vector<256x1xf32>
      %mul3A_98 = arith.mulf %slice3A_96, %slice3A_97 : vector<256x1xf32>
      %slice3A_99 = vector.extract_strided_slice %sub3A_95 {offsets = [0, 1], sizes = [256, 1], strides = [1, 1]} : vector<256x3xf32> to vector<256x1xf32>
      %slice3A_100 = vector.extract_strided_slice %sub3A_95 {offsets = [0, 1], sizes = [256, 1], strides = [1, 1]} : vector<256x3xf32> to vector<256x1xf32>
      %mul3A_101 = arith.mulf %slice3A_99, %slice3A_100 : vector<256x1xf32>
      %add3A_102 = arith.addf %mul3A_98, %mul3A_101 : vector<256x1xf32>
      %slice3A_103 = vector.extract_strided_slice %sub3A_95 {offsets = [0, 2], sizes = [256, 1], strides = [1, 1]} : vector<256x3xf32> to vector<256x1xf32>
      %slice3A_104 = vector.extract_strided_slice %sub3A_95 {offsets = [0, 2], sizes = [256, 1], strides = [1, 1]} : vector<256x3xf32> to vector<256x1xf32>
      %mul3A_105 = arith.mulf %slice3A_103, %slice3A_104 : vector<256x1xf32>
      %add3A_106 = arith.addf %add3A_102, %mul3A_105 : vector<256x1xf32>
      %add3A_107 = arith.constant 9.99999996E-13 : f32
      %add3A_108 = vector.broadcast %add3A_107 : f32 to vector<256x1xf32>
      %add3A_109 = arith.addf %add3A_106, %add3A_108 : vector<256x1xf32>
      %sqrt3A = math.sqrt %add3A_109 : vector<256x1xf32>
      %add3A_110 = arith.addf %scan3A_89, %sqrt3A : vector<256x1xf32>
      scf.yield %add3A_110 : vector<256x1xf32>
    }
    %scan3A_50 = arith.constant 8 : i32
    %div3A_51 = arith.constant 8.000000e+00 : f32
    %div3A_52 = vector.broadcast %div3A_51 : f32 to vector<256x1xf32>
    %div3A_53 = arith.divf %scan3A_49, %div3A_52 : vector<256x1xf32>
    %swap3A_54 = arith.constant 0 : index
    %swap3A_55 = arith.constant 0 : index
    %swap3A_56 = arith.constant 0 : index
    %swap3A_57 = vector.load %arg7[%swap3A_54, %swap3A_55, %swap3A_56] : memref<1x256x3xf32, #tpu.memory_space<vmem>>, vector<1x256x3xf32>
    %swap3A_58 = vector.shape_cast %swap3A_57 : vector<1x256x3xf32> to vector<256x3xf32>
    %swap3A_59 = vector.shape_cast %div3A_42 : vector<256x3xf32> to vector<1x256x3xf32>
    tpu.vector_store %arg7[%swap3A_54, %swap3A_55, %swap3A_56], %swap3A_59 {strides = array<i32>} : memref<1x256x3xf32, #tpu.memory_space<vmem>>, vector<1x256x3xf32>,
    %get3A_60 = arith.constant 0 : index
    %get3A_61 = arith.constant 0 : index
    %get3A_62 = arith.constant 0 : index
    %get3A_63 = vector.load %arg5[%get3A_60, %get3A_61, %get3A_62] : memref<1x256x1xf32, #tpu.memory_space<vmem>>, vector<1x256x1xf32>
    %get3A_64 = vector.shape_cast %get3A_63 : vector<1x256x1xf32> to vector<256x1xf32>
    %add3A_65 = arith.addf %get3A_64, %div3A_53 : vector<256x1xf32>
    %mul3A_66 = arith.constant 1.500000e+00 : f32
    %mul3A_67 = vector.broadcast %mul3A_66 : f32 to vector<256x1xf32>
    %mul3A_68 = arith.mulf %add3A_65, %mul3A_67 : vector<256x1xf32>
    %swap3A_69 = arith.constant 0 : index
    %swap3A_70 = arith.constant 0 : index
    %swap3A_71 = arith.constant 0 : index
    %swap3A_72 = vector.load %arg8[%swap3A_69, %swap3A_70, %swap3A_71] : memref<1x256x1xf32, #tpu.memory_space<vmem>>, vector<1x256x1xf32>
    %swap3A_73 = vector.shape_cast %swap3A_72 : vector<1x256x1xf32> to vector<256x1xf32>
    %swap3A_74 = vector.shape_cast %mul3A_68 : vector<256x1xf32> to vector<1x256x1xf32>
    tpu.vector_store %arg8[%swap3A_69, %swap3A_70, %swap3A_71], %swap3A_74 {strides = array<i32>} : memref<1x256x1xf32, #tpu.memory_space<vmem>>, vector<1x256x1xf32>,
    %concatenate3A = tpu.concatenate %div3A_42, %div3A_42, %div3A_42, %div3A_42, %div3A_42, %div3A_42, %div3A_42, %div3A_42, %div3A_42, %div3A_42, %div3A_42, %div3A_42, %div3A_42, %div3A_42, %div3A_42, %div3A_42, %div3A_42, %div3A_42, %div3A_42, %div3A_42, %div3A_42, %div3A_42, %div3A_42, %div3A_42, %div3A_42, %div3A_42, %div3A_42, %div3A_42, %div3A_42, %div3A_42, %div3A_42, %div3A_42, %div3A_42, %div3A_42, %div3A_42, %div3A_42, %div3A_42, %div3A_42, %div3A_42, %div3A_42, %div3A_42, %div3A_42, %div3A_42, %div3A_42, %div3A_42, %div3A_42, %div3A_42, %div3A_42, %div3A_42, %div3A_42, %div3A_42, %div3A_42, %div3A_42, %div3A_42, %div3A_42, %div3A_42, %div3A_42, %div3A_42, %div3A_42, %div3A_42, %div3A_42, %div3A_42, %div3A_42, %div3A_42 in 1 : vector<256x3xf32>, vector<256x3xf32>, vector<256x3xf32>, vector<256x3xf32>, vector<256x3xf32>, vector<256x3xf32>, vector<256x3xf32>, vector<256x3xf32>, vector<256x3xf32>, vector<256x3xf32>, vector<256x3xf32>, vector<256x3xf32>, vector<256x3xf32>, vector<256x3xf32>, vector<256x3xf32>, vector<256x3xf32>, vector<256x3xf32>, vector<256x3xf32>, vector<256x3xf32>, vector<256x3xf32>, vector<256x3xf32>, vector<256x3xf32>, vector<256x3xf32>, vector<256x3xf32>, vector<256x3xf32>, vector<256x3xf32>, vector<256x3xf32>, vector<256x3xf32>, vector<256x3xf32>, vector<256x3xf32>, vector<256x3xf32>, vector<256x3xf32>, vector<256x3xf32>, vector<256x3xf32>, vector<256x3xf32>, vector<256x3xf32>, vector<256x3xf32>, vector<256x3xf32>, vector<256x3xf32>, vector<256x3xf32>, vector<256x3xf32>, vector<256x3xf32>, vector<256x3xf32>, vector<256x3xf32>, vector<256x3xf32>, vector<256x3xf32>, vector<256x3xf32>, vector<256x3xf32>, vector<256x3xf32>, vector<256x3xf32>, vector<256x3xf32>, vector<256x3xf32>, vector<256x3xf32>, vector<256x3xf32>, vector<256x3xf32>, vector<256x3xf32>, vector<256x3xf32>, vector<256x3xf32>, vector<256x3xf32>, vector<256x3xf32>, vector<256x3xf32>, vector<256x3xf32>, vector<256x3xf32>, vector<256x3xf32> -> vector<256x192xf32>
    %get3A_75 = arith.constant 0 : index
    %get3A_76 = arith.constant 0 : index
    %get3A_77 = vector.load %arg6[%get3A_75, %get3A_76] : memref<8x192xf32, #tpu.memory_space<vmem>>, vector<1x192xf32>
    %mul3A_78 = vector.broadcast %mul3A_68 : vector<256x1xf32> to vector<256x192xf32>
    %mul3A_79 = vector.broadcast %get3A_77 : vector<1x192xf32> to vector<256x192xf32>
    %mul3A_80 = arith.mulf %mul3A_78, %mul3A_79 : vector<256x192xf32>
    %add3A_81 = arith.addf %concatenate3A, %mul3A_80 : vector<256x192xf32>
    %swap3A_82 = arith.constant 0 : index
    %swap3A_83 = arith.constant 0 : index
    %swap3A_84 = arith.constant 0 : index
    %swap3A_85 = vector.load %arg9[%swap3A_82, %swap3A_83, %swap3A_84] : memref<1x256x192xf32, #tpu.memory_space<vmem>>, vector<1x256x192xf32>
    %swap3A_86 = vector.shape_cast %swap3A_85 : vector<1x256x192xf32> to vector<256x192xf32>
    %swap3A_87 = vector.shape_cast %add3A_81 : vector<256x192xf32> to vector<1x256x192xf32>
    tpu.vector_store %arg9[%swap3A_82, %swap3A_83, %swap3A_84], %swap3A_87 {strides = array<i32>} : memref<1x256x192xf32, #tpu.memory_space<vmem>>, vector<1x256x192xf32>,
    return
  }
  func.func @transform_0(%arg0: i32, %arg1: i32) -> (i32, i32, i32) {
    %c0_i32 = arith.constant 0 : i32
    %c0_i32_0 = arith.constant 0 : i32
    %c0_i32_1 = arith.constant 0 : i32
    return %arg0, %c0_i32, %c0_i32_0 : i32, i32, i32
  }
  func.func @transform_1(%arg0: i32, %arg1: i32) -> (i32, i32, i32) {
    %c0_i32 = arith.constant 0 : i32
    %c0_i32_0 = arith.constant 0 : i32
    %c0_i32_1 = arith.constant 0 : i32
    return %arg0, %c0_i32, %c0_i32_0 : i32, i32, i32
  }
  func.func @transform_2(%arg0: i32, %arg1: i32) -> (i32, i32, i32) {
    %c0_i32 = arith.constant 0 : i32
    %c0_i32_0 = arith.constant 0 : i32
    return %arg0, %arg1, %c0_i32 : i32, i32, i32
  }
  func.func @transform_3(%arg0: i32, %arg1: i32) -> (i32, i32, i32) {
    %c0_i32 = arith.constant 0 : i32
    %c0_i32_0 = arith.constant 0 : i32
    return %arg0, %arg1, %c0_i32 : i32, i32, i32
  }
  func.func @transform_4(%arg0: i32, %arg1: i32) -> (i32, i32) {
    %c0_i32 = arith.constant 0 : i32
    %c0_i32_0 = arith.constant 0 : i32
    %c0_i32_1 = arith.constant 0 : i32
    return %c0_i32, %c0_i32_0 : i32, i32
  }
  func.func @transform_5(%arg0: i32, %arg1: i32) -> (i32, i32, i32) {
    %c0_i32 = arith.constant 0 : i32
    %c0_i32_0 = arith.constant 0 : i32
    return %arg0, %arg1, %c0_i32 : i32, i32, i32
  }
  func.func @transform_6(%arg0: i32, %arg1: i32) -> (i32, i32, i32) {
    %c0_i32 = arith.constant 0 : i32
    %c0_i32_0 = arith.constant 0 : i32
    return %arg0, %arg1, %c0_i32 : i32, i32, i32
  }
  func.func @transform_7(%arg0: i32, %arg1: i32) -> (i32, i32, i32) {
    %c0_i32 = arith.constant 0 : i32
    %c0_i32_0 = arith.constant 0 : i32
    return %arg0, %arg1, %c0_i32 : i32, i32, i32
  }
}

</mosaic_0001>

<sc_bundles>
// kernel: kernel.11.cloned.1.call-start
scs
__scs_entry_jumppad:
0x0: {  	(pc) =	sbr.rel $0x88, $3  }
0x1: {  	(tag) =	ssettag $0x0;
	lr =	simm.s32 $0x1  }
0x2: {  	[smem:$0x3FA0] =	sst lr;
	_ =	strace $0xD0000000  }
0x3: {  	_ = 	snop  }
0x4: {  	_ = 	snop  }
0x5: {  	_ = 	snop  }
0x6: {  	_ = 	snop  }
0x7: {  	_ = 	snop  }
__scs_overlays_trampoline_lowered:
0x8: {  	[smem:$0x3FAF] =	sst s0  }
0x9: {  	[smem:$0x3FB0] =	sst s1  }
0xa: {  	[smem:$0x3FB1] =	sst s2  }
0xb: {  	[smem:$0x3FB2] =	sst s3  }
0xc: {  	[smem:$0x3FB3] =	sst s4  }
0xd: {  	[smem:$0x3FB4] =	sst s5  }
0xe: {  	[smem:$0x3FB5] =	sst s6  }
0xf: {  	[smem:$0x3FB6] =	sst s7  }
0x10: {  	[smem:$0x3FB7] =	sst s8  }
0x11: {  	[smem:$0x3FB8] =	sst s9;
	s0 =	simm.s32 @!p0 $0x0  }
0x12: {  	s1 =	sld [smem:$0x3F9E];
	s0 =	simm.s32 @p0 $0x1  }
0x13: {  	[smem:$0x3FB9] =	sst s0;
	s0 =	simm.s32 @!p1 $0x0  }
0x14: {  	s2 =	sld [smem:$0x3F9D];
	s0 =	simm.s32 @p1 $0x1  }
0x15: {  	[smem:$0x3FBA] =	sst s0;
	s0 =	simm.s32 @!p2 $0x0  }
0x16: {  	s3 =	sld [smem:$0x3FDB];
	s0 =	simm.s32 @p2 $0x1  }
0x17: {  	s4 =	simm.s32 $0x1BF5;
	[smem:$0x3FBC] =	sst s0  }
0x18: {  	s0 =	sld [smem:$0x3F9F];
	_ =	swait.ge [sflag:s4], $0x0  }
0x19: {  	s7 =	sld [smem:$0x3FA0]  }
0x1a: {  	s8 =	sadd.s32 $0xFFFFE003, lr  }
0x1b: {  	s9 =	sadd.s32 $0xFFFFFEF7, lr;
	s5 =	simm.s32 $0xFFFFFFFF;
	p2 =	slt.u32 s8, $0xFFFFF086  }
0x1c: {  	p1 =	slt.u32 s9, $0xF7A;
	s5 =	simm.s32 @!p2 $0x0  }
0x1d: {  	s5 =	simm.s32 @p1 $0x1;
	p0 =	seq.s32 s7, s2  }
0x1e: {  	s7 =	smul.u32 @!p0 $0xF7A, s2;
	p2 =	seq.s32 @!p0 s5, $0x0  }
0x1f: {  	s9 =	smul.u32 $0xF7A, s1;
	s8 =	simm.s32 @!p0 $0x1BF5;
	p2 =	por !p2, p0  }
0x20: {  	[sflag:s8] =	ssyncset.s32 @!p0 $0xFFFFF086;
	s6 =	sadd.s32 @!p0 s3, s7;
	s7 =	simm.s32 @!p0 $0x108  }
0x21: {  	s3 =	sadd.s32 s3, s9;
	s6 =	sadd.s32 @!p0 $0x88, s6;
	s7 =	simm.s32 @p2 $0x1082  }
0x22: {  	[simem:s7], [sflag:s8] =	dma.local @!p0 [hbm:s6], $0xF7A  }
0x23: {  	s9 =	sor.u32 $0xD0000000, s2;
	s6 =	simm.s32 $0x108;
	_ =	swait.ge @!p0 [sflag:s8], $0x0  }
0x24: {  	s3 =	sadd.s32 $0x88, s3;
	s6 =	simm.s32 @!p1 $0x1082;
	[sflag:s4] =	ssyncset.s32 $0xFFFFF086  }
0x25: {  	[simem:s6], [sflag:s4] =	dma.local [hbm:s3], $0xF7A  }
0x26: {  	[smem:$0x3FA0] =	sst s1;
	(tag) =	ssettag s2;
	_ =	strace s9  }
0x27: {  	s1 =	sld [smem:$0x3FB0]  }
0x28: {  	s2 =	sld [smem:$0x3FB1]  }
0x29: {  	s4 =	sld [smem:$0x3FB3]  }
0x2a: {  	p0 =	seq.s32 s5, $0x0;
	s5 =	sld [smem:$0x3FB4]  }
0x2b: {  	s6 =	sld [smem:$0x3FB5]  }
0x2c: {  	s7 =	sld [smem:$0x3FB6]  }
0x2d: {  	s3 =	simm.s32 $0x108;
	s8 =	sld [smem:$0x3FB7]  }
0x2e: {  	s3 =	simm.s32 @!p0 $0x1082;
	s9 =	sld [smem:$0x3FB8]  }
0x2f: {  	lr =	sadd.s32 s0, s3;
	s0 =	sld [smem:$0x3FAF]  }
0x30: {  	s3 =	sld [smem:$0x3FB2]  }
0x31: {  	[smem:$0x3FBB] =	sst s10  }
0x32: {  	s10 =	sld [smem:$0x3FB9];
	_ =	sdelay $0x3  }
0x33: {  	p0 =	seq.s32 s10, $0x1;
	s10 =	sld [smem:$0x3FBB];
	_ =	sdelay $0x3  }
0x34: {  	[smem:$0x3FBB] =	sst s10  }
0x35: {  	s10 =	sld [smem:$0x3FBA];
	_ =	sdelay $0x3  }
0x36: {  	p1 =	seq.s32 s10, $0x1;
	s10 =	sld [smem:$0x3FBB];
	_ =	sdelay $0x3  }
0x37: {  	[smem:$0x3FBB] =	sst s10  }
0x38: {  	s10 =	sld [smem:$0x3FBC]  }
0x39: {  	_ = 	snop;
	(pc) =	sbr.ind lr, $3  }
0x3a: {  	_ = 	snop  }
0x3b: {  	_ = 	snop  }
0x3c: {  	p2 =	seq.s32 s10, $0x1;
	s10 =	sld [smem:$0x3FBB]  }
0x3d: {  	_ =	shalt  }
0x3e: {  	_ =	shalt  }
0x3f: {  	_ =	shalt  }
0x40: {  	_ =	shalt  }
0x41: {  	_ =	shalt  }
0x42: {  	_ =	shalt  }
0x43: {  	_ =	shalt  }
0x44: {  	_ =	shalt  }
0x45: {  	_ =	shalt  }
0x46: {  	_ =	shalt  }
0x47: {  	_ =	shalt  }
0x48: {  	_ =	shalt  }
0x49: {  	_ =	shalt  }
0x4a: {  	_ =	shalt  }
0x4b: {  	_ =	shalt  }
0x4c: {  	_ =	shalt  }
0x4d: {  	_ =	shalt  }
0x4e: {  	_ =	shalt  }
0x4f: {  	_ =	shalt  }
0x50: {  	_ =	shalt  }
0x51: {  	_ =	shalt  }
0x52: {  	_ =	shalt  }
0x53: {  	_ =	shalt  }
0x54: {  	_ =	shalt  }
0x55: {  	_ =	shalt  }
0x56: {  	_ =	shalt  }
0x57: {  	_ =	shalt  }
0x58: {  	_ =	shalt  }
0x59: {  	_ =	shalt  }
0x5a: {  	_ =	shalt  }
0x5b: {  	_ =	shalt  }
0x5c: {  	_ =	shalt  }
0x5d: {  	_ =	shalt  }
0x5e: {  	_ =	shalt  }
0x5f: {  	_ =	shalt  }
0x60: {  	_ =	shalt  }
0x61: {  	_ =	shalt  }
0x62: {  	_ =	shalt  }
0x63: {  	_ =	shalt  }
0x64: {  	_ =	shalt  }
0x65: {  	_ =	shalt  }
0x66: {  	_ =	shalt  }
0x67: {  	_ =	shalt  }
0x68: {  	_ =	shalt  }
0x69: {  	_ =	shalt  }
0x6a: {  	_ =	shalt  }
0x6b: {  	_ =	shalt  }
0x6c: {  	_ =	shalt  }
0x6d: {  	_ =	shalt  }
0x6e: {  	_ =	shalt  }
0x6f: {  	_ =	shalt  }
0x70: {  	_ =	shalt  }
0x71: {  	_ =	shalt  }
0x72: {  	_ =	shalt  }
0x73: {  	_ =	shalt  }
0x74: {  	_ =	shalt  }
0x75: {  	_ =	shalt  }
0x76: {  	_ =	shalt  }
0x77: {  	_ =	shalt  }
0x78: {  	_ =	shalt  }
0x79: {  	_ =	shalt  }
0x7a: {  	_ =	shalt  }
0x7b: {  	_ =	shalt  }
0x7c: {  	_ =	shalt  }
0x7d: {  	_ =	shalt  }
0x7e: {  	_ =	shalt  }
0x7f: {  	_ =	shalt  }
0x80: {  	_ =	shalt  }
0x81: {  	_ =	shalt  }
0x82: {  	_ =	shalt  }
0x83: {  	_ =	shalt  }
0x84: {  	_ =	shalt  }
0x85: {  	_ =	shalt  }
0x86: {  	_ =	shalt  }
0x87: {  	_ =	shalt  }
.Lfunc_end0:
.L_simem_size_0:
called_computation.1_lowered:
.L_overlay_start_0:
0x88: {  	s2 =	sld [smem:$0x3FD9]  }
0x89: {  	s3 =	sld [smem:$0x3FFE];
	_ =	sdelay $0x1  }
0x8a: {  	s1 =	srdreg.scid  }
0x8b: {  	s0 =	sand.u32 $0x1, s1  }
0x8c: {  	s14 =	sshll.u32 s0, $0xA;
	s2 =	sadd.s32 s3, s2  }
0x8d: {  	s2 =	sadd.s32 s2, s14  }
0x8e: {  	[smem:$0x3FC7] =	sst s2  }
0x8f: {  	_ = 	snop  }
0x90: {  	s2 =	sld [smem:$0x3FD0];
	_ =	sdelay $0x2  }
0x91: {  	s15 =	simm.s32 $0xA;
	s4 =	simm.s32 $0x10  }
0x92: {  	[smem:s4], [sflag:s15] =	dma.local [hbm:s2], $0x1  }
0x93: {  	_ =	swait.eq [sflag:s15], $0x1  }
0x94: {  	s16 =	sld [smem:$0x10];
	[sflag:s15] =	ssyncset.done $0x0  }
0x95: {  	s17 =	sld [smem:$0x11];
	[sflag:s15] =	ssyncadd.s32 $0xFFFFFFFF  }
0x96: {  	s18 =	sld [smem:$0x12];
	(tm) =	ssettm $0x1  }
0x97: {  	s5 =	sld [smem:$0x3FFB];
	_ =	sdelay $0x3  }
0x98: {  	_ =	strace s5  }
0x99: {  	s5 =	sld [smem:$0x3FFC];
	_ =	sdelay $0x3  }
0x9a: {  	_ =	strace s5  }
0x9b: {  	s5 =	sld [smem:$0x3FFD];
	_ =	sdelay $0x3  }
0x9c: {  	_ =	strace s5  }
0x9d: {  	_ =	strace $0x8FFFFFFF  }
0x9e: {  	s19 =	sld [smem:$0x3FDB];
	_ =	sdelay $0x1  }
0x9f: {  	s6 =	simm.s32 $_scs_section_size  }
0xa0: {  	s7 =	simm.s32 $_size__tile_overlayer_lowered;
	s8 =	simm.s32 $_tile_overlayer_lowered  }
0xa1: {  	s22 =	simm.s32 $0x1BFF;
	s21 =	sshll.u32 s8, $0x1;
	s5 =	sadd.s32 s6, s19  }
0xa2: {  	s9 =	simm.s32 $0x0;
	s20 =	sshll.u32 s7, $0x1;
	s7 =	sadd.s32 s21, s5  }
0xa3: {  	[timem:s9], [sflag:s22] =	dma.local [hbm:s7], s20  }
0xa4: {  	_ =	swait.ge [sflag:s22], s20  }
0xa5: {  	s6 =	ssub.s32 $0x0, s20;
	[sflag:s22] =	ssyncset.done $0x0  }
0xa6: {  	[sflag:s22] =	ssyncadd.s32 s6;
	_ =	sdelay $0x1  }
0xa7: {  	s23 =	simm.s32 $0x1B8B  }
0xa8: {  	_ =	swait.ge [sflag:s23], $0x1  }
0xa9: {  	[sflag:s23] =	ssyncset.done $0x0  }
0xaa: {  	s25 =	simm.s32 $0x1B8E;
	s24 =	sld [smem:$0x3FFE];
	[sflag:s23] =	ssyncadd.s32 $0xFFFFFFFF  }
0xab: {  	s26 =	simm.s32 $execute0_lowered;
	[smem:$0x3FD2] =	sst s25  }
0xac: {  	s7 =	sshll.u32 s26, $0x1;
	_ =	strace $0x80000049;
	[dreg:$0x1] =	wrdreg $0xFFFFFFFF  }
0xad: {  	s28 =	simm.s32 $_size_execute0_lowered;
	s5 =	sadd.s32 s5, s7;
	[dreg:$0x0] =	wrdreg $0x0  }
0xae: {  	s7 =	sshll.u32 s28, $0x1;
	[dreg:$0x2] =	wrdreg s5  }
0xaf: {  	[dreg:$0x3] =	wrdreg s7  }
0xb0: {  	[dreg:$0x4] =	wrdreg $0xC0  }
0xb1: {  	_ =	task [dreg:s9], $0x5FFFF  }
0xb2: {  	[dreg:$0x1] =	wrdreg $0xFFFFFFFF  }
0xb3: {  	[dreg:$0x0] =	wrdreg $0x60  }
0xb4: {  	[dreg:$0x2] =	wrdreg s17  }
0xb5: {  	[dreg:$0x3] =	wrdreg s24  }
0xb6: {  	[dreg:$0x4] =	wrdreg s16  }
0xb7: {  	[dreg:$0x5] =	wrdreg s18  }
0xb8: {  	[dreg:$0x6] =	wrdreg $0x9  }
0xb9: {  	_ =	task.clear_ibuf [dreg:s9], $0x7FFFF;
	_ =	strace $0x90000049  }
0xba: {  	s29 =	simm.s32 $0x9;
	_ =	strace $0x8000004B  }
0xbb: {  	_ =	swait.ge [sflag:s29], $0x1  }
0xbc: {  	[sflag:s29] =	ssyncadd.s32 $0xFFFFFFFF  }
0xbd: {  	_ =	strace $0x9000004B  }
0xbe: {  	_ =	sfence  }
0xbf: {  	s30 =	sld [smem:$0x0];
	_ =	sdelay $0x2  }
0xc0: {  	s31 =	sshll.u32 s1, $0xD;
	s1 =	sshrl.u32 s1, $0x2  }
0xc1: {  	s3 =	sand.u32 $0x4000, s31;
	s1 =	sadd.s32 s1, s30  }
0xc2: {  	s0 =	sor.u32 s3, s0;
	s1 =	sshll.u32 s1, $0x11  }
0xc3: {  	s0 =	sor.u32 s1, s0  }
0xc4: {  	s0 =	sadd.s32 $0x8F2B, s0  }
0xc5: {  	[sflag:s0] =	ssyncadd.remote.s32 $0x1  }
0xc6: {  	_ =	sfence.sel $0xFFFF  }
0xc7: {  	[dreg:$0x0] =	wrdreg $0xFFFFFFFF;
	(pc) =	sbr.abs _section_cstart, $3  }
0xc8: {  	[dreg:$0x1] =	wrdreg $0xFFFFFFFF  }
0xc9: {  	_ =	task.clear_ibuf [dreg:s9], $0x2FFFF;
	_ =	strace $0x9FFFFFFF  }
0xca: {  	(tm) =	ssettm $0x7FFFFFFF  }
0xcb: {  	_ =	shalt  }
tec
execute0_lowered:
.L_overlay_start_1:
0x0: {  	(tag) =	ssettag $0x1  }
0x1: {  	s5 =	stileid.u32  }
0x2: {  	p0 =	sgt.u32 s5, $0x3  }
.Ltmp0:
0x3: {  	s0 =	rddreg [dreg:$0x0];
	(pc) =	sbr.rel @p0 .LBB2_9-.Ltmp0, $4  }
0x4: {  	s4 =	rddreg [dreg:$0x1]  }
0x5: {  	s3 =	rddreg [dreg:$0x2];
	s2 =	simm.s32 $0x0  }
0x6: {  	[smem:$0x7FF] =	sst s2  }
0x7: {  	s1 =	rddreg [dreg:$0x3];
	_ =	strace $0x8000004A  }
0x8: {  	s5 =	srdreg.scid;
	s11 =	stileid.u32  }
0x9: {  	s8 =	sand.u32 $0x1, s5;
	s5 =	sshll.u32 s11, $0x1  }
0xa: {  	s5 =	sor.u32 s8, s5  }
0xb: {  	s6 =	smul.u32 $0x3, s5  }
0xc: {  	s25 =	ssub.s32 $0x2, s8;
	s9 =	sshll.u32 s5, $0x4;
	s5 =	smul.u32 $0x180, s5  }
0xd: {  	s28 =	sshrl.u32 s25, $0x1;
	s4 =	sadd.s32 s9, s4;
	s9 =	sadd.s32 s1, s9  }
0xe: {  	s30 =	ssub.s32 s25, s28;
	s7 =	sadd.s32 $0x1, s6;
	s11 =	sadd.s32 $0x2, s6  }
0xf: {  	s15 =	sshrl.u32 s6, $0x3;
	s17 =	sand.u32 $0x380, s5;
	s4 =	sadd.s32 $0x1200, s4  }
0x10: {  	s10 =	sshll.u32 s7, $0x7;
	s7 =	sshrl.u32 s7, $0x3;
	s13 =	sshrl.u32 s11, $0x3  }
0x11: {  	s11 =	sshll.u32 s11, $0x7;
	s20 =	sshll.u32 s15, $0xB;
	[dreg:$0x7] =	wrdreg s4  }
0x12: {  	s26 =	sshll.u32 s15, $0xD;
	s15 =	simm.s32 $0x800;
	s10 =	sand.u32 $0x380, s10  }
0x13: {  	s12 =	sshll.u32 s7, $0xD;
	s11 =	sand.u32 $0x380, s11;
	s14 =	sshll.u32 s13, $0xD  }
0x14: {  	s7 =	sshll.u32 s7, $0xB;
	s21 =	sor.u32 s17, s20;
	s23 =	sshll.u32 s13, $0xB  }
0x15: {  	s29 =	sor.u32 s17, s26;
	s13 =	simm.s32 $0x400;
	s17 =	simm.s32 $0x1000  }
0x16: {  	s20 =	simm.s32 $0x1700;
	s12 =	sor.u32 s10, s12;
	s16 =	sor.u32 s11, s14  }
0x17: {  	s22 =	sor.u32 s10, s7;
	s4 =	sshrl.u32 s21, $0x3;
	s24 =	sor.u32 s11, s23  }
0x18: {  	s31 =	sshrl.u32 s29, $0x3;
	s11 =	smax.u32 s30, $0x1;
	s14 =	simm.s32 $0x1  }
0x19: {  	s21 =	simm.s32 $0x0;
	s12 =	sshrl.u32 s12, $0x3;
	s19 =	sshrl.u32 s16, $0x3  }
0x1a: {  	s7 =	sshrl.u32 s22, $0x3;
	s4 =	sadd.s32 s3, s4;
	s10 =	sadd.s32 s0, s31  }
0x1b: {  	s16 =	simm.s32 $0x1300;
	s18 =	sadd.s32 s0, s12;
	s5 =	sadd.s32 s0, s19  }
0x1c: {  	[dreg:$0x8] =	wrdreg s4;
	s7 =	sadd.s32 s3, s7;
	s4 =	sshrl.u32 s24, $0x3  }
0x1d: {  	s12 =	simm.s32 $0x80;
	s19 =	simm.s32 $0x1200;
	[dreg:$0x5] =	wrdreg s18  }
0x1e: {  	v0 =	vimm.f32 $1.000000000e+10;
	v1 =	vimm.s32 $0x0;
	v2 =	vlaneseq.u32;
	[dreg:$0x6] =	wrdreg s5;
	s8 =	sadd.s32 s3, s4;
	s18 =	simm.s32 $0x1100  }
.LBB2_2:
0x1f: {  	s0 =	simm.s32 $0x0  }
0x20: {  	[tilespmem:s0], [sflag:$0x1] =	stream.strided.gather [hbm4b:s10+s12], $0x400, s13, s12, $0x38;
	[tilespmem:$0x1800] =	vst v63  }
0x21: {  	_ =	swait.ge [sflag:s14], $0x400  }
0x22: {  	[sflag:s14] =	ssyncset.done $0x0  }
0x23: {  	s29 =	rddreg [dreg:$0x5];
	[sflag:s14] =	ssyncadd.s32 $0xFFFFFC00  }
0x24: {  	[tilespmem:s13], [sflag:$0x1] =	stream.strided.gather [hbm4b:s29+s12], $0x400, s13, s12, $0x38;
	[tilespmem:$0x1800] =	vst v63  }
0x25: {  	_ =	swait.ge [sflag:s14], $0x400  }
0x26: {  	[sflag:s14] =	ssyncset.done $0x0  }
0x27: {  	s30 =	rddreg [dreg:$0x6];
	[sflag:s14] =	ssyncadd.s32 $0xFFFFFC00  }
0x28: {  	[tilespmem:s15], [sflag:$0x1] =	stream.strided.gather [hbm4b:s30+s12], $0x400, s13, s12, $0x38;
	[tilespmem:$0x1800] =	vst v63  }
0x29: {  	_ =	swait.ge [sflag:s14], $0x400  }
0x2a: {  	[sflag:s14] =	ssyncset.done $0x0  }
0x2b: {  	s31 =	rddreg [dreg:$0x7];
	[sflag:s14] =	ssyncadd.s32 $0xFFFFFC00  }
0x2c: {  	[tilespmem:s16], [sflag:$0x1] =	stream.strided.gather [hbm4b:s31+s12], $0x400, s13, s12, $0x38;
	[tilespmem:$0x1800] =	vst v63  }
0x2d: {  	_ =	swait.ge [sflag:s14], $0x400  }
0x2e: {  	[sflag:s14] =	ssyncset.done $0x0  }
0x2f: {  	s1 =	simm.s32 $0x0;
	s0 =	simm.s32 $0x40;
	[sflag:s14] =	ssyncadd.s32 $0xFFFFFC00  }
.LBB2_3:
0x30: {  	p0 =	sne.s32 s0, $0xFC0;
	[tilespmem:s1+$0xC00] =	vst v0;
	s1 =	smov.u32 s0;
	s0 =	sadd.s32 $0x40, s0  }
.Ltmp1:
0x31: {  	(pc) =	sbr.rel @p0 .LBB2_3-.Ltmp1, $2  }
0x32: {  	_ =	sdelay $0x2  }
0x33: {  	s1 =	sshra.s32 s1, $0x2  }
0x34: {  	[tilespmem:s1+$0xC00] =	vst v0;
	s0 =	simm.s32 $0x0  }
0x35: {  	v3 =	vld.msk [tilespmem:s0+$0x0], $0xffff;
	_ =	sdelay $0x4  }
0x36: {  	[tilespmem:v1+s17+$0x0] =	vst.idx.msk $0x1, v3  }
0x37: {  	v3 =	vld.msk [tilespmem:s13+$0x0], $0xffff;
	_ =	sdelay $0x4  }
0x38: {  	[tilespmem:v1+s18+$0x0] =	vst.idx.msk $0x1, v3  }
0x39: {  	v3 =	vld.msk [tilespmem:s15+$0x0], $0xffff;
	_ =	sdelay $0x4  }
0x3a: {  	[tilespmem:v1+s19+$0x0] =	vst.idx.msk $0x1, v3  }
0x3b: {  	v3 =	vld.msk [tilespmem:s16+$0x0], $0xffff;
	_ =	sdelay $0x4  }
0x3c: {  	s22 =	simm.s32 $0x1;
	[tilespmem:v1+s20+$0x0] =	vst.idx.msk $0x1, v3  }
.LBB2_5:
0x3d: {  	v5 =	vmov s0;
	_ =	sdelay $0x1  }
0x3e: {  	s3 =	simm.s32 $0x40  }
0x3f: {  	s6 =	simm.s32 $0x440;
	v6 =	vld [tilespmem:s3+$0xFFFFFFC0]  }
0x40: {  	v7 =	vld [tilespmem:s6+$0xFFFFFFC0]  }
0x41: {  	v3 =	vld.idx.msk [tilespmem:v5+s2+$0x0], $0xffff  }
0x42: {  	s1 =	simm.s32 $0x840;
	v4 =	vld.idx.msk [tilespmem:v5+s13+$0x0], $0xffff  }
0x43: {  	v8 =	vld [tilespmem:s1+$0xFFFFFFC0]  }
0x44: {  	v5 =	vld.idx.msk [tilespmem:v5+s15+$0x0], $0xffff;
	_ =	sdelay $0x2  }
0x45: {  	v6 =	vsub.f32 v6, v3;
	v7 =	vsub.f32 v7, v4;
	_ =	sdelay $0x1  }
0x46: {  	s23 =	simm.s32 $0xC40;
	v8 =	vsub.f32 v8, v5;
	v6 =	vmul.f32 v6, v6;
	v7 =	vmul.f32 v7, v7  }
0x47: {  	v9 =	vld [tilespmem:s23+$0xFFFFFFC0]  }
0x48: {  	v8 =	vmul.f32 v8, v8;
	v6 =	vadd.f32 v7, v6;
	_ =	sdelay $0x1  }
0x49: {  	v6 =	vadd.f32 v8, v6;
	_ =	sdelay $0x1  }
0x4a: {  	v6 =	vmin.f32 v9, v6  }
0x4b: {  	[tilespmem:s23+$0xFFFFFFC0] =	vst v6  }
0x4c: {  	v7 =	vld [tilespmem:s3+$0xFFFFFFD0]  }
0x4d: {  	v8 =	vld [tilespmem:s6+$0xFFFFFFD0];
	_ =	sdelay $0x1  }
0x4e: {  	v9 =	vld [tilespmem:s1+$0xFFFFFFD0];
	_ =	sdelay $0x2  }
0x4f: {  	v7 =	vsub.f32 v7, v3;
	v8 =	vsub.f32 v8, v4;
	_ =	sdelay $0x1  }
0x50: {  	v9 =	vsub.f32 v9, v5;
	v7 =	vmul.f32 v7, v7;
	v8 =	vmul.f32 v8, v8  }
0x51: {  	v10 =	vld [tilespmem:s23+$0xFFFFFFD0]  }
0x52: {  	v7 =	vadd.f32 v8, v7;
	v8 =	vmul.f32 v9, v9;
	_ =	sdelay $0x1  }
0x53: {  	v7 =	vadd.f32 v8, v7;
	_ =	sdelay $0x1  }
0x54: {  	v7 =	vmin.f32 v10, v7  }
0x55: {  	[tilespmem:s23+$0xFFFFFFD0] =	vst v7  }
0x56: {  	v8 =	vld [tilespmem:s3+$0xFFFFFFE0]  }
0x57: {  	v9 =	vld [tilespmem:s6+$0xFFFFFFE0];
	_ =	sdelay $0x1  }
0x58: {  	v10 =	vld [tilespmem:s1+$0xFFFFFFE0];
	_ =	sdelay $0x2  }
0x59: {  	v8 =	vsub.f32 v8, v3;
	v9 =	vsub.f32 v9, v4;
	_ =	sdelay $0x1  }
0x5a: {  	v10 =	vsub.f32 v10, v5;
	v8 =	vmul.f32 v8, v8;
	v9 =	vmul.f32 v9, v9  }
0x5b: {  	v11 =	vld [tilespmem:s23+$0xFFFFFFE0]  }
0x5c: {  	v8 =	vadd.f32 v9, v8;
	v9 =	vmul.f32 v10, v10;
	_ =	sdelay $0x1  }
0x5d: {  	v8 =	vadd.f32 v9, v8;
	_ =	sdelay $0x1  }
0x5e: {  	v8 =	vmin.f32 v11, v8  }
0x5f: {  	[tilespmem:s23+$0xFFFFFFE0] =	vst v8  }
0x60: {  	v9 =	vld [tilespmem:s3+$0xFFFFFFF0]  }
0x61: {  	v10 =	vld [tilespmem:s6+$0xFFFFFFF0];
	_ =	sdelay $0x1  }
0x62: {  	v11 =	vld [tilespmem:s1+$0xFFFFFFF0];
	_ =	sdelay $0x2  }
0x63: {  	v9 =	vsub.f32 v9, v3;
	v10 =	vsub.f32 v10, v4;
	_ =	sdelay $0x1  }
0x64: {  	v11 =	vsub.f32 v11, v5;
	v9 =	vmul.f32 v9, v9;
	v10 =	vmul.f32 v10, v10  }
0x65: {  	v12 =	vld [tilespmem:s23+$0xFFFFFFF0]  }
0x66: {  	v9 =	vadd.f32 v10, v9;
	v10 =	vmul.f32 v11, v11;
	_ =	sdelay $0x1  }
0x67: {  	v9 =	vadd.f32 v10, v9;
	_ =	sdelay $0x1  }
0x68: {  	v9 =	vmin.f32 v12, v9  }
0x69: {  	[tilespmem:s23+$0xFFFFFFF0] =	vst v9  }
0x6a: {  	v10 =	vld [tilespmem:s3+$0x0]  }
0x6b: {  	v11 =	vld [tilespmem:s6+$0x0];
	_ =	sdelay $0x1  }
0x6c: {  	v54 =	vld [tilespmem:s1+$0x0];
	_ =	sdelay $0x2  }
0x6d: {  	v10 =	vsub.f32 v10, v3;
	v11 =	vsub.f32 v11, v4;
	_ =	sdelay $0x1  }
0x6e: {  	v12 =	vsub.f32 v54, v5;
	v10 =	vmul.f32 v10, v10;
	v11 =	vmul.f32 v11, v11  }
0x6f: {  	v13 =	vld [tilespmem:s23+$0x0]  }
0x70: {  	v10 =	vadd.f32 v11, v10;
	v11 =	vmul.f32 v12, v12;
	_ =	sdelay $0x1  }
0x71: {  	v10 =	vadd.f32 v11, v10;
	_ =	sdelay $0x1  }
0x72: {  	v10 =	vmin.f32 v13, v10  }
0x73: {  	[tilespmem:s23+$0x0] =	vst v10  }
0x74: {  	v11 =	vld [tilespmem:s3+$0x10]  }
0x75: {  	v55 =	vld [tilespmem:s6+$0x10];
	_ =	sdelay $0x1  }
0x76: {  	v56 =	vld [tilespmem:s1+$0x10];
	_ =	sdelay $0x2  }
0x77: {  	v11 =	vsub.f32 v11, v3;
	v12 =	vsub.f32 v55, v4;
	_ =	sdelay $0x1  }
0x78: {  	v13 =	vsub.f32 v56, v5;
	v11 =	vmul.f32 v11, v11;
	v12 =	vmul.f32 v12, v12  }
0x79: {  	v14 =	vld [tilespmem:s23+$0x10]  }
0x7a: {  	v57 =	vmul.f32 v13, v13;
	v11 =	vadd.f32 v12, v11;
	_ =	sdelay $0x1  }
0x7b: {  	v11 =	vadd.f32 v57, v11;
	_ =	sdelay $0x1  }
0x7c: {  	v11 =	vmin.f32 v14, v11  }
0x7d: {  	[tilespmem:s23+$0x10] =	vst v11  }
0x7e: {  	v58 =	vld [tilespmem:s3+$0x20]  }
0x7f: {  	v59 =	vld [tilespmem:s6+$0x20];
	_ =	sdelay $0x1  }
0x80: {  	v60 =	vld [tilespmem:s1+$0x20]  }
0x81: {  	v15 =	vimm.f32 $-1.000000000e+00  }
0x82: {  	vm5 =	vgt.f32 v6, v15  }
0x83: {  	v6 =	vsel vm5, v6, v15;
	v12 =	vsub.f32 v58, v3;
	v13 =	vsub.f32 v59, v4  }
0x84: {  	vm0 =	vgt.f32 v7, v6  }
0x85: {  	v14 =	vsub.f32 v60, v5;
	v12 =	vmul.f32 v12, v12;
	v13 =	vmul.f32 v13, v13  }
0x86: {  	v6 =	vsel vm0, v7, v6;
	v7 =	vld [tilespmem:s23+$0x20]  }
0x87: {  	v61 =	vmul.f32 v14, v14;
	v12 =	vadd.f32 v13, v12  }
0x88: {  	vm1 =	vgt.f32 v8, v6  }
0x89: {  	v6 =	vsel vm1, v8, v6;
	v8 =	vadd.f32 v61, v12  }
0x8a: {  	vm2 =	vgt.f32 v9, v6  }
0x8b: {  	v6 =	vsel vm2, v9, v6;
	v7 =	vmin.f32 v7, v8  }
0x8c: {  	vm3 =	vgt.f32 v10, v6;
	[tilespmem:s23+$0x20] =	vst v7  }
0x8d: {  	s24 =	simm.s32 $0x70;
	s30 =	simm.s32 $0x0;
	s26 =	simm.s32 $0x30;
	v6 =	vsel vm3, v10, v6;
	v9 =	vld [tilespmem:s3+$0x30]  }
0x8e: {  	s29 =	simm.s32 $0x40;
	s25 =	simm.s32 $0x50;
	s4 =	simm.s32 $0x0;
	vm4 =	vgt.f32 v11, v6;
	v10 =	vld [tilespmem:s6+$0x30]  }
0x8f: {  	v62 =	vimm.s32 $0x0;
	s28 =	simm.s32 $0x60;
	s31 =	simm.s32 $0x8C0;
	s0 =	simm.s32 $0xCC0;
	v63 =	vor.u32 s4, v2;
	v8 =	vsel vm4, v11, v6;
	v11 =	vld [tilespmem:s1+$0x30]  }
0x90: {  	s4 =	simm.s32 $0x10;
	v6 =	vsel vm5, v63, v62;
	vm5 =	vgt.f32 v7, v8;
	s1 =	simm.s32 $0xC0;
	s3 =	simm.s32 $0x4C0  }
.LBB2_6:
0x91: {  	s30 =	sadd.s32 $0x8, s30;
	v12 =	vor.u32 s4, v2;
	s4 =	sadd.s32 $0xFFFFFFB0, s24;
	v13 =	vor.u32 s29, v2;
	v14 =	vor.u32 s24, v2;
	s24 =	sadd.s32 $0x80, s24  }
0x92: {  	s5 =	sadd.s32 $0xFFFFFFC0, s24;
	s29 =	sadd.s32 $0xFFFFFFD0, s24;
	p0 =	slt.u32 s30, $0x38;
	v6 =	vsel vm0, v12, v6;
	v12 =	vor.u32 s4, v2;
	v9 =	vsub.f32 v9, v3  }
0x93: {  	s4 =	sadd.s32 $0xFFFFFFE0, s24;
	s6 =	sadd.s32 $0xFFFFFFF0, s24;
	v6 =	vsel vm1, v12, v6;
	v12 =	vor.u32 s26, v2;
	v10 =	vsub.f32 v10, v4;
	v15 =	vld [tilespmem:s23+$0x30];
	s26 =	smov.u32 s5  }
0x94: {  	v6 =	vsel vm2, v12, v6;
	v11 =	vsub.f32 v11, v5;
	v9 =	vmul.f32 v9, v9  }
0x95: {  	v12 =	vor.u32 s25, v2;
	s25 =	smov.u32 s4;
	v6 =	vsel vm3, v13, v6;
	v10 =	vmul.f32 v10, v10  }
0x96: {  	v6 =	vsel vm4, v12, v6;
	v12 =	vor.u32 s28, v2;
	v11 =	vmul.f32 v11, v11;
	s28 =	smov.u32 s6  }
0x97: {  	v7 =	vsel vm5, v7, v8;
	v6 =	vsel vm5, v12, v6;
	v8 =	vadd.f32 v10, v9;
	_ =	sdelay $0x1  }
0x98: {  	v8 =	vadd.f32 v11, v8;
	_ =	sdelay $0x1  }
0x99: {  	v8 =	vmin.f32 v15, v8  }
0x9a: {  	[tilespmem:s23+$0x30] =	vst v8;
	vm0 =	vgt.f32 v8, v7;
	s23 =	smov.u32 s0  }
0x9b: {  	v9 =	vld [tilespmem:s1+$0xFFFFFFC0];
	v7 =	vsel vm0, v8, v7;
	v6 =	vsel vm0, v14, v6  }
0x9c: {  	v8 =	vld [tilespmem:s3+$0xFFFFFFC0]  }
0x9d: {  	v10 =	vld [tilespmem:s31+$0xFFFFFFC0];
	_ =	sdelay $0x3  }
0x9e: {  	v9 =	vsub.f32 v9, v3;
	v8 =	vsub.f32 v8, v4  }
0x9f: {  	v10 =	vsub.f32 v10, v5  }
0xa0: {  	v9 =	vmul.f32 v9, v9;
	v8 =	vmul.f32 v8, v8  }
0xa1: {  	v10 =	vmul.f32 v10, v10;
	v11 =	vld [tilespmem:s0+$0xFFFFFFC0]  }
0xa2: {  	v8 =	vadd.f32 v8, v9;
	_ =	sdelay $0x1  }
0xa3: {  	v8 =	vadd.f32 v10, v8;
	_ =	sdelay $0x1  }
0xa4: {  	v8 =	vmin.f32 v11, v8  }
0xa5: {  	[tilespmem:s0+$0xFFFFFFC0] =	vst v8  }
0xa6: {  	v9 =	vld [tilespmem:s1+$0xFFFFFFD0]  }
0xa7: {  	v10 =	vld [tilespmem:s3+$0xFFFFFFD0];
	_ =	sdelay $0x1  }
0xa8: {  	v11 =	vld [tilespmem:s31+$0xFFFFFFD0];
	_ =	sdelay $0x1  }
0xa9: {  	v9 =	vsub.f32 v9, v3  }
0xaa: {  	v10 =	vsub.f32 v10, v4;
	_ =	sdelay $0x1  }
0xab: {  	v9 =	vmul.f32 v9, v9;
	v11 =	vsub.f32 v11, v5;
	v10 =	vmul.f32 v10, v10  }
0xac: {  	v12 =	vld [tilespmem:s0+$0xFFFFFFD0]  }
0xad: {  	v9 =	vadd.f32 v10, v9;
	v10 =	vmul.f32 v11, v11;
	_ =	sdelay $0x1  }
0xae: {  	s4 =	sadd.s32 $0xFFFFFF90, s24;
	v9 =	vadd.f32 v10, v9  }
0xaf: {  	vm0 =	vgt.f32 v8, v7;
	v10 =	vor.u32 s4, v2  }
0xb0: {  	v7 =	vsel vm0, v8, v7;
	v6 =	vsel vm0, v10, v6;
	v8 =	vmin.f32 v12, v9  }
0xb1: {  	[tilespmem:s0+$0xFFFFFFD0] =	vst v8;
	vm0 =	vgt.f32 v8, v7  }
0xb2: {  	v7 =	vsel vm0, v8, v7;
	v8 =	vld [tilespmem:s1+$0xFFFFFFE0]  }
0xb3: {  	v9 =	vld [tilespmem:s3+$0xFFFFFFE0];
	_ =	sdelay $0x1  }
0xb4: {  	v10 =	vld [tilespmem:s31+$0xFFFFFFE0];
	_ =	sdelay $0x1  }
0xb5: {  	v8 =	vsub.f32 v8, v3  }
0xb6: {  	v9 =	vsub.f32 v9, v4  }
0xb7: {  	v8 =	vmul.f32 v8, v8  }
0xb8: {  	v10 =	vsub.f32 v10, v5;
	v9 =	vmul.f32 v9, v9  }
0xb9: {  	v11 =	vld [tilespmem:s0+$0xFFFFFFE0]  }
0xba: {  	v8 =	vadd.f32 v9, v8;
	v9 =	vmul.f32 v10, v10;
	_ =	sdelay $0x1  }
0xbb: {  	v8 =	vadd.f32 v9, v8;
	_ =	sdelay $0x1  }
0xbc: {  	v8 =	vmin.f32 v11, v8  }
0xbd: {  	[tilespmem:s0+$0xFFFFFFE0] =	vst v8;
	vm1 =	vgt.f32 v8, v7  }
0xbe: {  	v7 =	vsel vm1, v8, v7;
	v8 =	vld [tilespmem:s1+$0xFFFFFFF0]  }
0xbf: {  	v9 =	vld [tilespmem:s3+$0xFFFFFFF0];
	_ =	sdelay $0x1  }
0xc0: {  	v10 =	vld [tilespmem:s31+$0xFFFFFFF0];
	_ =	sdelay $0x1  }
0xc1: {  	v8 =	vsub.f32 v8, v3  }
0xc2: {  	v9 =	vsub.f32 v9, v4  }
0xc3: {  	v8 =	vmul.f32 v8, v8  }
0xc4: {  	v10 =	vsub.f32 v10, v5;
	v9 =	vmul.f32 v9, v9  }
0xc5: {  	v11 =	vld [tilespmem:s0+$0xFFFFFFF0]  }
0xc6: {  	v8 =	vadd.f32 v9, v8;
	v9 =	vmul.f32 v10, v10;
	_ =	sdelay $0x1  }
0xc7: {  	v8 =	vadd.f32 v9, v8;
	_ =	sdelay $0x1  }
0xc8: {  	v8 =	vmin.f32 v11, v8  }
0xc9: {  	[tilespmem:s0+$0xFFFFFFF0] =	vst v8;
	vm2 =	vgt.f32 v8, v7  }
0xca: {  	v7 =	vsel vm2, v8, v7;
	v8 =	vld [tilespmem:s1+$0x0]  }
0xcb: {  	v9 =	vld [tilespmem:s3+$0x0]  }
0xcc: {  	v10 =	vld [tilespmem:s31+$0x0];
	_ =	sdelay $0x2  }
0xcd: {  	v8 =	vsub.f32 v8, v3  }
0xce: {  	v9 =	vsub.f32 v9, v4  }
0xcf: {  	v10 =	vsub.f32 v10, v5  }
0xd0: {  	v8 =	vmul.f32 v8, v8;
	v9 =	vmul.f32 v9, v9  }
0xd1: {  	v11 =	vld [tilespmem:s0+$0x0]  }
0xd2: {  	v8 =	vadd.f32 v9, v8;
	v9 =	vmul.f32 v10, v10;
	_ =	sdelay $0x1  }
0xd3: {  	v8 =	vadd.f32 v9, v8;
	_ =	sdelay $0x1  }
0xd4: {  	v8 =	vmin.f32 v11, v8  }
0xd5: {  	[tilespmem:s0+$0x0] =	vst v8;
	vm3 =	vgt.f32 v8, v7  }
0xd6: {  	v9 =	vld [tilespmem:s1+$0x10]  }
0xd7: {  	v10 =	vld [tilespmem:s3+$0x10]  }
0xd8: {  	v11 =	vld [tilespmem:s31+$0x10];
	_ =	sdelay $0x2  }
0xd9: {  	v9 =	vsub.f32 v9, v3  }
0xda: {  	v10 =	vsub.f32 v10, v4  }
0xdb: {  	v11 =	vsub.f32 v11, v5;
	v9 =	vmul.f32 v9, v9  }
0xdc: {  	v10 =	vmul.f32 v10, v10  }
0xdd: {  	v12 =	vld [tilespmem:s0+$0x10]  }
0xde: {  	v9 =	vadd.f32 v10, v9;
	v10 =	vmul.f32 v11, v11;
	_ =	sdelay $0x1  }
0xdf: {  	v9 =	vadd.f32 v10, v9;
	_ =	sdelay $0x1  }
0xe0: {  	v7 =	vsel vm3, v8, v7;
	v8 =	vmin.f32 v12, v9  }
0xe1: {  	[tilespmem:s0+$0x10] =	vst v8;
	vm4 =	vgt.f32 v8, v7  }
0xe2: {  	v9 =	vld [tilespmem:s1+$0x20]  }
0xe3: {  	v10 =	vld [tilespmem:s3+$0x20]  }
0xe4: {  	v11 =	vld [tilespmem:s31+$0x20];
	_ =	sdelay $0x2  }
0xe5: {  	v9 =	vsub.f32 v9, v3  }
0xe6: {  	v10 =	vsub.f32 v10, v4  }
0xe7: {  	v11 =	vsub.f32 v11, v5  }
0xe8: {  	v9 =	vmul.f32 v9, v9;
	v10 =	vmul.f32 v10, v10  }
0xe9: {  	v12 =	vld [tilespmem:s0+$0x20]  }
0xea: {  	v9 =	vadd.f32 v10, v9;
	v10 =	vmul.f32 v11, v11;
	_ =	sdelay $0x1  }
0xeb: {  	v9 =	vadd.f32 v10, v9;
	_ =	sdelay $0x1  }
0xec: {  	v8 =	vsel vm4, v8, v7;
	v7 =	vmin.f32 v12, v9  }
.Ltmp2:
0xed: {  	[tilespmem:s0+$0x20] =	vst v7;
	vm5 =	vgt.f32 v7, v8;
	(pc) =	sbr.rel @p0 .LBB2_6-.Ltmp2, $4  }
0xee: {  	v9 =	vld [tilespmem:s1+$0x30]  }
0xef: {  	v10 =	vld [tilespmem:s3+$0x30]  }
0xf0: {  	s0 =	sadd.s32 $0x80, s0;
	v11 =	vld [tilespmem:s31+$0x30];
	s31 =	sadd.s32 $0x80, s31  }
0xf1: {  	s4 =	sadd.s32 $0xFFFFFFA0, s24;
	s1 =	sadd.s32 $0x80, s1;
	s3 =	sadd.s32 $0x80, s3  }
0xf2: {  	_ =	sdelay $0x1  }
0xf3: {  	v3 =	vsub.f32 v9, v3;
	v4 =	vsub.f32 v10, v4;
	_ =	sdelay $0x1  }
0xf4: {  	v5 =	vsub.f32 v11, v5;
	v3 =	vmul.f32 v3, v3;
	v4 =	vmul.f32 v4, v4  }
0xf5: {  	v50 =	vld [tilespmem:s23+$0x30]  }
0xf6: {  	v5 =	vmul.f32 v5, v5;
	v3 =	vadd.f32 v4, v3;
	_ =	sdelay $0x1  }
0xf7: {  	v3 =	vadd.f32 v5, v3;
	_ =	sdelay $0x1  }
0xf8: {  	v51 =	vsel vm5, v7, v8;
	v3 =	vmin.f32 v50, v3  }
0xf9: {  	vm6 =	vgt.f32 v3, v51  }
0xfa: {  	v4 =	vsel vm6, v3, v51  }
0xfb: {  	(xrf0) =	vmax.scan.msk.f32 $0xffff, v4  }
0xfc: {  	v52 =	vor.u32 s4, v2;
	s0 =	sadd.s32 $0xFFFFFFB0, s24  }
0xfd: {  	v53 =	vor.u32 s0, v2;
	v5 =	vsel vm0, v52, v6  }
0xfe: {  	v54 =	vor.u32 s26, v2;
	v5 =	vsel vm1, v53, v5  }
0xff: {  	v55 =	vor.u32 s29, v2;
	v5 =	vsel vm2, v54, v5  }
0x100: {  	v56 =	vor.u32 s25, v2;
	v5 =	vsel vm3, v55, v5  }
0x101: {  	v57 =	vor.u32 s28, v2;
	v5 =	vsel vm4, v56, v5;
	v58, _, _ =	vpop (xrf0)  }
0x102: {  	v59 =	vor.u32 s24, v2;
	v5 =	vsel vm5, v57, v5;
	v60 =	vbroadcast v58, $0xF  }
0x103: {  	v5 =	vsel vm6, v59, v5  }
0x104: {  	v61 =	vxor.u32 $0x80000000, v5;
	vm15 =	veq.f32 v4, v60  }
0x105: {  	v4 =	vnsel vm15, $0x80000400, v61  }
0x106: {  	(xrf0) =	vmin.scan.msk.u32 $0xffff, v4;
	_ =	sdelay $0x5  }
0x107: {  	v4, _, _ =	vpop (xrf0)  }
0x108: {  	(v2sf) =	vpush v4, $0xF;
	_ =	sdelay $0xe  }
0x109: {  	s31 =	spop (v2sf)  }
0x10a: {  	s0 =	sxor.u32 $0x80000000, s31  }
0x10b: {  	v62 =	vmov s0;
	_ =	sdelay $0x3  }
0x10c: {  	[tilespmem:s23+$0x30] =	vst v3  }
0x10d: {  	v3 =	vmov s22;
	v63 =	vld.idx.msk [tilespmem:v62+s2+$0x0], $0xffff;
	_ =	sdelay $0x4  }
0x10e: {  	[tilespmem:v3+s17+$0x0] =	vst.idx.msk $0x1, v63  }
0x10f: {  	v5 =	vld.idx.msk [tilespmem:v62+s13+$0x0], $0xffff;
	_ =	sdelay $0x4  }
0x110: {  	[tilespmem:v3+s18+$0x0] =	vst.idx.msk $0x1, v5  }
0x111: {  	v5 =	vld.idx.msk [tilespmem:v62+s15+$0x0], $0xffff;
	_ =	sdelay $0x4  }
0x112: {  	s22 =	sadd.s32 $0x1, s22;
	[tilespmem:v3+s19+$0x0] =	vst.idx.msk $0x1, v5  }
0x113: {  	p0 =	sne.s32 s22, $0x100;
	v4 =	vld.idx.msk [tilespmem:v62+s16+$0x0], $0xffff  }
.Ltmp3:
0x114: {  	_ = 	snop;
	(pc) =	sbr.rel @p0 .LBB2_5-.Ltmp3, $2  }
0x115: {  	_ =	sdelay $0x2  }
0x116: {  	[tilespmem:v3+s20+$0x0] =	vst.idx.msk $0x1, v4  }
0x117: {  	s0 =	rddreg [dreg:$0x8]  }
0x118: {  	[hbm4b:s0+s12] =	stream.strided.scatter [tilespmem:s17], [sflag:$0x1], $0x100, s13, s12, $0x38;
	[tilespmem:$0x1800] =	vst v63  }
0x119: {  	_ =	swait.ge [sflag:s14], $0x100  }
0x11a: {  	[sflag:s14] =	ssyncset.done $0x0  }
0x11b: {  	[sflag:s14] =	ssyncadd.s32 $0xFFFFFF00  }
0x11c: {  	[hbm4b:s7+s12] =	stream.strided.scatter [tilespmem:s18], [sflag:$0x1], $0x100, s13, s12, $0x38;
	[tilespmem:$0x1800] =	vst v63  }
0x11d: {  	_ =	swait.ge [sflag:s14], $0x100  }
0x11e: {  	[sflag:s14] =	ssyncset.done $0x0  }
0x11f: {  	[sflag:s14] =	ssyncadd.s32 $0xFFFFFF00  }
0x120: {  	[hbm4b:s8+s12] =	stream.strided.scatter [tilespmem:s19], [sflag:$0x1], $0x100, s13, s12, $0x38;
	[tilespmem:$0x1800] =	vst v63  }
0x121: {  	s21 =	sadd.s32 $0x1, s21;
	_ =	swait.ge [sflag:s14], $0x100  }
0x122: {  	p0 =	sne.s32 s21, s11;
	[sflag:s14] =	ssyncset.done $0x0  }
.Ltmp4:
0x123: {  	[sflag:s14] =	ssyncadd.s32 $0xFFFFFF00;
	(pc) =	sbr.rel @p0 .LBB2_2-.Ltmp4, $4  }
0x124: {  	[hbm4b:s9+s12] =	stream.strided.scatter [tilespmem:s20], [sflag:$0x1], $0x100, s13, s12, $0x38;
	[tilespmem:$0x1800] =	vst v63  }
0x125: {  	_ =	swait.ge [sflag:s14], $0x100  }
0x126: {  	[sflag:s14] =	ssyncset.done $0x0  }
0x127: {  	[sflag:s14] =	ssyncadd.s32 $0xFFFFFF00  }
.LBB2_9:
0x128: {  	_ =	sfence.sel $0x180000  }
0x129: {  	[bflag:$0x0] =	sbarrier.arrive $0xFFFF  }
0x12a: {  	_ =	strace $0x9000004A  }
0x12b: {  	s0 =	stileid.u32;
	[bflag:$0x2] =	sbarrier.arrive $0xFFFF  }
0x12c: {  	p0 =	sne.s32 s0, $0x0;
	s0 =	rddreg [dreg:$0x4]  }
0x12d: {  	s0 =	sadd.s32 @!p0 $0x100000, s0  }
0x12e: {  	[sflag:s0] =	ssyncadd.tile.s32 @!p0 $0x1;
	_ =	shalt  }
.Lfunc_end2:
_tile_overlayer_lowered:
.L_overlay_start_2:
0x12f: {  	(tag) =	ssettag $0x2  }
0x130: {  	s0 =	rddreg [dreg:$0x0];
	s2 =	stileid.u32  }
0x131: {  	s1 =	rddreg [dreg:$0x1];
	p0 =	sne.s32 s2, $0x0  }
0x132: {  	s3 =	rddreg [dreg:$0x2];
	[bflag:$0x3] =	sbarrier.arrive $0xFFFF;
	s2 =	simm.s32 @!p0 $0x1C01  }
0x133: {  	[timem:s3], [sflag:s2] =	dma.local @!p0 [hbm:s0], s1  }
0x134: {  	s0 =	simm.s32 @!p0 $0x1  }
0x135: {  	_ =	swait.ge @!p0 [sflag:s0], s1  }
0x136: {  	s1 =	ssub.s32 @!p0 $0x0, s1;
	[sflag:s0] =	ssyncset.done @!p0 $0x0  }
0x137: {  	[sflag:s0] =	ssyncadd.s32 @!p0 s1  }
0x138: {  	[bflag:$0x3] =	sbarrier.arrive $0xFFFF  }
0x139: {  	_ =	shalt  }

// kernel: kernel.8.cloned.1.call-start
scs
__scs_entry_jumppad:
0x0: {  	(pc) =	sbr.rel $0x88, $3  }
0x1: {  	(tag) =	ssettag $0x0;
	lr =	simm.s32 $0x1  }
0x2: {  	[smem:$0x3FA0] =	sst lr;
	_ =	strace $0xD0000000  }
0x3: {  	_ = 	snop  }
0x4: {  	_ = 	snop  }
0x5: {  	_ = 	snop  }
0x6: {  	_ = 	snop  }
0x7: {  	_ = 	snop  }
__scs_overlays_trampoline_lowered:
0x8: {  	[smem:$0x3FAF] =	sst s0  }
0x9: {  	[smem:$0x3FB0] =	sst s1  }
0xa: {  	[smem:$0x3FB1] =	sst s2  }
0xb: {  	[smem:$0x3FB2] =	sst s3  }
0xc: {  	[smem:$0x3FB3] =	sst s4  }
0xd: {  	[smem:$0x3FB4] =	sst s5  }
0xe: {  	[smem:$0x3FB5] =	sst s6  }
0xf: {  	[smem:$0x3FB6] =	sst s7  }
0x10: {  	[smem:$0x3FB7] =	sst s8  }
0x11: {  	[smem:$0x3FB8] =	sst s9;
	s0 =	simm.s32 @!p0 $0x0  }
0x12: {  	s1 =	sld [smem:$0x3F9E];
	s0 =	simm.s32 @p0 $0x1  }
0x13: {  	[smem:$0x3FB9] =	sst s0;
	s0 =	simm.s32 @!p1 $0x0  }
0x14: {  	s2 =	sld [smem:$0x3F9D];
	s0 =	simm.s32 @p1 $0x1  }
0x15: {  	[smem:$0x3FBA] =	sst s0;
	s0 =	simm.s32 @!p2 $0x0  }
0x16: {  	s3 =	sld [smem:$0x3FDB];
	s0 =	simm.s32 @p2 $0x1  }
0x17: {  	s4 =	simm.s32 $0x1BF5;
	[smem:$0x3FBC] =	sst s0  }
0x18: {  	s0 =	sld [smem:$0x3F9F];
	_ =	swait.ge [sflag:s4], $0x0  }
0x19: {  	s7 =	sld [smem:$0x3FA0]  }
0x1a: {  	s8 =	sadd.s32 $0xFFFFE003, lr  }
0x1b: {  	s9 =	sadd.s32 $0xFFFFFEF7, lr;
	s5 =	simm.s32 $0xFFFFFFFF;
	p2 =	slt.u32 s8, $0xFFFFF086  }
0x1c: {  	p1 =	slt.u32 s9, $0xF7A;
	s5 =	simm.s32 @!p2 $0x0  }
0x1d: {  	s5 =	simm.s32 @p1 $0x1;
	p0 =	seq.s32 s7, s2  }
0x1e: {  	s7 =	smul.u32 @!p0 $0xF7A, s2;
	p2 =	seq.s32 @!p0 s5, $0x0  }
0x1f: {  	s9 =	smul.u32 $0xF7A, s1;
	s8 =	simm.s32 @!p0 $0x1BF5;
	p2 =	por !p2, p0  }
0x20: {  	[sflag:s8] =	ssyncset.s32 @!p0 $0xFFFFF086;
	s6 =	sadd.s32 @!p0 s3, s7;
	s7 =	simm.s32 @!p0 $0x108  }
0x21: {  	s3 =	sadd.s32 s3, s9;
	s6 =	sadd.s32 @!p0 $0x88, s6;
	s7 =	simm.s32 @p2 $0x1082  }
0x22: {  	[simem:s7], [sflag:s8] =	dma.local @!p0 [hbm:s6], $0xF7A  }
0x23: {  	s9 =	sor.u32 $0xD0000000, s2;
	s6 =	simm.s32 $0x108;
	_ =	swait.ge @!p0 [sflag:s8], $0x0  }
0x24: {  	s3 =	sadd.s32 $0x88, s3;
	s6 =	simm.s32 @!p1 $0x1082;
	[sflag:s4] =	ssyncset.s32 $0xFFFFF086  }
0x25: {  	[simem:s6], [sflag:s4] =	dma.local [hbm:s3], $0xF7A  }
0x26: {  	[smem:$0x3FA0] =	sst s1;
	(tag) =	ssettag s2;
	_ =	strace s9  }
0x27: {  	s1 =	sld [smem:$0x3FB0]  }
0x28: {  	s2 =	sld [smem:$0x3FB1]  }
0x29: {  	s4 =	sld [smem:$0x3FB3]  }
0x2a: {  	p0 =	seq.s32 s5, $0x0;
	s5 =	sld [smem:$0x3FB4]  }
0x2b: {  	s6 =	sld [smem:$0x3FB5]  }
0x2c: {  	s7 =	sld [smem:$0x3FB6]  }
0x2d: {  	s3 =	simm.s32 $0x108;
	s8 =	sld [smem:$0x3FB7]  }
0x2e: {  	s3 =	simm.s32 @!p0 $0x1082;
	s9 =	sld [smem:$0x3FB8]  }
0x2f: {  	lr =	sadd.s32 s0, s3;
	s0 =	sld [smem:$0x3FAF]  }
0x30: {  	s3 =	sld [smem:$0x3FB2]  }
0x31: {  	[smem:$0x3FBB] =	sst s10  }
0x32: {  	s10 =	sld [smem:$0x3FB9];
	_ =	sdelay $0x3  }
0x33: {  	p0 =	seq.s32 s10, $0x1;
	s10 =	sld [smem:$0x3FBB];
	_ =	sdelay $0x3  }
0x34: {  	[smem:$0x3FBB] =	sst s10  }
0x35: {  	s10 =	sld [smem:$0x3FBA];
	_ =	sdelay $0x3  }
0x36: {  	p1 =	seq.s32 s10, $0x1;
	s10 =	sld [smem:$0x3FBB];
	_ =	sdelay $0x3  }
0x37: {  	[smem:$0x3FBB] =	sst s10  }
0x38: {  	s10 =	sld [smem:$0x3FBC]  }
0x39: {  	_ = 	snop;
	(pc) =	sbr.ind lr, $3  }
0x3a: {  	_ = 	snop  }
0x3b: {  	_ = 	snop  }
0x3c: {  	p2 =	seq.s32 s10, $0x1;
	s10 =	sld [smem:$0x3FBB]  }
0x3d: {  	_ =	shalt  }
0x3e: {  	_ =	shalt  }
0x3f: {  	_ =	shalt  }
0x40: {  	_ =	shalt  }
0x41: {  	_ =	shalt  }
0x42: {  	_ =	shalt  }
0x43: {  	_ =	shalt  }
0x44: {  	_ =	shalt  }
0x45: {  	_ =	shalt  }
0x46: {  	_ =	shalt  }
0x47: {  	_ =	shalt  }
0x48: {  	_ =	shalt  }
0x49: {  	_ =	shalt  }
0x4a: {  	_ =	shalt  }
0x4b: {  	_ =	shalt  }
0x4c: {  	_ =	shalt  }
0x4d: {  	_ =	shalt  }
0x4e: {  	_ =	shalt  }
0x4f: {  	_ =	shalt  }
0x50: {  	_ =	shalt  }
0x51: {  	_ =	shalt  }
0x52: {  	_ =	shalt  }
0x53: {  	_ =	shalt  }
0x54: {  	_ =	shalt  }
0x55: {  	_ =	shalt  }
0x56: {  	_ =	shalt  }
0x57: {  	_ =	shalt  }
0x58: {  	_ =	shalt  }
0x59: {  	_ =	shalt  }
0x5a: {  	_ =	shalt  }
0x5b: {  	_ =	shalt  }
0x5c: {  	_ =	shalt  }
0x5d: {  	_ =	shalt  }
0x5e: {  	_ =	shalt  }
0x5f: {  	_ =	shalt  }
0x60: {  	_ =	shalt  }
0x61: {  	_ =	shalt  }
0x62: {  	_ =	shalt  }
0x63: {  	_ =	shalt  }
0x64: {  	_ =	shalt  }
0x65: {  	_ =	shalt  }
0x66: {  	_ =	shalt  }
0x67: {  	_ =	shalt  }
0x68: {  	_ =	shalt  }
0x69: {  	_ =	shalt  }
0x6a: {  	_ =	shalt  }
0x6b: {  	_ =	shalt  }
0x6c: {  	_ =	shalt  }
0x6d: {  	_ =	shalt  }
0x6e: {  	_ =	shalt  }
0x6f: {  	_ =	shalt  }
0x70: {  	_ =	shalt  }
0x71: {  	_ =	shalt  }
0x72: {  	_ =	shalt  }
0x73: {  	_ =	shalt  }
0x74: {  	_ =	shalt  }
0x75: {  	_ =	shalt  }
0x76: {  	_ =	shalt  }
0x77: {  	_ =	shalt  }
0x78: {  	_ =	shalt  }
0x79: {  	_ =	shalt  }
0x7a: {  	_ =	shalt  }
0x7b: {  	_ =	shalt  }
0x7c: {  	_ =	shalt  }
0x7d: {  	_ =	shalt  }
0x7e: {  	_ =	shalt  }
0x7f: {  	_ =	shalt  }
0x80: {  	_ =	shalt  }
0x81: {  	_ =	shalt  }
0x82: {  	_ =	shalt  }
0x83: {  	_ =	shalt  }
0x84: {  	_ =	shalt  }
0x85: {  	_ =	shalt  }
0x86: {  	_ =	shalt  }
0x87: {  	_ =	shalt  }
.Lfunc_end0:
.L_simem_size_0:
called_computation_lowered:
.L_overlay_start_0:
0x88: {  	s2 =	sld [smem:$0x3FD9]  }
0x89: {  	s3 =	sld [smem:$0x3FFE];
	_ =	sdelay $0x1  }
0x8a: {  	s1 =	srdreg.scid  }
0x8b: {  	s0 =	sand.u32 $0x1, s1  }
0x8c: {  	s14 =	sshll.u32 s0, $0xA;
	s2 =	sadd.s32 s3, s2  }
0x8d: {  	s2 =	sadd.s32 s2, s14  }
0x8e: {  	[smem:$0x3FC7] =	sst s2  }
0x8f: {  	_ = 	snop  }
0x90: {  	s2 =	sld [smem:$0x3FD0];
	_ =	sdelay $0x2  }
0x91: {  	s15 =	simm.s32 $0xA;
	s4 =	simm.s32 $0x10  }
0x92: {  	[smem:s4], [sflag:s15] =	dma.local [hbm:s2], $0x1  }
0x93: {  	_ =	swait.eq [sflag:s15], $0x1  }
0x94: {  	[sflag:s15] =	ssyncset.done $0x0  }
0x95: {  	[sflag:s15] =	ssyncadd.s32 $0xFFFFFFFF  }
0x96: {  	s16 =	sld [smem:$0x11];
	(tm) =	ssettm $0x1  }
0x97: {  	s17 =	sld [smem:$0x3FFB];
	_ =	sdelay $0x3  }
0x98: {  	_ =	strace s17  }
0x99: {  	s3 =	sld [smem:$0x3FFC];
	_ =	sdelay $0x3  }
0x9a: {  	_ =	strace s3  }
0x9b: {  	s3 =	sld [smem:$0x3FFD];
	_ =	sdelay $0x3  }
0x9c: {  	_ =	strace s3  }
0x9d: {  	_ =	strace $0x8FFFFFFF  }
0x9e: {  	s18 =	sld [smem:$0x3FDB];
	_ =	sdelay $0x1  }
0x9f: {  	s19 =	simm.s32 $_scs_section_size  }
0xa0: {  	s5 =	simm.s32 $_size__tile_overlayer_lowered;
	s6 =	simm.s32 $_tile_overlayer_lowered  }
0xa1: {  	s22 =	simm.s32 $0x1BFF;
	s21 =	sshll.u32 s6, $0x1;
	s3 =	sadd.s32 s19, s18  }
0xa2: {  	s7 =	simm.s32 $0x0;
	s20 =	sshll.u32 s5, $0x1;
	s5 =	sadd.s32 s21, s3  }
0xa3: {  	[timem:s7], [sflag:s22] =	dma.local [hbm:s5], s20  }
0xa4: {  	_ =	swait.ge [sflag:s22], s20  }
0xa5: {  	s4 =	ssub.s32 $0x0, s20;
	[sflag:s22] =	ssyncset.done $0x0  }
0xa6: {  	[sflag:s22] =	ssyncadd.s32 s4;
	_ =	sdelay $0x1  }
0xa7: {  	s23 =	simm.s32 $0x1B8B  }
0xa8: {  	_ =	swait.ge [sflag:s23], $0x1  }
0xa9: {  	[sflag:s23] =	ssyncset.done $0x0  }
0xaa: {  	s25 =	simm.s32 $0x1B8E;
	s24 =	sld [smem:$0x3FFE];
	[sflag:s23] =	ssyncadd.s32 $0xFFFFFFFF  }
0xab: {  	s26 =	simm.s32 $execute0_lowered;
	[smem:$0x3FD2] =	sst s25  }
0xac: {  	s5 =	sshll.u32 s26, $0x1;
	_ =	strace $0x80000046;
	[dreg:$0x1] =	wrdreg $0xFFFFFFFF  }
0xad: {  	s28 =	simm.s32 $_size_execute0_lowered;
	s3 =	sadd.s32 s3, s5;
	[dreg:$0x0] =	wrdreg $0x0  }
0xae: {  	s5 =	sshll.u32 s28, $0x1;
	[dreg:$0x2] =	wrdreg s3  }
0xaf: {  	[dreg:$0x3] =	wrdreg s5  }
0xb0: {  	[dreg:$0x4] =	wrdreg $0xC0  }
0xb1: {  	_ =	task [dreg:s7], $0x5FFFF  }
0xb2: {  	[dreg:$0x1] =	wrdreg $0xFFFFFFFF  }
0xb3: {  	[dreg:$0x0] =	wrdreg $0x60  }
0xb4: {  	[dreg:$0x2] =	wrdreg s16  }
0xb5: {  	[dreg:$0x3] =	wrdreg s24  }
0xb6: {  	[dreg:$0x4] =	wrdreg $0x9  }
0xb7: {  	_ =	task.clear_ibuf [dreg:s7], $0x5FFFF;
	_ =	strace $0x90000046  }
0xb8: {  	s29 =	simm.s32 $0x9;
	_ =	strace $0x80000048  }
0xb9: {  	_ =	swait.ge [sflag:s29], $0x1  }
0xba: {  	[sflag:s29] =	ssyncadd.s32 $0xFFFFFFFF  }
0xbb: {  	_ =	strace $0x90000048  }
0xbc: {  	_ =	sfence  }
0xbd: {  	s30 =	sld [smem:$0x0];
	_ =	sdelay $0x2  }
0xbe: {  	s31 =	sshll.u32 s1, $0xD;
	s1 =	sshrl.u32 s1, $0x2  }
0xbf: {  	s3 =	sand.u32 $0x4000, s31;
	s1 =	sadd.s32 s1, s30  }
0xc0: {  	s0 =	sor.u32 s3, s0;
	s1 =	sshll.u32 s1, $0x11  }
0xc1: {  	s0 =	sor.u32 s1, s0  }
0xc2: {  	s0 =	sadd.s32 $0x8F2B, s0  }
0xc3: {  	[sflag:s0] =	ssyncadd.remote.s32 $0x1  }
0xc4: {  	_ =	sfence.sel $0xFFFF  }
0xc5: {  	[dreg:$0x0] =	wrdreg $0xFFFFFFFF;
	(pc) =	sbr.abs _section_cstart, $3  }
0xc6: {  	[dreg:$0x1] =	wrdreg $0xFFFFFFFF  }
0xc7: {  	_ =	task.clear_ibuf [dreg:s7], $0x2FFFF;
	_ =	strace $0x9FFFFFFF  }
0xc8: {  	(tm) =	ssettm $0x7FFFFFFF  }
0xc9: {  	_ =	shalt  }
tec
execute0_lowered:
.L_overlay_start_1:
0x0: {  	(tag) =	ssettag $0x1  }
0x1: {  	s1 =	stileid.u32  }
0x2: {  	p0 =	sgt.u32 s1, $0x3  }
.Ltmp0:
0x3: {  	_ = 	snop;
	(pc) =	sbr.rel @p0 .LBB2_9-.Ltmp0, $4  }
0x4: {  	_ = 	snop  }
0x5: {  	s8 =	rddreg [dreg:$0x0];
	s2 =	simm.s32 $0x0  }
0x6: {  	[smem:$0x7FF] =	sst s2  }
0x7: {  	s0 =	rddreg [dreg:$0x1];
	_ =	strace $0x80000047  }
0x8: {  	s3 =	srdreg.scid;
	s1 =	stileid.u32  }
0x9: {  	s0 =	sadd.s32 $0x1200, s0;
	s7 =	sand.u32 $0x1, s3;
	s23 =	sshll.u32 s1, $0x1  }
0xa: {  	s14 =	simm.s32 $0x2000;
	s15 =	simm.s32 $0x4000;
	s3 =	sor.u32 s7, s23  }
0xb: {  	s16 =	simm.s32 $0x4400;
	s7 =	ssub.s32 $0x2, s7;
	s4 =	smul.u32 $0x3, s3  }
0xc: {  	s17 =	simm.s32 $0x4800;
	s3 =	smul.u32 $0x180, s3;
	s30 =	sshrl.u32 s7, $0x1  }
0xd: {  	s18 =	simm.s32 $0x0;
	s31 =	ssub.s32 s7, s30;
	s5 =	sadd.s32 $0x1, s4  }
0xe: {  	s10 =	sshrl.u32 s4, $0x3;
	s4 =	sadd.s32 $0x2, s4;
	s11 =	sand.u32 $0x380, s3  }
0xf: {  	s6 =	sshrl.u32 s5, $0x3;
	s5 =	sshll.u32 s5, $0x7;
	s25 =	sshll.u32 s4, $0x7  }
0x10: {  	s12 =	sshrl.u32 s4, $0x3;
	s13 =	sshll.u32 s10, $0xD;
	s10 =	sshll.u32 s10, $0xF  }
0x11: {  	s5 =	sand.u32 $0x380, s5;
	s9 =	sshll.u32 s6, $0xF;
	s4 =	sshll.u32 s12, $0xF  }
0x12: {  	s6 =	sshll.u32 s6, $0xD;
	s13 =	sor.u32 s11, s13;
	s12 =	sshll.u32 s12, $0xD  }
0x13: {  	s10 =	sor.u32 s11, s10;
	s11 =	simm.s32 $0x400;
	s9 =	sor.u32 s5, s9  }
0x14: {  	s5 =	sor.u32 s5, s6;
	s28 =	sshrl.u32 s13, $0x3;
	s10 =	sshrl.u32 s10, $0x3  }
0x15: {  	s13 =	simm.s32 $0x1000;
	s24 =	sshrl.u32 s9, $0x3;
	s9 =	sand.u32 $0x380, s25  }
0x16: {  	s29 =	sshrl.u32 s5, $0x3;
	s5 =	sadd.s32 s0, s28;
	s26 =	sadd.s32 s8, s24  }
0x17: {  	s4 =	sor.u32 s9, s4;
	s6 =	sadd.s32 s0, s29;
	s9 =	sor.u32 s9, s12  }
0x18: {  	s12 =	simm.s32 $0x1;
	s4 =	sshrl.u32 s4, $0x3;
	s9 =	sshrl.u32 s9, $0x3  }
0x19: {  	[dreg:$0x3] =	wrdreg s26;
	s4 =	sadd.s32 s8, s4;
	s7 =	sadd.s32 s0, s9  }
0x1a: {  	v0 =	vimm.f32 $1.000000000e+10;
	v1 =	vimm.s32 $0x0;
	v2 =	vlaneseq.u32;
	s8 =	sadd.s32 s8, s10;
	s9 =	smax.u32 s31, $0x1;
	s10 =	simm.s32 $0x80  }
.LBB2_2:
0x1b: {  	s0 =	simm.s32 $0x0  }
0x1c: {  	[tilespmem:s0], [sflag:$0x1] =	stream.strided.gather [hbm4b:s8+s10], $0x1000, s11, s10, $0x38;
	[tilespmem:$0x4C00] =	vst v63  }
0x1d: {  	_ =	swait.ge [sflag:s12], $0x1000  }
0x1e: {  	[sflag:s12] =	ssyncset.done $0x0  }
0x1f: {  	s31 =	rddreg [dreg:$0x3];
	[sflag:s12] =	ssyncadd.s32 $0xFFFFF000  }
0x20: {  	[tilespmem:s13], [sflag:$0x1] =	stream.strided.gather [hbm4b:s31+s10], $0x1000, s11, s10, $0x38;
	[tilespmem:$0x4C00] =	vst v63  }
0x21: {  	_ =	swait.ge [sflag:s12], $0x1000  }
0x22: {  	[sflag:s12] =	ssyncset.done $0x0  }
0x23: {  	[sflag:s12] =	ssyncadd.s32 $0xFFFFF000  }
0x24: {  	[tilespmem:s14], [sflag:$0x1] =	stream.strided.gather [hbm4b:s4+s10], $0x1000, s11, s10, $0x38;
	[tilespmem:$0x4C00] =	vst v63  }
0x25: {  	_ =	swait.ge [sflag:s12], $0x1000  }
0x26: {  	[sflag:s12] =	ssyncset.done $0x0  }
0x27: {  	s19 =	simm.s32 $0x0;
	s0 =	simm.s32 $0x40;
	[sflag:s12] =	ssyncadd.s32 $0xFFFFF000  }
.LBB2_3:
0x28: {  	p0 =	sne.s32 s0, $0x3FC0;
	[tilespmem:s19+$0x3000] =	vst v0;
	s19 =	smov.u32 s0;
	s0 =	sadd.s32 $0x40, s0  }
.Ltmp1:
0x29: {  	(pc) =	sbr.rel @p0 .LBB2_3-.Ltmp1, $2  }
0x2a: {  	_ =	sdelay $0x2  }
0x2b: {  	s19 =	sshra.s32 s19, $0x2  }
0x2c: {  	[tilespmem:s19+$0x3000] =	vst v0;
	s0 =	simm.s32 $0x0  }
0x2d: {  	v3 =	vld.msk [tilespmem:s0+$0x0], $0xffff;
	_ =	sdelay $0x4  }
0x2e: {  	[tilespmem:v1+s15+$0x0] =	vst.idx.msk $0x1, v3  }
0x2f: {  	v3 =	vld.msk [tilespmem:s13+$0x0], $0xffff;
	_ =	sdelay $0x4  }
0x30: {  	[tilespmem:v1+s16+$0x0] =	vst.idx.msk $0x1, v3  }
0x31: {  	v3 =	vld.msk [tilespmem:s14+$0x0], $0xffff;
	_ =	sdelay $0x4  }
0x32: {  	s19 =	simm.s32 $0x1;
	[tilespmem:v1+s17+$0x0] =	vst.idx.msk $0x1, v3  }
.LBB2_5:
0x33: {  	v5 =	vmov s0;
	_ =	sdelay $0x1  }
0x34: {  	s24 =	simm.s32 $0x40  }
0x35: {  	s28 =	simm.s32 $0x1040;
	v6 =	vld [tilespmem:s24+$0xFFFFFFC0]  }
0x36: {  	v7 =	vld [tilespmem:s28+$0xFFFFFFC0]  }
0x37: {  	v3 =	vld.idx.msk [tilespmem:v5+s2+$0x0], $0xffff  }
0x38: {  	s30 =	simm.s32 $0x2040;
	v4 =	vld.idx.msk [tilespmem:v5+s13+$0x0], $0xffff  }
0x39: {  	v8 =	vld [tilespmem:s30+$0xFFFFFFC0]  }
0x3a: {  	v5 =	vld.idx.msk [tilespmem:v5+s14+$0x0], $0xffff;
	_ =	sdelay $0x2  }
0x3b: {  	v6 =	vsub.f32 v6, v3;
	v7 =	vsub.f32 v7, v4;
	_ =	sdelay $0x1  }
0x3c: {  	s20 =	simm.s32 $0x3040;
	v8 =	vsub.f32 v8, v5;
	v6 =	vmul.f32 v6, v6;
	v7 =	vmul.f32 v7, v7  }
0x3d: {  	v9 =	vld [tilespmem:s20+$0xFFFFFFC0]  }
0x3e: {  	v8 =	vmul.f32 v8, v8;
	v6 =	vadd.f32 v7, v6;
	_ =	sdelay $0x1  }
0x3f: {  	v6 =	vadd.f32 v8, v6;
	_ =	sdelay $0x1  }
0x40: {  	v6 =	vmin.f32 v9, v6  }
0x41: {  	[tilespmem:s20+$0xFFFFFFC0] =	vst v6  }
0x42: {  	v7 =	vld [tilespmem:s24+$0xFFFFFFD0]  }
0x43: {  	v8 =	vld [tilespmem:s28+$0xFFFFFFD0];
	_ =	sdelay $0x1  }
0x44: {  	v9 =	vld [tilespmem:s30+$0xFFFFFFD0];
	_ =	sdelay $0x2  }
0x45: {  	v7 =	vsub.f32 v7, v3;
	v8 =	vsub.f32 v8, v4;
	_ =	sdelay $0x1  }
0x46: {  	v9 =	vsub.f32 v9, v5;
	v7 =	vmul.f32 v7, v7;
	v8 =	vmul.f32 v8, v8  }
0x47: {  	v10 =	vld [tilespmem:s20+$0xFFFFFFD0]  }
0x48: {  	v7 =	vadd.f32 v8, v7;
	v8 =	vmul.f32 v9, v9;
	_ =	sdelay $0x1  }
0x49: {  	v7 =	vadd.f32 v8, v7;
	_ =	sdelay $0x1  }
0x4a: {  	v7 =	vmin.f32 v10, v7  }
0x4b: {  	[tilespmem:s20+$0xFFFFFFD0] =	vst v7  }
0x4c: {  	v8 =	vld [tilespmem:s24+$0xFFFFFFE0]  }
0x4d: {  	v9 =	vld [tilespmem:s28+$0xFFFFFFE0];
	_ =	sdelay $0x1  }
0x4e: {  	v10 =	vld [tilespmem:s30+$0xFFFFFFE0];
	_ =	sdelay $0x2  }
0x4f: {  	v8 =	vsub.f32 v8, v3;
	v9 =	vsub.f32 v9, v4;
	_ =	sdelay $0x1  }
0x50: {  	v10 =	vsub.f32 v10, v5;
	v8 =	vmul.f32 v8, v8;
	v9 =	vmul.f32 v9, v9  }
0x51: {  	v11 =	vld [tilespmem:s20+$0xFFFFFFE0]  }
0x52: {  	v8 =	vadd.f32 v9, v8;
	v9 =	vmul.f32 v10, v10;
	_ =	sdelay $0x1  }
0x53: {  	v8 =	vadd.f32 v9, v8;
	_ =	sdelay $0x1  }
0x54: {  	v8 =	vmin.f32 v11, v8  }
0x55: {  	[tilespmem:s20+$0xFFFFFFE0] =	vst v8  }
0x56: {  	v9 =	vld [tilespmem:s24+$0xFFFFFFF0]  }
0x57: {  	v10 =	vld [tilespmem:s28+$0xFFFFFFF0];
	_ =	sdelay $0x1  }
0x58: {  	v11 =	vld [tilespmem:s30+$0xFFFFFFF0];
	_ =	sdelay $0x2  }
0x59: {  	v9 =	vsub.f32 v9, v3;
	v10 =	vsub.f32 v10, v4;
	_ =	sdelay $0x1  }
0x5a: {  	v11 =	vsub.f32 v11, v5;
	v9 =	vmul.f32 v9, v9;
	v10 =	vmul.f32 v10, v10  }
0x5b: {  	v12 =	vld [tilespmem:s20+$0xFFFFFFF0]  }
0x5c: {  	v9 =	vadd.f32 v10, v9;
	v10 =	vmul.f32 v11, v11;
	_ =	sdelay $0x1  }
0x5d: {  	v9 =	vadd.f32 v10, v9;
	_ =	sdelay $0x1  }
0x5e: {  	v9 =	vmin.f32 v12, v9  }
0x5f: {  	[tilespmem:s20+$0xFFFFFFF0] =	vst v9  }
0x60: {  	v10 =	vld [tilespmem:s24+$0x0]  }
0x61: {  	v11 =	vld [tilespmem:s28+$0x0];
	_ =	sdelay $0x1  }
0x62: {  	v54 =	vld [tilespmem:s30+$0x0];
	_ =	sdelay $0x2  }
0x63: {  	v10 =	vsub.f32 v10, v3;
	v11 =	vsub.f32 v11, v4;
	_ =	sdelay $0x1  }
0x64: {  	v12 =	vsub.f32 v54, v5;
	v10 =	vmul.f32 v10, v10;
	v11 =	vmul.f32 v11, v11  }
0x65: {  	v13 =	vld [tilespmem:s20+$0x0]  }
0x66: {  	v10 =	vadd.f32 v11, v10;
	v11 =	vmul.f32 v12, v12;
	_ =	sdelay $0x1  }
0x67: {  	v10 =	vadd.f32 v11, v10;
	_ =	sdelay $0x1  }
0x68: {  	v10 =	vmin.f32 v13, v10  }
0x69: {  	[tilespmem:s20+$0x0] =	vst v10  }
0x6a: {  	v11 =	vld [tilespmem:s24+$0x10]  }
0x6b: {  	v55 =	vld [tilespmem:s28+$0x10];
	_ =	sdelay $0x1  }
0x6c: {  	v56 =	vld [tilespmem:s30+$0x10];
	_ =	sdelay $0x2  }
0x6d: {  	v11 =	vsub.f32 v11, v3;
	v12 =	vsub.f32 v55, v4;
	_ =	sdelay $0x1  }
0x6e: {  	v13 =	vsub.f32 v56, v5;
	v11 =	vmul.f32 v11, v11;
	v12 =	vmul.f32 v12, v12  }
0x6f: {  	v14 =	vld [tilespmem:s20+$0x10]  }
0x70: {  	v57 =	vmul.f32 v13, v13;
	v11 =	vadd.f32 v12, v11;
	_ =	sdelay $0x1  }
0x71: {  	v11 =	vadd.f32 v57, v11;
	_ =	sdelay $0x1  }
0x72: {  	v11 =	vmin.f32 v14, v11  }
0x73: {  	[tilespmem:s20+$0x10] =	vst v11  }
0x74: {  	v58 =	vld [tilespmem:s24+$0x20]  }
0x75: {  	v59 =	vld [tilespmem:s28+$0x20];
	_ =	sdelay $0x1  }
0x76: {  	v60 =	vld [tilespmem:s30+$0x20]  }
0x77: {  	v15 =	vimm.f32 $-1.000000000e+00  }
0x78: {  	vm5 =	vgt.f32 v6, v15  }
0x79: {  	v6 =	vsel vm5, v6, v15;
	v12 =	vsub.f32 v58, v3;
	v13 =	vsub.f32 v59, v4  }
0x7a: {  	vm0 =	vgt.f32 v7, v6  }
0x7b: {  	v14 =	vsub.f32 v60, v5;
	v12 =	vmul.f32 v12, v12;
	v13 =	vmul.f32 v13, v13  }
0x7c: {  	v6 =	vsel vm0, v7, v6;
	v7 =	vld [tilespmem:s20+$0x20]  }
0x7d: {  	v61 =	vmul.f32 v14, v14;
	v12 =	vadd.f32 v13, v12  }
0x7e: {  	vm1 =	vgt.f32 v8, v6  }
0x7f: {  	v6 =	vsel vm1, v8, v6;
	v8 =	vadd.f32 v61, v12  }
0x80: {  	vm2 =	vgt.f32 v9, v6  }
0x81: {  	v6 =	vsel vm2, v9, v6;
	v7 =	vmin.f32 v7, v8  }
0x82: {  	vm3 =	vgt.f32 v10, v6;
	[tilespmem:s20+$0x20] =	vst v7  }
0x83: {  	s21 =	simm.s32 $0x70;
	s26 =	simm.s32 $0x0;
	s23 =	simm.s32 $0x30;
	v6 =	vsel vm3, v10, v6;
	v9 =	vld [tilespmem:s24+$0x30]  }
0x84: {  	s25 =	simm.s32 $0x40;
	s22 =	simm.s32 $0x50;
	s3 =	simm.s32 $0x0;
	vm4 =	vgt.f32 v11, v6;
	v10 =	vld [tilespmem:s28+$0x30]  }
0x85: {  	v62 =	vimm.s32 $0x0;
	s29 =	simm.s32 $0x30C0;
	s0 =	simm.s32 $0x10;
	s31 =	simm.s32 $0x10C0;
	v63 =	vor.u32 s3, v2;
	v8 =	vsel vm4, v11, v6;
	v11 =	vld [tilespmem:s30+$0x30]  }
0x86: {  	v6 =	vsel vm5, v63, v62;
	vm5 =	vgt.f32 v7, v8;
	s24 =	simm.s32 $0x60;
	s28 =	simm.s32 $0x20C0;
	s30 =	simm.s32 $0xC0  }
.LBB2_6:
0x87: {  	s26 =	sadd.s32 $0x8, s26;
	v12 =	vor.u32 s0, v2;
	s0 =	sadd.s32 $0xFFFFFFB0, s21;
	v13 =	vor.u32 s25, v2;
	v14 =	vor.u32 s21, v2;
	s21 =	sadd.s32 $0x80, s21  }
0x88: {  	s1 =	sadd.s32 $0xFFFFFFC0, s21;
	s25 =	sadd.s32 $0xFFFFFFD0, s21;
	p0 =	slt.u32 s26, $0xF8;
	v6 =	vsel vm0, v12, v6;
	v12 =	vor.u32 s0, v2;
	v9 =	vsub.f32 v9, v3  }
0x89: {  	s0 =	sadd.s32 $0xFFFFFFE0, s21;
	s3 =	sadd.s32 $0xFFFFFFF0, s21;
	v6 =	vsel vm1, v12, v6;
	v12 =	vor.u32 s23, v2;
	v10 =	vsub.f32 v10, v4;
	v15 =	vld [tilespmem:s20+$0x30];
	s23 =	smov.u32 s1  }
0x8a: {  	v6 =	vsel vm2, v12, v6;
	v11 =	vsub.f32 v11, v5;
	v9 =	vmul.f32 v9, v9  }
0x8b: {  	v12 =	vor.u32 s22, v2;
	s22 =	smov.u32 s0;
	v6 =	vsel vm3, v13, v6;
	v10 =	vmul.f32 v10, v10  }
0x8c: {  	v6 =	vsel vm4, v12, v6;
	v12 =	vor.u32 s24, v2;
	v11 =	vmul.f32 v11, v11;
	s24 =	smov.u32 s3  }
0x8d: {  	v7 =	vsel vm5, v7, v8;
	v6 =	vsel vm5, v12, v6;
	v8 =	vadd.f32 v10, v9;
	_ =	sdelay $0x1  }
0x8e: {  	v8 =	vadd.f32 v11, v8;
	_ =	sdelay $0x1  }
0x8f: {  	v8 =	vmin.f32 v15, v8  }
0x90: {  	[tilespmem:s20+$0x30] =	vst v8;
	vm0 =	vgt.f32 v8, v7;
	s20 =	smov.u32 s29  }
0x91: {  	v9 =	vld [tilespmem:s30+$0xFFFFFFC0];
	v7 =	vsel vm0, v8, v7;
	v6 =	vsel vm0, v14, v6  }
0x92: {  	v8 =	vld [tilespmem:s31+$0xFFFFFFC0]  }
0x93: {  	v10 =	vld [tilespmem:s28+$0xFFFFFFC0];
	_ =	sdelay $0x3  }
0x94: {  	v9 =	vsub.f32 v9, v3;
	v8 =	vsub.f32 v8, v4  }
0x95: {  	v10 =	vsub.f32 v10, v5  }
0x96: {  	v9 =	vmul.f32 v9, v9;
	v8 =	vmul.f32 v8, v8  }
0x97: {  	v10 =	vmul.f32 v10, v10;
	v11 =	vld [tilespmem:s29+$0xFFFFFFC0]  }
0x98: {  	v8 =	vadd.f32 v8, v9;
	_ =	sdelay $0x1  }
0x99: {  	v8 =	vadd.f32 v10, v8;
	_ =	sdelay $0x1  }
0x9a: {  	v8 =	vmin.f32 v11, v8  }
0x9b: {  	[tilespmem:s29+$0xFFFFFFC0] =	vst v8  }
0x9c: {  	v9 =	vld [tilespmem:s30+$0xFFFFFFD0]  }
0x9d: {  	v10 =	vld [tilespmem:s31+$0xFFFFFFD0];
	_ =	sdelay $0x1  }
0x9e: {  	v11 =	vld [tilespmem:s28+$0xFFFFFFD0];
	_ =	sdelay $0x1  }
0x9f: {  	v9 =	vsub.f32 v9, v3  }
0xa0: {  	v10 =	vsub.f32 v10, v4;
	_ =	sdelay $0x1  }
0xa1: {  	v9 =	vmul.f32 v9, v9;
	v11 =	vsub.f32 v11, v5;
	v10 =	vmul.f32 v10, v10  }
0xa2: {  	v12 =	vld [tilespmem:s29+$0xFFFFFFD0]  }
0xa3: {  	v9 =	vadd.f32 v10, v9;
	v10 =	vmul.f32 v11, v11;
	_ =	sdelay $0x1  }
0xa4: {  	s0 =	sadd.s32 $0xFFFFFF90, s21;
	v9 =	vadd.f32 v10, v9  }
0xa5: {  	vm0 =	vgt.f32 v8, v7;
	v10 =	vor.u32 s0, v2  }
0xa6: {  	v7 =	vsel vm0, v8, v7;
	v6 =	vsel vm0, v10, v6;
	v8 =	vmin.f32 v12, v9  }
0xa7: {  	[tilespmem:s29+$0xFFFFFFD0] =	vst v8;
	vm0 =	vgt.f32 v8, v7  }
0xa8: {  	v7 =	vsel vm0, v8, v7;
	v8 =	vld [tilespmem:s30+$0xFFFFFFE0]  }
0xa9: {  	v9 =	vld [tilespmem:s31+$0xFFFFFFE0];
	_ =	sdelay $0x1  }
0xaa: {  	v10 =	vld [tilespmem:s28+$0xFFFFFFE0];
	_ =	sdelay $0x1  }
0xab: {  	v8 =	vsub.f32 v8, v3  }
0xac: {  	v9 =	vsub.f32 v9, v4  }
0xad: {  	v8 =	vmul.f32 v8, v8  }
0xae: {  	v10 =	vsub.f32 v10, v5;
	v9 =	vmul.f32 v9, v9  }
0xaf: {  	v11 =	vld [tilespmem:s29+$0xFFFFFFE0]  }
0xb0: {  	v8 =	vadd.f32 v9, v8;
	v9 =	vmul.f32 v10, v10;
	_ =	sdelay $0x1  }
0xb1: {  	v8 =	vadd.f32 v9, v8;
	_ =	sdelay $0x1  }
0xb2: {  	v8 =	vmin.f32 v11, v8  }
0xb3: {  	[tilespmem:s29+$0xFFFFFFE0] =	vst v8;
	vm1 =	vgt.f32 v8, v7  }
0xb4: {  	v7 =	vsel vm1, v8, v7;
	v8 =	vld [tilespmem:s30+$0xFFFFFFF0]  }
0xb5: {  	v9 =	vld [tilespmem:s31+$0xFFFFFFF0];
	_ =	sdelay $0x1  }
0xb6: {  	v10 =	vld [tilespmem:s28+$0xFFFFFFF0];
	_ =	sdelay $0x1  }
0xb7: {  	v8 =	vsub.f32 v8, v3  }
0xb8: {  	v9 =	vsub.f32 v9, v4  }
0xb9: {  	v8 =	vmul.f32 v8, v8  }
0xba: {  	v10 =	vsub.f32 v10, v5;
	v9 =	vmul.f32 v9, v9  }
0xbb: {  	v11 =	vld [tilespmem:s29+$0xFFFFFFF0]  }
0xbc: {  	v8 =	vadd.f32 v9, v8;
	v9 =	vmul.f32 v10, v10;
	_ =	sdelay $0x1  }
0xbd: {  	v8 =	vadd.f32 v9, v8;
	_ =	sdelay $0x1  }
0xbe: {  	v8 =	vmin.f32 v11, v8  }
0xbf: {  	[tilespmem:s29+$0xFFFFFFF0] =	vst v8;
	vm2 =	vgt.f32 v8, v7  }
0xc0: {  	v7 =	vsel vm2, v8, v7;
	v8 =	vld [tilespmem:s30+$0x0]  }
0xc1: {  	v9 =	vld [tilespmem:s31+$0x0]  }
0xc2: {  	v10 =	vld [tilespmem:s28+$0x0];
	_ =	sdelay $0x2  }
0xc3: {  	v8 =	vsub.f32 v8, v3  }
0xc4: {  	v9 =	vsub.f32 v9, v4  }
0xc5: {  	v10 =	vsub.f32 v10, v5  }
0xc6: {  	v8 =	vmul.f32 v8, v8;
	v9 =	vmul.f32 v9, v9  }
0xc7: {  	v11 =	vld [tilespmem:s29+$0x0]  }
0xc8: {  	v8 =	vadd.f32 v9, v8;
	v9 =	vmul.f32 v10, v10;
	_ =	sdelay $0x1  }
0xc9: {  	v8 =	vadd.f32 v9, v8;
	_ =	sdelay $0x1  }
0xca: {  	v8 =	vmin.f32 v11, v8  }
0xcb: {  	[tilespmem:s29+$0x0] =	vst v8;
	vm3 =	vgt.f32 v8, v7  }
0xcc: {  	v9 =	vld [tilespmem:s30+$0x10]  }
0xcd: {  	v10 =	vld [tilespmem:s31+$0x10]  }
0xce: {  	v11 =	vld [tilespmem:s28+$0x10];
	_ =	sdelay $0x2  }
0xcf: {  	v9 =	vsub.f32 v9, v3  }
0xd0: {  	v10 =	vsub.f32 v10, v4  }
0xd1: {  	v11 =	vsub.f32 v11, v5;
	v9 =	vmul.f32 v9, v9  }
0xd2: {  	v10 =	vmul.f32 v10, v10  }
0xd3: {  	v12 =	vld [tilespmem:s29+$0x10]  }
0xd4: {  	v9 =	vadd.f32 v10, v9;
	v10 =	vmul.f32 v11, v11;
	_ =	sdelay $0x1  }
0xd5: {  	v9 =	vadd.f32 v10, v9;
	_ =	sdelay $0x1  }
0xd6: {  	v7 =	vsel vm3, v8, v7;
	v8 =	vmin.f32 v12, v9  }
0xd7: {  	[tilespmem:s29+$0x10] =	vst v8;
	vm4 =	vgt.f32 v8, v7  }
0xd8: {  	v9 =	vld [tilespmem:s30+$0x20]  }
0xd9: {  	v10 =	vld [tilespmem:s31+$0x20]  }
0xda: {  	v11 =	vld [tilespmem:s28+$0x20];
	_ =	sdelay $0x2  }
0xdb: {  	v9 =	vsub.f32 v9, v3  }
0xdc: {  	v10 =	vsub.f32 v10, v4  }
0xdd: {  	v11 =	vsub.f32 v11, v5  }
0xde: {  	v9 =	vmul.f32 v9, v9;
	v10 =	vmul.f32 v10, v10  }
0xdf: {  	v12 =	vld [tilespmem:s29+$0x20]  }
0xe0: {  	v9 =	vadd.f32 v10, v9;
	v10 =	vmul.f32 v11, v11;
	_ =	sdelay $0x1  }
0xe1: {  	v9 =	vadd.f32 v10, v9;
	_ =	sdelay $0x1  }
0xe2: {  	v8 =	vsel vm4, v8, v7;
	v7 =	vmin.f32 v12, v9  }
.Ltmp2:
0xe3: {  	[tilespmem:s29+$0x20] =	vst v7;
	vm5 =	vgt.f32 v7, v8;
	(pc) =	sbr.rel @p0 .LBB2_6-.Ltmp2, $4  }
0xe4: {  	v9 =	vld [tilespmem:s30+$0x30]  }
0xe5: {  	v10 =	vld [tilespmem:s31+$0x30]  }
0xe6: {  	s29 =	sadd.s32 $0x80, s29;
	v11 =	vld [tilespmem:s28+$0x30];
	s28 =	sadd.s32 $0x80, s28  }
0xe7: {  	s0 =	sadd.s32 $0xFFFFFFA0, s21;
	s30 =	sadd.s32 $0x80, s30;
	s31 =	sadd.s32 $0x80, s31  }
0xe8: {  	_ =	sdelay $0x1  }
0xe9: {  	v3 =	vsub.f32 v9, v3;
	v4 =	vsub.f32 v10, v4;
	_ =	sdelay $0x1  }
0xea: {  	v5 =	vsub.f32 v11, v5;
	v3 =	vmul.f32 v3, v3;
	v4 =	vmul.f32 v4, v4  }
0xeb: {  	v50 =	vld [tilespmem:s20+$0x30]  }
0xec: {  	v5 =	vmul.f32 v5, v5;
	v3 =	vadd.f32 v4, v3;
	_ =	sdelay $0x1  }
0xed: {  	v3 =	vadd.f32 v5, v3;
	_ =	sdelay $0x1  }
0xee: {  	v51 =	vsel vm5, v7, v8;
	v3 =	vmin.f32 v50, v3  }
0xef: {  	vm6 =	vgt.f32 v3, v51  }
0xf0: {  	v4 =	vsel vm6, v3, v51  }
0xf1: {  	(xrf0) =	vmax.scan.msk.f32 $0xffff, v4  }
0xf2: {  	v52 =	vor.u32 s0, v2;
	s30 =	sadd.s32 $0xFFFFFFB0, s21  }
0xf3: {  	v53 =	vor.u32 s30, v2;
	v5 =	vsel vm0, v52, v6  }
0xf4: {  	v54 =	vor.u32 s23, v2;
	v5 =	vsel vm1, v53, v5  }
0xf5: {  	v55 =	vor.u32 s25, v2;
	v5 =	vsel vm2, v54, v5  }
0xf6: {  	v56 =	vor.u32 s22, v2;
	v5 =	vsel vm3, v55, v5  }
0xf7: {  	v57 =	vor.u32 s24, v2;
	v5 =	vsel vm4, v56, v5;
	v58, _, _ =	vpop (xrf0)  }
0xf8: {  	v59 =	vor.u32 s21, v2;
	v5 =	vsel vm5, v57, v5;
	v60 =	vbroadcast v58, $0xF  }
0xf9: {  	v5 =	vsel vm6, v59, v5  }
0xfa: {  	v61 =	vxor.u32 $0x80000000, v5;
	vm15 =	veq.f32 v4, v60  }
0xfb: {  	v4 =	vnsel vm15, $0x80001000, v61  }
0xfc: {  	(xrf0) =	vmin.scan.msk.u32 $0xffff, v4;
	_ =	sdelay $0x5  }
0xfd: {  	v4, _, _ =	vpop (xrf0)  }
0xfe: {  	(v2sf) =	vpush v4, $0xF;
	_ =	sdelay $0xe  }
0xff: {  	s31 =	spop (v2sf)  }
0x100: {  	s0 =	sxor.u32 $0x80000000, s31  }
0x101: {  	v62 =	vmov s0;
	_ =	sdelay $0x3  }
0x102: {  	[tilespmem:s20+$0x30] =	vst v3  }
0x103: {  	v3 =	vmov s19;
	v63 =	vld.idx.msk [tilespmem:v62+s2+$0x0], $0xffff;
	_ =	sdelay $0x4  }
0x104: {  	[tilespmem:v3+s15+$0x0] =	vst.idx.msk $0x1, v63  }
0x105: {  	v5 =	vld.idx.msk [tilespmem:v62+s13+$0x0], $0xffff;
	_ =	sdelay $0x4  }
0x106: {  	s19 =	sadd.s32 $0x1, s19;
	[tilespmem:v3+s16+$0x0] =	vst.idx.msk $0x1, v5  }
0x107: {  	p0 =	sne.s32 s19, $0x400;
	v4 =	vld.idx.msk [tilespmem:v62+s14+$0x0], $0xffff  }
.Ltmp3:
0x108: {  	_ = 	snop;
	(pc) =	sbr.rel @p0 .LBB2_5-.Ltmp3, $2  }
0x109: {  	_ =	sdelay $0x2  }
0x10a: {  	[tilespmem:v3+s17+$0x0] =	vst.idx.msk $0x1, v4  }
0x10b: {  	[hbm4b:s5+s10] =	stream.strided.scatter [tilespmem:s15], [sflag:$0x1], $0x400, s11, s10, $0x38;
	[tilespmem:$0x4C00] =	vst v63  }
0x10c: {  	_ =	swait.ge [sflag:s12], $0x400  }
0x10d: {  	[sflag:s12] =	ssyncset.done $0x0  }
0x10e: {  	[sflag:s12] =	ssyncadd.s32 $0xFFFFFC00  }
0x10f: {  	[hbm4b:s6+s10] =	stream.strided.scatter [tilespmem:s16], [sflag:$0x1], $0x400, s11, s10, $0x38;
	[tilespmem:$0x4C00] =	vst v63  }
0x110: {  	s18 =	sadd.s32 $0x1, s18;
	_ =	swait.ge [sflag:s12], $0x400  }
0x111: {  	p0 =	sne.s32 s18, s9;
	[sflag:s12] =	ssyncset.done $0x0  }
.Ltmp4:
0x112: {  	[sflag:s12] =	ssyncadd.s32 $0xFFFFFC00;
	(pc) =	sbr.rel @p0 .LBB2_2-.Ltmp4, $4  }
0x113: {  	[hbm4b:s7+s10] =	stream.strided.scatter [tilespmem:s17], [sflag:$0x1], $0x400, s11, s10, $0x38;
	[tilespmem:$0x4C00] =	vst v63  }
0x114: {  	_ =	swait.ge [sflag:s12], $0x400  }
0x115: {  	[sflag:s12] =	ssyncset.done $0x0  }
0x116: {  	[sflag:s12] =	ssyncadd.s32 $0xFFFFFC00  }
.LBB2_9:
0x117: {  	_ =	sfence.sel $0x180000  }
0x118: {  	[bflag:$0x0] =	sbarrier.arrive $0xFFFF  }
0x119: {  	_ =	strace $0x90000047  }
0x11a: {  	s0 =	stileid.u32;
	[bflag:$0x2] =	sbarrier.arrive $0xFFFF  }
0x11b: {  	p0 =	sne.s32 s0, $0x0;
	s0 =	rddreg [dreg:$0x2]  }
0x11c: {  	s0 =	sadd.s32 @!p0 $0x100000, s0  }
0x11d: {  	[sflag:s0] =	ssyncadd.tile.s32 @!p0 $0x1;
	_ =	shalt  }
.Lfunc_end2:
_tile_overlayer_lowered:
.L_overlay_start_2:
0x11e: {  	(tag) =	ssettag $0x2  }
0x11f: {  	s0 =	rddreg [dreg:$0x0];
	s2 =	stileid.u32  }
0x120: {  	s1 =	rddreg [dreg:$0x1];
	p0 =	sne.s32 s2, $0x0  }
0x121: {  	s3 =	rddreg [dreg:$0x2];
	[bflag:$0x3] =	sbarrier.arrive $0xFFFF;
	s2 =	simm.s32 @!p0 $0x1C01  }
0x122: {  	[timem:s3], [sflag:s2] =	dma.local @!p0 [hbm:s0], s1  }
0x123: {  	s0 =	simm.s32 @!p0 $0x1  }
0x124: {  	_ =	swait.ge @!p0 [sflag:s0], s1  }
0x125: {  	s1 =	ssub.s32 @!p0 $0x0, s1;
	[sflag:s0] =	ssyncset.done @!p0 $0x0  }
0x126: {  	[sflag:s0] =	ssyncadd.s32 @!p0 s1  }
0x127: {  	[bflag:$0x3] =	sbarrier.arrive $0xFFFF  }
0x128: {  	_ =	shalt  }

</sc_bundles>
